<compile_context>
chip_gen: v7x
topology: tpu7x:2x2x1
jax: 0.10.2.dev20260603
libtpu: 0.0.44.dev20260713+nightly
codegen_flags: <defaults>
</compile_context>

<pallas_src>
import functools

import jax
import jax.numpy as jnp
from jax import lax
from jax.experimental import pallas as pl
from jax.experimental.pallas import tpu as pltpu
from jax.experimental.pallas import tpu_sc as plsc

N = 10000
E = 320000
D = 128

NC = 2
NS = 16
NW = NC * NS

CW = 100
EPT = E // NW
CPT = EPT // CW
SB = 5
CPS = CPT // SB
RPT = N // NS
ZW = 80


def _make_scatter():
    mesh = plsc.VectorSubcoreMesh(
        core_axis_name="c", subcore_axis_name="s", num_cores=NC, num_subcores=NS
    )

    @functools.partial(
        pl.kernel,
        out_type=jax.ShapeDtypeStruct((NC, N, D), jnp.float32),
        mesh=mesh,
        scratch_types=[
            pltpu.VMEM((CPS, CW), jnp.int32),
            pltpu.VMEM((CPS, CW), jnp.int32),
            pltpu.VMEM((CW, D), jnp.float32),
            pltpu.VMEM((CW, D), jnp.float32),
            pltpu.VMEM((CW, D), jnp.float32),
            pltpu.VMEM_SHARED((N, D), jnp.float32),
            pltpu.SemaphoreType.DMA,
            pltpu.SemaphoreType.DMA,
            pltpu.SemaphoreType.DMA,
            pltpu.SemaphoreType.DMA,
            pltpu.SemaphoreType.DMA,
            pltpu.SemaphoreType.DMA,
        ],
    )
    def scatter_k(h_hbm, src_hbm, dst_hbm, out_hbm, sidx, didx, rows0, rows1,
                  rows2, acc, g0, g1, g2, s0, s1, s2):
        rows = rows0
        bufs = (rows0, rows1, rows2)
        gsems = (g0, g1, g2)
        ssems = (s0, s1, s2)
        cid = lax.axis_index("c")
        sid = lax.axis_index("s")
        wid = cid * NS + sid

        def zbody(k, carry):
            rows[k // 8, pl.ds((k % 8) * 16, 16)] = jnp.zeros((16,), jnp.float32)
            return carry

        lax.fori_loop(0, ZW * 8, zbody, 0)
        nblk = jnp.where(sid < NS - 1, 8, 5)
        base = sid * 8 * ZW

        def zsbody(t, carry):
            off = pl.multiple_of(base + t * ZW, ZW)
            pltpu.sync_copy(rows.at[pl.ds(0, ZW)], acc.at[pl.ds(off, ZW)])
            return carry

        lax.fori_loop(0, nblk, zsbody, 0)
        plsc.subcore_barrier()

        def gwait(b, sem):
            pltpu.make_async_copy(h_hbm.at[sidx.at[0]], b, sem).wait()

        def swait(b, sem):
            pltpu.make_async_copy(b, acc.at[pl.ds(0, CW)], sem).wait()

        def sblock(sb, carry):
            pltpu.sync_copy(src_hbm.at[wid, sb], sidx)
            pltpu.sync_copy(dst_hbm.at[wid, sb], didx)

            def block(c, gat):
                b = c % 3
                if c >= 1:
                    swait(bufs[(c - 1) % 3], ssems[(c - 1) % 3])
                if gat is not None:
                    gb = gat % 3
                    pltpu.async_copy(h_hbm.at[sidx.at[gat]], bufs[gb], gsems[gb])
                gwait(bufs[b], gsems[b])
                pltpu.async_copy(bufs[b], acc.at[didx.at[c]], ssems[b], add=True)

            pltpu.async_copy(h_hbm.at[sidx.at[0]], bufs[0], gsems[0])
            pltpu.async_copy(h_hbm.at[sidx.at[1]], bufs[1], gsems[1])
            block(0, 2)

            def tbody(t, carry2):
                c = 3 * t
                b0 = ssems[2]
                swait(bufs[2], b0)
                pltpu.async_copy(h_hbm.at[sidx.at[c + 2]], bufs[2], gsems[2])
                gwait(bufs[0], gsems[0])
                pltpu.async_copy(bufs[0], acc.at[didx.at[c]], ssems[0], add=True)

                swait(bufs[0], ssems[0])
                pltpu.async_copy(h_hbm.at[sidx.at[c + 3]], bufs[0], gsems[0])
                gwait(bufs[1], gsems[1])
                pltpu.async_copy(bufs[1], acc.at[didx.at[c + 1]], ssems[1], add=True)

                swait(bufs[1], ssems[1])
                pltpu.async_copy(h_hbm.at[sidx.at[c + 4]], bufs[1], gsems[1])
                gwait(bufs[2], gsems[2])
                pltpu.async_copy(bufs[2], acc.at[didx.at[c + 2]], ssems[2], add=True)
                return carry2

            block(1, 3)
            block(2, 4)
            lax.fori_loop(1, (CPS - 2) // 3, tbody, 0)
            block(CPS - 2, None)
            block(CPS - 1, None)
            swait(bufs[(CPS - 1) % 3], ssems[(CPS - 1) % 3])
            return carry

        lax.fori_loop(0, SB, sblock, 0)
        plsc.subcore_barrier()

        def wbody(t, carry):
            off = pl.multiple_of(base + t * ZW, ZW)
            pltpu.sync_copy(acc.at[pl.ds(off, ZW)], out_hbm.at[cid, pl.ds(off, ZW)])
            return carry

        lax.fori_loop(0, nblk, wbody, 0)

    return scatter_k


_scatter_cache = []


def _scatter(h, src3, dst3):
    if not _scatter_cache:
        _scatter_cache.append(_make_scatter())
    return _scatter_cache[0](h, src3, dst3)


def _matT(a, w):
    return lax.dot_general(
        a, w, (((1,), (1,)), ((), ())), preferred_element_type=jnp.float32
    )


def _bn_relu(y, g, b):
    m = jnp.mean(y, axis=0, keepdims=True)
    v = jnp.mean((y - m) ** 2, axis=0, keepdims=True)
    return jnp.maximum(g * (y - m) / jnp.sqrt(v + 1e-5) + b, 0.0)


def _proj0_body(x_ref, p0_ref, pb_ref, o_ref):
    o_ref[...] = _matT(x_ref[...], p0_ref[...]) + pb_ref[...]


def _proj1_body(h1_ref, p1_ref, sp0_ref, o_ref):
    o_ref[...] = sp0_ref[...] + _matT(h1_ref[...], p1_ref[...])


def _mlp0_body(eps_ref, acc_ref, x_ref, w1_ref, b1_ref, g1_ref, be1_ref,
               w2_ref, b2_ref, bg_ref, bb_ref, h1_ref):
    pooled = acc_ref[0] + acc_ref[1] + (1.0 + eps_ref[0]) * x_ref[...]
    y = _matT(pooled, w1_ref[...]) + b1_ref[...]
    h = _bn_relu(y, g1_ref[...], be1_ref[...])
    y2 = _matT(h, w2_ref[...]) + b2_ref[...]
    h1_ref[...] = _bn_relu(y2, bg_ref[...], bb_ref[...])


def _mlp1_body(eps_ref, acc_ref, h1_ref, sp01_ref, w1_ref, b1_ref, g1_ref,
               be1_ref, w2_ref, b2_ref, bg_ref, bb_ref, p2_ref, score_ref):
    pooled = acc_ref[0] + acc_ref[1] + (1.0 + eps_ref[1]) * h1_ref[...]
    y = _matT(pooled, w1_ref[...]) + b1_ref[...]
    h = _bn_relu(y, g1_ref[...], be1_ref[...])
    y2 = _matT(h, w2_ref[...]) + b2_ref[...]
    h2 = _bn_relu(y2, bg_ref[...], bb_ref[...])
    score_ref[...] = sp01_ref[...] + _matT(h2, p2_ref[...])


def _tc_call(body, n_in, out_shapes, smem_first=True):
    smem = pl.BlockSpec(memory_space=pltpu.SMEM)
    head = [smem] if smem_first else [pl.BlockSpec()]
    return pl.pallas_call(
        body,
        in_specs=head + [pl.BlockSpec()] * (n_in - 1),
        out_specs=[pl.BlockSpec()] * len(out_shapes),
        out_shape=[jax.ShapeDtypeStruct(s, jnp.float32) for s in out_shapes],
        compiler_params=pltpu.CompilerParams(
            vmem_limit_bytes=120 * 1024 * 1024,
        ),
    )


def kernel(x, edge_index, eps, m0_W1, m0_b1, m0_g1, m0_be1, m0_W2, m0_b2,
           bn0_g, bn0_b, m1_W1, m1_b1, m1_g1, m1_be1, m1_W2, m1_b2,
           bn1_g, bn1_b, p0_W, p0_b, p1_W, p1_b, p2_W, p2_b):
    src3 = edge_index[0].reshape(NW, SB, CPS, CW)
    dst3 = edge_index[1].reshape(NW, SB, CPS, CW)

    r = lambda a: a.reshape(1, D)

    acc0 = _scatter(x, src3, dst3)
    (sp0,) = _tc_call(_proj0_body, 3, [(N, D)], smem_first=False)(
        x, p0_W, r(p0_b + p1_b + p2_b)
    )
    (h1,) = _tc_call(_mlp0_body, 11, [(N, D)])(
        eps, acc0, x, m0_W1, r(m0_b1), r(m0_g1), r(m0_be1), m0_W2, r(m0_b2),
        r(bn0_g), r(bn0_b)
    )
    acc1 = _scatter(h1, src3, dst3)
    (sp01,) = _tc_call(_proj1_body, 3, [(N, D)], smem_first=False)(h1, p1_W, sp0)
    (score,) = _tc_call(_mlp1_body, 13, [(N, D)])(
        eps, acc1, h1, sp01, m1_W1, r(m1_b1), r(m1_g1), r(m1_be1), m1_W2,
        r(m1_b2), r(bn1_g), r(bn1_b), p2_W
    )
    return score

# --- scband reference (transcript-rebuilt; emitter-appended) ---
"""Pipeline reference for scband-gin-91122026152449 (READ-ONLY COPY).

The authoritative reference and input builder live on the scoring server;
editing this copy changes nothing except your own understanding.
"""

import jax, jax.numpy as jnp
import numpy as np

N = 10000
E = 320000
D_IN = 128
D_H = 128
D_OUT = 128

def batch_norm(x, g, b, eps=1e-5):
    m = jnp.mean(x, axis=0, keepdims=True)
    v = jnp.var(x, axis=0, keepdims=True)
    return g * (x - m) / jnp.sqrt(v + eps) + b

def _lin(k, fan_in, fan_out):
    lim = 1.0 / np.sqrt(fan_in)
    kw, kb = jax.random.split(k)
    W = jax.random.uniform(kw, (fan_out, fan_in), minval=-lim, maxval=lim, dtype=jnp.float32)
    b = jax.random.uniform(kb, (fan_out,), minval=-lim, maxval=lim, dtype=jnp.float32)
    return W, b

def setup_inputs(seed: int = 0):
    key = jax.random.key(seed)
    ks = jax.random.split(key, 16)
    inp = {}
    inp["x"] = jax.random.normal(ks[0], (N, D_IN), dtype=jnp.float32)
    inp["edge_index"] = jax.random.randint(ks[1], (2, E), 0, N, dtype=jnp.int32)
    inp["eps"] = jnp.zeros((2,), dtype=jnp.float32)
    inp["m0_W1"], inp["m0_b1"] = _lin(ks[2], D_IN, D_H)
    inp["m0_g1"] = jnp.ones((D_H,), dtype=jnp.float32)
    inp["m0_be1"] = jnp.zeros((D_H,), dtype=jnp.float32)
    inp["m0_W2"], inp["m0_b2"] = _lin(ks[3], D_H, D_H)
    inp["bn0_g"] = jnp.ones((D_H,), dtype=jnp.float32)
    inp["bn0_b"] = jnp.zeros((D_H,), dtype=jnp.float32)
    inp["m1_W1"], inp["m1_b1"] = _lin(ks[4], D_H, D_H)
    inp["m1_g1"] = jnp.ones((D_H,), dtype=jnp.float32)
    inp["m1_be1"] = jnp.zeros((D_H,), dtype=jnp.float32)
    inp["m1_W2"], inp["m1_b2"] = _lin(ks[5], D_H, D_H)
    inp["bn1_g"] = jnp.ones((D_H,), dtype=jnp.float32)
    inp["bn1_b"] = jnp.zeros((D_H,), dtype=jnp.float32)
    inp["p0_W"], inp["p0_b"] = _lin(ks[6], D_IN, D_OUT)
    inp["p1_W"], inp["p1_b"] = _lin(ks[7], D_H, D_OUT)
    inp["p2_W"], inp["p2_b"] = _lin(ks[8], D_H, D_OUT)
    return inp

def reference(x, edge_index, eps, m0_W1, m0_b1, m0_g1, m0_be1, m0_W2, m0_b2, bn0_g, bn0_b, m1_W1, m1_b1, m1_g1, m1_be1, m1_W2, m1_b2, bn1_g, bn1_b, p0_W, p0_b, p1_W, p1_b, p2_W, p2_b):
    src = edge_index[0]
    dst = edge_index[1]

    def gin_layer(h, e, W1, b1, g1, be1, W2, b2, bg, bb):
        # neighbor sum aggregation (scatter-add over destination nodes)
        neigh = jnp.zeros_like(h).at[dst].add(h[src])
        pooled = neigh + (1.0 + e) * h
        # MLP (num_mlp_layers=2): linear -> batchnorm -> relu -> linear
        h1 = jax.nn.relu(batch_norm(pooled @ W1.T + b1, g1, be1))
        h2 = h1 @ W2.T + b2
        # outer batchnorm + relu (GIN.next_layer)
        return jax.nn.relu(batch_norm(h2, bg, bb))

    hidden = [x]
    h = gin_layer(x, eps[0], m0_W1, m0_b1, m0_g1, m0_be1, m0_W2, m0_b2, bn0_g, bn0_b)
    hidden.append(h)
    h = gin_layer(h, eps[1], m1_W1, m1_b1, m1_g1, m1_be1, m1_W2, m1_b2, bn1_g, bn1_b)
    hidden.append(h)
    # graph_pool with one node per graph and sum pooling is the identity; dropout p=0.0 (eval)
    score = hidden[0] @ p0_W.T + p0_b
    score = score + hidden[1] @ p1_W.T + p1_b
    score = score + hidden[2] @ p2_W.T + p2_b
    return score

if __name__ == "__main__":
    import jax
    _d = setup_inputs()
    print(jax.jit(kernel)(*tuple(_d.values())))

</pallas_src>

<mosaic_0001>
#map = affine_map<(d0, d1) -> (0, 0)>
#map1 = affine_map<(d0, d1) -> (0, 0, 0, 0)>
#map2 = affine_map<(d0, d1) -> (0, 0, 0)>
module attributes {stable_mosaic.version = 14 : i64} {
  func.func @scatter_k(%arg0: i32, %arg1: i32, %arg2: memref<10000x128xf32, #tpu.memory_space<hbm>>, %arg3: memref<32x5x20x100xi32, #tpu.memory_space<hbm>>, %arg4: memref<32x5x20x100xi32, #tpu.memory_space<hbm>>, %arg5: memref<2x10000x128xf32, #tpu.memory_space<hbm>>, %arg6: memref<20x100xi32, #tpu.memory_space<vmem>>, %arg7: memref<20x100xi32, #tpu.memory_space<vmem>>, %arg8: memref<100x128xf32, #tpu.memory_space<vmem>>, %arg9: memref<100x128xf32, #tpu.memory_space<vmem>>, %arg10: memref<100x128xf32, #tpu.memory_space<vmem>>, %arg11: memref<10000x128xf32, #tpu.memory_space<vmem_shared>>, %arg12: memref<!tpu.dma_semaphore, #tpu.memory_space<semaphore_mem>>, %arg13: memref<!tpu.dma_semaphore, #tpu.memory_space<semaphore_mem>>, %arg14: memref<!tpu.dma_semaphore, #tpu.memory_space<semaphore_mem>>, %arg15: memref<!tpu.dma_semaphore, #tpu.memory_space<semaphore_mem>>, %arg16: memref<!tpu.dma_semaphore, #tpu.memory_space<semaphore_mem>>, %arg17: memref<!tpu.dma_semaphore, #tpu.memory_space<semaphore_mem>>) attributes {dimension_semantics = [#tpu.dimension_semantics<core_parallel>, #tpu.dimension_semantics<subcore_parallel>], iteration_bounds = array<i64: 2, 16>, scalar_prefetch = 0 : i64, scratch_operands = 12 : i64, tpu.core_type = #tpu.core_type<sc_vector_subcore>, window_params = [{transform_indices = #map}, {transform_indices = #map1}, {transform_indices = #map1}, {transform_indices = #map2}]} {
    %mul3A = arith.constant 16 : i32
    %mul3A_0 = arith.muli %arg0, %mul3A : i32
    %add3A = arith.addi %mul3A_0, %arg1 : i32
    %scan3A = arith.constant 0 : i32
    %scan3A_1 = arith.constant 0 : i32
    %scan3A_2 = arith.constant 640 : i32
    %scan3A_3 = arith.addi %scan3A_1, %scan3A_2 : i32
    %scan3A_4 = arith.constant 1 : i32
    scf.for %scan3A_38 = %scan3A_1 to %scan3A_3 step %scan3A_4  : i32 {
      %broadcast_in_dim3A = arith.constant 0.000000e+00 : f32
      %broadcast_in_dim3A_39 = vector.broadcast %broadcast_in_dim3A : f32 to vector<16xf32>
      %jit3A_40 = arith.constant 8 : i32
      %div3A = arith.divsi %scan3A_38, %jit3A_40 : i32
      %sign3A = arith.constant 0 : i32
      %sign3A_41 = arith.cmpi sgt, %scan3A_38, %sign3A : i32
      %sign3A_42 = arith.extui %sign3A_41 : i1 to i32
      %sign3A_43 = arith.constant 0 : i32
      %sign3A_44 = arith.cmpi slt, %scan3A_38, %sign3A_43 : i32
      %sign3A_45 = arith.extui %sign3A_44 : i1 to i32
      %sign3A_46 = arith.subi %sign3A_42, %sign3A_45 : i32
      %sign3A_47 = arith.constant 0 : i32
      %sign3A_48 = arith.cmpi sgt, %jit3A_40, %sign3A_47 : i32
      %sign3A_49 = arith.extui %sign3A_48 : i1 to i32
      %sign3A_50 = arith.constant 0 : i32
      %sign3A_51 = arith.cmpi slt, %jit3A_40, %sign3A_50 : i32
      %sign3A_52 = arith.extui %sign3A_51 : i1 to i32
      %sign3A_53 = arith.subi %sign3A_49, %sign3A_52 : i32
      %ne3A = arith.cmpi ne, %sign3A_46, %sign3A_53 : i32
      %rem3A = arith.remsi %scan3A_38, %jit3A_40 : i32
      %ne3A_54 = arith.constant 0 : i32
      %ne3A_55 = arith.cmpi ne, %rem3A, %ne3A_54 : i32
      %and3A = arith.andi %ne3A, %ne3A_55 : i1
      %sub3A = arith.constant 1 : i32
      %sub3A_56 = arith.subi %div3A, %sub3A : i32
      %select_n3A_57 = arith.select %and3A, %sub3A_56, %div3A : i32
      %jit3A_58 = arith.constant 8 : i32
      %eq3A = arith.constant 0 : i32
      %eq3A_59 = arith.cmpi eq, %jit3A_58, %eq3A : i32
      %jit3A_60 = arith.constant 1 : i32
      %select_n3A_61 = arith.select %eq3A_59, %jit3A_60, %jit3A_58 : i32
      %rem3A_62 = arith.remsi %scan3A_38, %select_n3A_61 : i32
      %ne3A_63 = arith.constant 0 : i32
      %ne3A_64 = arith.cmpi ne, %rem3A_62, %ne3A_63 : i32
      %lt3A_65 = arith.constant 0 : i32
      %lt3A_66 = arith.cmpi slt, %rem3A_62, %lt3A_65 : i32
      %lt3A_67 = arith.constant 0 : i32
      %lt3A_68 = arith.cmpi slt, %select_n3A_61, %lt3A_67 : i32
      %ne3A_69 = arith.xori %lt3A_66, %lt3A_68 : i1
      %and3A_70 = arith.andi %ne3A_69, %ne3A_64 : i1
      %add3A_71 = arith.addi %rem3A_62, %select_n3A_61 : i32
      %select_n3A_72 = arith.select %and3A_70, %add3A_71, %rem3A_62 : i32
      %mul3A_73 = arith.constant 16 : i32
      %mul3A_74 = arith.muli %select_n3A_72, %mul3A_73 : i32
      %swap3A = arith.index_cast %select_n3A_57 : i32 to index
      %swap3A_75 = arith.index_cast %mul3A_74 : i32 to index
      %swap3A_76 = tpu.vector_load %arg8[%swap3A, %swap3A_75] {strides = array<i32>} : memref<100x128xf32, #tpu.memory_space<vmem>>, vector<1x16xf32>,
      %swap3A_77 = vector.shape_cast %swap3A_76 : vector<1x16xf32> to vector<16xf32>
      %swap3A_78 = vector.shape_cast %broadcast_in_dim3A_39 : vector<16xf32> to vector<1x16xf32>
      tpu.vector_store %arg8[%swap3A, %swap3A_75], %swap3A_78 {strides = array<i32>} : memref<100x128xf32, #tpu.memory_space<vmem>>, vector<1x16xf32>,
    }
    %scan3A_5 = arith.constant 640 : i32
    %lt3A = arith.constant 15 : i32
    %lt3A_6 = arith.cmpi slt, %arg1, %lt3A : i32
    %jit3A = arith.constant 8 : i32
    %jit3A_7 = arith.constant 5 : i32
    %select_n3A = arith.select %lt3A_6, %jit3A, %jit3A_7 : i32
    %mul3A_8 = arith.constant 8 : i32
    %mul3A_9 = arith.muli %arg1, %mul3A_8 : i32
    %mul3A_10 = arith.constant 80 : i32
    %mul3A_11 = arith.muli %mul3A_9, %mul3A_10 : i32
    %while3A = arith.constant 0 : i32
    %while3A_12 = arith.constant 0 : i32
    %while3A_13 = arith.subi %select_n3A, %while3A_12 : i32
    %while3A_14 = arith.addi %while3A_12, %while3A_13 : i32
    %while3A_15 = arith.constant 1 : i32
    %while3A_16 = arith.divsi %while3A_13, %while3A_15 : i32
    %while3A_17 = arith.muli %while3A_16, %while3A_15 : i32
    %while3A_18 = arith.addi %while3A_12, %while3A_17 : i32
    %while3A_19 = arith.constant 1 : i32
    scf.for %while3A_38 = %while3A_12 to %while3A_18 step %while3A_19  : i32 {
      %mul3A_39 = arith.constant 80 : i32
      %mul3A_40 = arith.muli %while3A_38, %mul3A_39 : i32
      %add3A_41 = arith.addi %mul3A_11, %mul3A_40 : i32
      %multiple_of3A = tpu.assume_multiple %add3A_41, 80 : i32
      "tpu.region"() ({
        %run_scoped3A = tpu.sem_alloc : memref<!tpu.dma_semaphore, #tpu.memory_space<semaphore_mem>>
        %dma_start3A = arith.constant 0 : i32
        %dma_start3A_42 = arith.constant 0 : i32
        %dma_start3A_43 = tpu.memref_slice %arg8[%dma_start3A, %dma_start3A_42] : memref<100x128xf32, #tpu.memory_space<vmem>> -> memref<80x128xf32, #tpu.memory_space<vmem>>
        %dma_start3A_44 = arith.constant 0 : i32
        %dma_start3A_45 = tpu.memref_slice %arg11[%multiple_of3A, %dma_start3A_44] : memref<10000x128xf32, #tpu.memory_space<vmem_shared>> -> memref<80x128xf32, #tpu.memory_space<vmem_shared>>
        %dma_start3A_46 = arith.constant 0 : i32
        %dma_start3A_47 = tpu.memref_slice %arg11[%multiple_of3A, %dma_start3A_46] : memref<10000x128xf32, #tpu.memory_space<vmem_shared>> -> memref<80x128xf32, #tpu.memory_space<vmem_shared>>
        %dma_start3A_48 = arith.constant 0 : i32
        %dma_start3A_49 = arith.constant 0 : i32
        %dma_start3A_50 = tpu.memref_slice %arg8[%dma_start3A_48, %dma_start3A_49] : memref<100x128xf32, #tpu.memory_space<vmem>> -> memref<80x128xf32, #tpu.memory_space<vmem>>
        tpu.enqueue_dma source(%dma_start3A_50 : memref<80x128xf32, #tpu.memory_space<vmem>>) target(%dma_start3A_47 : memref<80x128xf32, #tpu.memory_space<vmem_shared>>) target_semaphore(%run_scoped3A : memref<!tpu.dma_semaphore, #tpu.memory_space<semaphore_mem>>)
        %dma_wait3A = arith.constant 0 : i32
        %dma_wait3A_51 = arith.constant 0 : i32
        %dma_wait3A_52 = tpu.memref_slice %arg8[%dma_wait3A, %dma_wait3A_51] : memref<100x128xf32, #tpu.memory_space<vmem>> -> memref<80x128xf32, #tpu.memory_space<vmem>>
        %dma_wait3A_53 = arith.constant 0 : i32
        %dma_wait3A_54 = tpu.memref_slice %arg11[%multiple_of3A, %dma_wait3A_53] : memref<10000x128xf32, #tpu.memory_space<vmem_shared>> -> memref<80x128xf32, #tpu.memory_space<vmem_shared>>
        %dma_wait3A_55 = arith.constant 0 : i32
        %dma_wait3A_56 = tpu.memref_slice %arg11[%multiple_of3A, %dma_wait3A_55] : memref<10000x128xf32, #tpu.memory_space<vmem_shared>> -> memref<80x128xf32, #tpu.memory_space<vmem_shared>>
        %dma_wait3A_57 = arith.constant 0 : i32
        %dma_wait3A_58 = arith.constant 0 : i32
        %dma_wait3A_59 = tpu.memref_slice %arg8[%dma_wait3A_57, %dma_wait3A_58] : memref<100x128xf32, #tpu.memory_space<vmem>> -> memref<80x128xf32, #tpu.memory_space<vmem>>
        tpu.wait_dma2 semaphore(%run_scoped3A : memref<!tpu.dma_semaphore, #tpu.memory_space<semaphore_mem>>) src(%dma_wait3A_59 : memref<80x128xf32, #tpu.memory_space<vmem>>) dst(%dma_wait3A_56 : memref<80x128xf32, #tpu.memory_space<vmem_shared>>)
        tpu.yield
      }) : () -> ()
    }
    %while3A_20 = arith.constant 1 : i32
    scf.for %while3A_38 = %while3A_18 to %while3A_14 step %while3A_20  : i32 {
      %mul3A_39 = arith.constant 80 : i32
      %mul3A_40 = arith.muli %while3A_38, %mul3A_39 : i32
      %add3A_41 = arith.addi %mul3A_11, %mul3A_40 : i32
      %multiple_of3A = tpu.assume_multiple %add3A_41, 80 : i32
      "tpu.region"() ({
        %run_scoped3A = tpu.sem_alloc : memref<!tpu.dma_semaphore, #tpu.memory_space<semaphore_mem>>
        %dma_start3A = arith.constant 0 : i32
        %dma_start3A_42 = arith.constant 0 : i32
        %dma_start3A_43 = tpu.memref_slice %arg8[%dma_start3A, %dma_start3A_42] : memref<100x128xf32, #tpu.memory_space<vmem>> -> memref<80x128xf32, #tpu.memory_space<vmem>>
        %dma_start3A_44 = arith.constant 0 : i32
        %dma_start3A_45 = tpu.memref_slice %arg11[%multiple_of3A, %dma_start3A_44] : memref<10000x128xf32, #tpu.memory_space<vmem_shared>> -> memref<80x128xf32, #tpu.memory_space<vmem_shared>>
        %dma_start3A_46 = arith.constant 0 : i32
        %dma_start3A_47 = tpu.memref_slice %arg11[%multiple_of3A, %dma_start3A_46] : memref<10000x128xf32, #tpu.memory_space<vmem_shared>> -> memref<80x128xf32, #tpu.memory_space<vmem_shared>>
        %dma_start3A_48 = arith.constant 0 : i32
        %dma_start3A_49 = arith.constant 0 : i32
        %dma_start3A_50 = tpu.memref_slice %arg8[%dma_start3A_48, %dma_start3A_49] : memref<100x128xf32, #tpu.memory_space<vmem>> -> memref<80x128xf32, #tpu.memory_space<vmem>>
        tpu.enqueue_dma source(%dma_start3A_50 : memref<80x128xf32, #tpu.memory_space<vmem>>) target(%dma_start3A_47 : memref<80x128xf32, #tpu.memory_space<vmem_shared>>) target_semaphore(%run_scoped3A : memref<!tpu.dma_semaphore, #tpu.memory_space<semaphore_mem>>)
        %dma_wait3A = arith.constant 0 : i32
        %dma_wait3A_51 = arith.constant 0 : i32
        %dma_wait3A_52 = tpu.memref_slice %arg8[%dma_wait3A, %dma_wait3A_51] : memref<100x128xf32, #tpu.memory_space<vmem>> -> memref<80x128xf32, #tpu.memory_space<vmem>>
        %dma_wait3A_53 = arith.constant 0 : i32
        %dma_wait3A_54 = tpu.memref_slice %arg11[%multiple_of3A, %dma_wait3A_53] : memref<10000x128xf32, #tpu.memory_space<vmem_shared>> -> memref<80x128xf32, #tpu.memory_space<vmem_shared>>
        %dma_wait3A_55 = arith.constant 0 : i32
        %dma_wait3A_56 = tpu.memref_slice %arg11[%multiple_of3A, %dma_wait3A_55] : memref<10000x128xf32, #tpu.memory_space<vmem_shared>> -> memref<80x128xf32, #tpu.memory_space<vmem_shared>>
        %dma_wait3A_57 = arith.constant 0 : i32
        %dma_wait3A_58 = arith.constant 0 : i32
        %dma_wait3A_59 = tpu.memref_slice %arg8[%dma_wait3A_57, %dma_wait3A_58] : memref<100x128xf32, #tpu.memory_space<vmem>> -> memref<80x128xf32, #tpu.memory_space<vmem>>
        tpu.wait_dma2 semaphore(%run_scoped3A : memref<!tpu.dma_semaphore, #tpu.memory_space<semaphore_mem>>) src(%dma_wait3A_59 : memref<80x128xf32, #tpu.memory_space<vmem>>) dst(%dma_wait3A_56 : memref<80x128xf32, #tpu.memory_space<vmem_shared>>)
        tpu.yield
      }) : () -> ()
    }
    %barrier3A = arith.constant 0 : index
    tpu.barrier barrier_id(%barrier3A)
    %scan3A_21 = arith.constant 0 : i32
    %scan3A_22 = arith.constant 0 : i32
    %scan3A_23 = arith.constant 5 : i32
    %scan3A_24 = arith.addi %scan3A_22, %scan3A_23 : i32
    %scan3A_25 = arith.constant 1 : i32
    scf.for %scan3A_38 = %scan3A_22 to %scan3A_24 step %scan3A_25  : i32 {
      "tpu.region"() ({
        %run_scoped3A = tpu.sem_alloc : memref<!tpu.dma_semaphore, #tpu.memory_space<semaphore_mem>>
        %dma_start3A_178 = arith.constant 0 : i32
        %dma_start3A_179 = arith.constant 0 : i32
        %dma_start3A_180 = tpu.memref_slice %arg3[%add3A, %scan3A_38, %dma_start3A_178, %dma_start3A_179] : memref<32x5x20x100xi32, #tpu.memory_space<hbm>> -> memref<1x1x20x100xi32, #tpu.memory_space<hbm>>
        %dma_start3A_181 = tpu.memref_squeeze %dma_start3A_180 : memref<1x1x20x100xi32, #tpu.memory_space<hbm>> -> memref<20x100xi32, #tpu.memory_space<hbm>>
        %dma_start3A_182 = arith.constant 0 : i32
        %dma_start3A_183 = arith.constant 0 : i32
        %dma_start3A_184 = tpu.memref_slice %arg3[%add3A, %scan3A_38, %dma_start3A_182, %dma_start3A_183] : memref<32x5x20x100xi32, #tpu.memory_space<hbm>> -> memref<1x1x20x100xi32, #tpu.memory_space<hbm>>
        %dma_start3A_185 = tpu.memref_squeeze %dma_start3A_184 : memref<1x1x20x100xi32, #tpu.memory_space<hbm>> -> memref<20x100xi32, #tpu.memory_space<hbm>>
        tpu.enqueue_dma source(%dma_start3A_185 : memref<20x100xi32, #tpu.memory_space<hbm>>) target(%arg6 : memref<20x100xi32, #tpu.memory_space<vmem>>) target_semaphore(%run_scoped3A : memref<!tpu.dma_semaphore, #tpu.memory_space<semaphore_mem>>)
        %dma_wait3A_186 = arith.constant 0 : i32
        %dma_wait3A_187 = arith.constant 0 : i32
        %dma_wait3A_188 = tpu.memref_slice %arg3[%add3A, %scan3A_38, %dma_wait3A_186, %dma_wait3A_187] : memref<32x5x20x100xi32, #tpu.memory_space<hbm>> -> memref<1x1x20x100xi32, #tpu.memory_space<hbm>>
        %dma_wait3A_189 = tpu.memref_squeeze %dma_wait3A_188 : memref<1x1x20x100xi32, #tpu.memory_space<hbm>> -> memref<20x100xi32, #tpu.memory_space<hbm>>
        %dma_wait3A_190 = arith.constant 0 : i32
        %dma_wait3A_191 = arith.constant 0 : i32
        %dma_wait3A_192 = tpu.memref_slice %arg3[%add3A, %scan3A_38, %dma_wait3A_190, %dma_wait3A_191] : memref<32x5x20x100xi32, #tpu.memory_space<hbm>> -> memref<1x1x20x100xi32, #tpu.memory_space<hbm>>
        %dma_wait3A_193 = tpu.memref_squeeze %dma_wait3A_192 : memref<1x1x20x100xi32, #tpu.memory_space<hbm>> -> memref<20x100xi32, #tpu.memory_space<hbm>>
        tpu.wait_dma2 semaphore(%run_scoped3A : memref<!tpu.dma_semaphore, #tpu.memory_space<semaphore_mem>>) src(%dma_wait3A_193 : memref<20x100xi32, #tpu.memory_space<hbm>>) dst(%arg6 : memref<20x100xi32, #tpu.memory_space<vmem>>)
        tpu.yield
      }) : () -> ()
      "tpu.region"() ({
        %run_scoped3A = tpu.sem_alloc : memref<!tpu.dma_semaphore, #tpu.memory_space<semaphore_mem>>
        %dma_start3A_178 = arith.constant 0 : i32
        %dma_start3A_179 = arith.constant 0 : i32
        %dma_start3A_180 = tpu.memref_slice %arg4[%add3A, %scan3A_38, %dma_start3A_178, %dma_start3A_179] : memref<32x5x20x100xi32, #tpu.memory_space<hbm>> -> memref<1x1x20x100xi32, #tpu.memory_space<hbm>>
        %dma_start3A_181 = tpu.memref_squeeze %dma_start3A_180 : memref<1x1x20x100xi32, #tpu.memory_space<hbm>> -> memref<20x100xi32, #tpu.memory_space<hbm>>
        %dma_start3A_182 = arith.constant 0 : i32
        %dma_start3A_183 = arith.constant 0 : i32
        %dma_start3A_184 = tpu.memref_slice %arg4[%add3A, %scan3A_38, %dma_start3A_182, %dma_start3A_183] : memref<32x5x20x100xi32, #tpu.memory_space<hbm>> -> memref<1x1x20x100xi32, #tpu.memory_space<hbm>>
        %dma_start3A_185 = tpu.memref_squeeze %dma_start3A_184 : memref<1x1x20x100xi32, #tpu.memory_space<hbm>> -> memref<20x100xi32, #tpu.memory_space<hbm>>
        tpu.enqueue_dma source(%dma_start3A_185 : memref<20x100xi32, #tpu.memory_space<hbm>>) target(%arg7 : memref<20x100xi32, #tpu.memory_space<vmem>>) target_semaphore(%run_scoped3A : memref<!tpu.dma_semaphore, #tpu.memory_space<semaphore_mem>>)
        %dma_wait3A_186 = arith.constant 0 : i32
        %dma_wait3A_187 = arith.constant 0 : i32
        %dma_wait3A_188 = tpu.memref_slice %arg4[%add3A, %scan3A_38, %dma_wait3A_186, %dma_wait3A_187] : memref<32x5x20x100xi32, #tpu.memory_space<hbm>> -> memref<1x1x20x100xi32, #tpu.memory_space<hbm>>
        %dma_wait3A_189 = tpu.memref_squeeze %dma_wait3A_188 : memref<1x1x20x100xi32, #tpu.memory_space<hbm>> -> memref<20x100xi32, #tpu.memory_space<hbm>>
        %dma_wait3A_190 = arith.constant 0 : i32
        %dma_wait3A_191 = arith.constant 0 : i32
        %dma_wait3A_192 = tpu.memref_slice %arg4[%add3A, %scan3A_38, %dma_wait3A_190, %dma_wait3A_191] : memref<32x5x20x100xi32, #tpu.memory_space<hbm>> -> memref<1x1x20x100xi32, #tpu.memory_space<hbm>>
        %dma_wait3A_193 = tpu.memref_squeeze %dma_wait3A_192 : memref<1x1x20x100xi32, #tpu.memory_space<hbm>> -> memref<20x100xi32, #tpu.memory_space<hbm>>
        tpu.wait_dma2 semaphore(%run_scoped3A : memref<!tpu.dma_semaphore, #tpu.memory_space<semaphore_mem>>) src(%dma_wait3A_193 : memref<20x100xi32, #tpu.memory_space<hbm>>) dst(%arg7 : memref<20x100xi32, #tpu.memory_space<vmem>>)
        tpu.yield
      }) : () -> ()
      %dma_start3A = arith.constant 0 : i32
      %dma_start3A_39 = arith.constant 0 : i32
      %dma_start3A_40 = tpu.memref_slice %arg6[%dma_start3A, %dma_start3A_39] : memref<20x100xi32, #tpu.memory_space<vmem>> -> memref<1x100xi32, #tpu.memory_space<vmem>>
      %dma_start3A_41 = tpu.memref_squeeze %dma_start3A_40 : memref<1x100xi32, #tpu.memory_space<vmem>> -> memref<100xi32, #tpu.memory_space<vmem>>
      %dma_start3A_42 = arith.constant 0 : i32
      %dma_start3A_43 = arith.constant 0 : i32
      %dma_start3A_44 = tpu.memref_slice %arg2[%dma_start3A_42, %dma_start3A_43] : memref<10000x128xf32, #tpu.memory_space<hbm>> -> memref<10000x128xf32, #tpu.memory_space<hbm>>
      tpu.enqueue_indirect_dma source(%dma_start3A_44 : memref<10000x128xf32, #tpu.memory_space<hbm>>) target(%arg8 : memref<100x128xf32, #tpu.memory_space<vmem>>) offsets(%dma_start3A_41 : memref<100xi32, #tpu.memory_space<vmem>>) semaphore(%arg12 : memref<!tpu.dma_semaphore, #tpu.memory_space<semaphore_mem>>)
      %dma_start3A_45 = arith.constant 1 : i32
      %dma_start3A_46 = arith.constant 0 : i32
      %dma_start3A_47 = tpu.memref_slice %arg6[%dma_start3A_45, %dma_start3A_46] : memref<20x100xi32, #tpu.memory_space<vmem>> -> memref<1x100xi32, #tpu.memory_space<vmem>>
      %dma_start3A_48 = tpu.memref_squeeze %dma_start3A_47 : memref<1x100xi32, #tpu.memory_space<vmem>> -> memref<100xi32, #tpu.memory_space<vmem>>
      %dma_start3A_49 = arith.constant 0 : i32
      %dma_start3A_50 = arith.constant 0 : i32
      %dma_start3A_51 = tpu.memref_slice %arg2[%dma_start3A_49, %dma_start3A_50] : memref<10000x128xf32, #tpu.memory_space<hbm>> -> memref<10000x128xf32, #tpu.memory_space<hbm>>
      tpu.enqueue_indirect_dma source(%dma_start3A_51 : memref<10000x128xf32, #tpu.memory_space<hbm>>) target(%arg9 : memref<100x128xf32, #tpu.memory_space<vmem>>) offsets(%dma_start3A_48 : memref<100xi32, #tpu.memory_space<vmem>>) semaphore(%arg13 : memref<!tpu.dma_semaphore, #tpu.memory_space<semaphore_mem>>)
      %dma_start3A_52 = arith.constant 2 : i32
      %dma_start3A_53 = arith.constant 0 : i32
      %dma_start3A_54 = tpu.memref_slice %arg6[%dma_start3A_52, %dma_start3A_53] : memref<20x100xi32, #tpu.memory_space<vmem>> -> memref<1x100xi32, #tpu.memory_space<vmem>>
      %dma_start3A_55 = tpu.memref_squeeze %dma_start3A_54 : memref<1x100xi32, #tpu.memory_space<vmem>> -> memref<100xi32, #tpu.memory_space<vmem>>
      %dma_start3A_56 = arith.constant 0 : i32
      %dma_start3A_57 = arith.constant 0 : i32
      %dma_start3A_58 = tpu.memref_slice %arg2[%dma_start3A_56, %dma_start3A_57] : memref<10000x128xf32, #tpu.memory_space<hbm>> -> memref<10000x128xf32, #tpu.memory_space<hbm>>
      tpu.enqueue_indirect_dma source(%dma_start3A_58 : memref<10000x128xf32, #tpu.memory_space<hbm>>) target(%arg10 : memref<100x128xf32, #tpu.memory_space<vmem>>) offsets(%dma_start3A_55 : memref<100xi32, #tpu.memory_space<vmem>>) semaphore(%arg14 : memref<!tpu.dma_semaphore, #tpu.memory_space<semaphore_mem>>)
      %dma_wait3A = arith.constant 0 : i32
      %dma_wait3A_59 = arith.constant 0 : i32
      %dma_wait3A_60 = tpu.memref_slice %arg6[%dma_wait3A, %dma_wait3A_59] : memref<20x100xi32, #tpu.memory_space<vmem>> -> memref<1x100xi32, #tpu.memory_space<vmem>>
      %dma_wait3A_61 = tpu.memref_squeeze %dma_wait3A_60 : memref<1x100xi32, #tpu.memory_space<vmem>> -> memref<100xi32, #tpu.memory_space<vmem>>
      %dma_wait3A_62 = arith.constant 0 : i32
      %dma_wait3A_63 = arith.constant 0 : i32
      %dma_wait3A_64 = tpu.memref_slice %arg2[%dma_wait3A_62, %dma_wait3A_63] : memref<10000x128xf32, #tpu.memory_space<hbm>> -> memref<10000x128xf32, #tpu.memory_space<hbm>>
      tpu.wait_indirect_dma semaphore(%arg12 : memref<!tpu.dma_semaphore, #tpu.memory_space<semaphore_mem>>) src(%dma_wait3A_64 : memref<10000x128xf32, #tpu.memory_space<hbm>>) dst(%arg8 : memref<100x128xf32, #tpu.memory_space<vmem>>)
      %dma_start3A_65 = arith.constant 0 : i32
      %dma_start3A_66 = arith.constant 0 : i32
      %dma_start3A_67 = tpu.memref_slice %arg7[%dma_start3A_65, %dma_start3A_66] : memref<20x100xi32, #tpu.memory_space<vmem>> -> memref<1x100xi32, #tpu.memory_space<vmem>>
      %dma_start3A_68 = tpu.memref_squeeze %dma_start3A_67 : memref<1x100xi32, #tpu.memory_space<vmem>> -> memref<100xi32, #tpu.memory_space<vmem>>
      %dma_start3A_69 = arith.constant 0 : i32
      %dma_start3A_70 = arith.constant 0 : i32
      %dma_start3A_71 = tpu.memref_slice %arg11[%dma_start3A_69, %dma_start3A_70] : memref<10000x128xf32, #tpu.memory_space<vmem_shared>> -> memref<10000x128xf32, #tpu.memory_space<vmem_shared>>
      tpu.enqueue_indirect_dma source(%arg8 : memref<100x128xf32, #tpu.memory_space<vmem>>) target(%dma_start3A_71 : memref<10000x128xf32, #tpu.memory_space<vmem_shared>>) offsets(%dma_start3A_68 : memref<100xi32, #tpu.memory_space<vmem>>) semaphore(%arg15 : memref<!tpu.dma_semaphore, #tpu.memory_space<semaphore_mem>>) {add = true}
      %dma_wait3A_72 = arith.constant 0 : i32
      %dma_wait3A_73 = arith.constant 0 : i32
      %dma_wait3A_74 = tpu.memref_slice %arg11[%dma_wait3A_72, %dma_wait3A_73] : memref<10000x128xf32, #tpu.memory_space<vmem_shared>> -> memref<100x128xf32, #tpu.memory_space<vmem_shared>>
      %dma_wait3A_75 = arith.constant 0 : i32
      %dma_wait3A_76 = arith.constant 0 : i32
      %dma_wait3A_77 = tpu.memref_slice %arg11[%dma_wait3A_75, %dma_wait3A_76] : memref<10000x128xf32, #tpu.memory_space<vmem_shared>> -> memref<100x128xf32, #tpu.memory_space<vmem_shared>>
      tpu.wait_dma2 semaphore(%arg15 : memref<!tpu.dma_semaphore, #tpu.memory_space<semaphore_mem>>) src(%arg8 : memref<100x128xf32, #tpu.memory_space<vmem>>) dst(%dma_wait3A_77 : memref<100x128xf32, #tpu.memory_space<vmem_shared>>)
      %dma_start3A_78 = arith.constant 3 : i32
      %dma_start3A_79 = arith.constant 0 : i32
      %dma_start3A_80 = tpu.memref_slice %arg6[%dma_start3A_78, %dma_start3A_79] : memref<20x100xi32, #tpu.memory_space<vmem>> -> memref<1x100xi32, #tpu.memory_space<vmem>>
      %dma_start3A_81 = tpu.memref_squeeze %dma_start3A_80 : memref<1x100xi32, #tpu.memory_space<vmem>> -> memref<100xi32, #tpu.memory_space<vmem>>
      %dma_start3A_82 = arith.constant 0 : i32
      %dma_start3A_83 = arith.constant 0 : i32
      %dma_start3A_84 = tpu.memref_slice %arg2[%dma_start3A_82, %dma_start3A_83] : memref<10000x128xf32, #tpu.memory_space<hbm>> -> memref<10000x128xf32, #tpu.memory_space<hbm>>
      tpu.enqueue_indirect_dma source(%dma_start3A_84 : memref<10000x128xf32, #tpu.memory_space<hbm>>) target(%arg8 : memref<100x128xf32, #tpu.memory_space<vmem>>) offsets(%dma_start3A_81 : memref<100xi32, #tpu.memory_space<vmem>>) semaphore(%arg12 : memref<!tpu.dma_semaphore, #tpu.memory_space<semaphore_mem>>)
      %dma_wait3A_85 = arith.constant 0 : i32
      %dma_wait3A_86 = arith.constant 0 : i32
      %dma_wait3A_87 = tpu.memref_slice %arg6[%dma_wait3A_85, %dma_wait3A_86] : memref<20x100xi32, #tpu.memory_space<vmem>> -> memref<1x100xi32, #tpu.memory_space<vmem>>
      %dma_wait3A_88 = tpu.memref_squeeze %dma_wait3A_87 : memref<1x100xi32, #tpu.memory_space<vmem>> -> memref<100xi32, #tpu.memory_space<vmem>>
      %dma_wait3A_89 = arith.constant 0 : i32
      %dma_wait3A_90 = arith.constant 0 : i32
      %dma_wait3A_91 = tpu.memref_slice %arg2[%dma_wait3A_89, %dma_wait3A_90] : memref<10000x128xf32, #tpu.memory_space<hbm>> -> memref<10000x128xf32, #tpu.memory_space<hbm>>
      tpu.wait_indirect_dma semaphore(%arg13 : memref<!tpu.dma_semaphore, #tpu.memory_space<semaphore_mem>>) src(%dma_wait3A_91 : memref<10000x128xf32, #tpu.memory_space<hbm>>) dst(%arg9 : memref<100x128xf32, #tpu.memory_space<vmem>>)
      %dma_start3A_92 = arith.constant 1 : i32
      %dma_start3A_93 = arith.constant 0 : i32
      %dma_start3A_94 = tpu.memref_slice %arg7[%dma_start3A_92, %dma_start3A_93] : memref<20x100xi32, #tpu.memory_space<vmem>> -> memref<1x100xi32, #tpu.memory_space<vmem>>
      %dma_start3A_95 = tpu.memref_squeeze %dma_start3A_94 : memref<1x100xi32, #tpu.memory_space<vmem>> -> memref<100xi32, #tpu.memory_space<vmem>>
      %dma_start3A_96 = arith.constant 0 : i32
      %dma_start3A_97 = arith.constant 0 : i32
      %dma_start3A_98 = tpu.memref_slice %arg11[%dma_start3A_96, %dma_start3A_97] : memref<10000x128xf32, #tpu.memory_space<vmem_shared>> -> memref<10000x128xf32, #tpu.memory_space<vmem_shared>>
      tpu.enqueue_indirect_dma source(%arg9 : memref<100x128xf32, #tpu.memory_space<vmem>>) target(%dma_start3A_98 : memref<10000x128xf32, #tpu.memory_space<vmem_shared>>) offsets(%dma_start3A_95 : memref<100xi32, #tpu.memory_space<vmem>>) semaphore(%arg16 : memref<!tpu.dma_semaphore, #tpu.memory_space<semaphore_mem>>) {add = true}
      %dma_wait3A_99 = arith.constant 0 : i32
      %dma_wait3A_100 = arith.constant 0 : i32
      %dma_wait3A_101 = tpu.memref_slice %arg11[%dma_wait3A_99, %dma_wait3A_100] : memref<10000x128xf32, #tpu.memory_space<vmem_shared>> -> memref<100x128xf32, #tpu.memory_space<vmem_shared>>
      %dma_wait3A_102 = arith.constant 0 : i32
      %dma_wait3A_103 = arith.constant 0 : i32
      %dma_wait3A_104 = tpu.memref_slice %arg11[%dma_wait3A_102, %dma_wait3A_103] : memref<10000x128xf32, #tpu.memory_space<vmem_shared>> -> memref<100x128xf32, #tpu.memory_space<vmem_shared>>
      tpu.wait_dma2 semaphore(%arg16 : memref<!tpu.dma_semaphore, #tpu.memory_space<semaphore_mem>>) src(%arg9 : memref<100x128xf32, #tpu.memory_space<vmem>>) dst(%dma_wait3A_104 : memref<100x128xf32, #tpu.memory_space<vmem_shared>>)
      %dma_start3A_105 = arith.constant 4 : i32
      %dma_start3A_106 = arith.constant 0 : i32
      %dma_start3A_107 = tpu.memref_slice %arg6[%dma_start3A_105, %dma_start3A_106] : memref<20x100xi32, #tpu.memory_space<vmem>> -> memref<1x100xi32, #tpu.memory_space<vmem>>
      %dma_start3A_108 = tpu.memref_squeeze %dma_start3A_107 : memref<1x100xi32, #tpu.memory_space<vmem>> -> memref<100xi32, #tpu.memory_space<vmem>>
      %dma_start3A_109 = arith.constant 0 : i32
      %dma_start3A_110 = arith.constant 0 : i32
      %dma_start3A_111 = tpu.memref_slice %arg2[%dma_start3A_109, %dma_start3A_110] : memref<10000x128xf32, #tpu.memory_space<hbm>> -> memref<10000x128xf32, #tpu.memory_space<hbm>>
      tpu.enqueue_indirect_dma source(%dma_start3A_111 : memref<10000x128xf32, #tpu.memory_space<hbm>>) target(%arg9 : memref<100x128xf32, #tpu.memory_space<vmem>>) offsets(%dma_start3A_108 : memref<100xi32, #tpu.memory_space<vmem>>) semaphore(%arg13 : memref<!tpu.dma_semaphore, #tpu.memory_space<semaphore_mem>>)
      %dma_wait3A_112 = arith.constant 0 : i32
      %dma_wait3A_113 = arith.constant 0 : i32
      %dma_wait3A_114 = tpu.memref_slice %arg6[%dma_wait3A_112, %dma_wait3A_113] : memref<20x100xi32, #tpu.memory_space<vmem>> -> memref<1x100xi32, #tpu.memory_space<vmem>>
      %dma_wait3A_115 = tpu.memref_squeeze %dma_wait3A_114 : memref<1x100xi32, #tpu.memory_space<vmem>> -> memref<100xi32, #tpu.memory_space<vmem>>
      %dma_wait3A_116 = arith.constant 0 : i32
      %dma_wait3A_117 = arith.constant 0 : i32
      %dma_wait3A_118 = tpu.memref_slice %arg2[%dma_wait3A_116, %dma_wait3A_117] : memref<10000x128xf32, #tpu.memory_space<hbm>> -> memref<10000x128xf32, #tpu.memory_space<hbm>>
      tpu.wait_indirect_dma semaphore(%arg14 : memref<!tpu.dma_semaphore, #tpu.memory_space<semaphore_mem>>) src(%dma_wait3A_118 : memref<10000x128xf32, #tpu.memory_space<hbm>>) dst(%arg10 : memref<100x128xf32, #tpu.memory_space<vmem>>)
      %dma_start3A_119 = arith.constant 2 : i32
      %dma_start3A_120 = arith.constant 0 : i32
      %dma_start3A_121 = tpu.memref_slice %arg7[%dma_start3A_119, %dma_start3A_120] : memref<20x100xi32, #tpu.memory_space<vmem>> -> memref<1x100xi32, #tpu.memory_space<vmem>>
      %dma_start3A_122 = tpu.memref_squeeze %dma_start3A_121 : memref<1x100xi32, #tpu.memory_space<vmem>> -> memref<100xi32, #tpu.memory_space<vmem>>
      %dma_start3A_123 = arith.constant 0 : i32
      %dma_start3A_124 = arith.constant 0 : i32
      %dma_start3A_125 = tpu.memref_slice %arg11[%dma_start3A_123, %dma_start3A_124] : memref<10000x128xf32, #tpu.memory_space<vmem_shared>> -> memref<10000x128xf32, #tpu.memory_space<vmem_shared>>
      tpu.enqueue_indirect_dma source(%arg10 : memref<100x128xf32, #tpu.memory_space<vmem>>) target(%dma_start3A_125 : memref<10000x128xf32, #tpu.memory_space<vmem_shared>>) offsets(%dma_start3A_122 : memref<100xi32, #tpu.memory_space<vmem>>) semaphore(%arg17 : memref<!tpu.dma_semaphore, #tpu.memory_space<semaphore_mem>>) {add = true}
      %scan3A_126 = arith.constant 0 : i32
      %scan3A_127 = arith.constant 1 : i32
      %scan3A_128 = arith.constant 5 : i32
      %scan3A_129 = arith.addi %scan3A_127, %scan3A_128 : i32
      %scan3A_130 = arith.constant 1 : i32
      scf.for %scan3A_178 = %scan3A_127 to %scan3A_129 step %scan3A_130  : i32 {
        %mul3A_179 = arith.constant 3 : i32
        %mul3A_180 = arith.muli %mul3A_179, %scan3A_178 : i32
        %dma_wait3A_181 = arith.constant 0 : i32
        %dma_wait3A_182 = arith.constant 0 : i32
        %dma_wait3A_183 = tpu.memref_slice %arg11[%dma_wait3A_181, %dma_wait3A_182] : memref<10000x128xf32, #tpu.memory_space<vmem_shared>> -> memref<100x128xf32, #tpu.memory_space<vmem_shared>>
        %dma_wait3A_184 = arith.constant 0 : i32
        %dma_wait3A_185 = arith.constant 0 : i32
        %dma_wait3A_186 = tpu.memref_slice %arg11[%dma_wait3A_184, %dma_wait3A_185] : memref<10000x128xf32, #tpu.memory_space<vmem_shared>> -> memref<100x128xf32, #tpu.memory_space<vmem_shared>>
        tpu.wait_dma2 semaphore(%arg17 : memref<!tpu.dma_semaphore, #tpu.memory_space<semaphore_mem>>) src(%arg10 : memref<100x128xf32, #tpu.memory_space<vmem>>) dst(%dma_wait3A_186 : memref<100x128xf32, #tpu.memory_space<vmem_shared>>)
        %add3A_187 = arith.constant 2 : i32
        %add3A_188 = arith.addi %mul3A_180, %add3A_187 : i32
        %dma_start3A_189 = arith.constant 0 : i32
        %dma_start3A_190 = tpu.memref_slice %arg6[%add3A_188, %dma_start3A_189] : memref<20x100xi32, #tpu.memory_space<vmem>> -> memref<1x100xi32, #tpu.memory_space<vmem>>
        %dma_start3A_191 = tpu.memref_squeeze %dma_start3A_190 : memref<1x100xi32, #tpu.memory_space<vmem>> -> memref<100xi32, #tpu.memory_space<vmem>>
        %dma_start3A_192 = arith.constant 0 : i32
        %dma_start3A_193 = arith.constant 0 : i32
        %dma_start3A_194 = tpu.memref_slice %arg2[%dma_start3A_192, %dma_start3A_193] : memref<10000x128xf32, #tpu.memory_space<hbm>> -> memref<10000x128xf32, #tpu.memory_space<hbm>>
        tpu.enqueue_indirect_dma source(%dma_start3A_194 : memref<10000x128xf32, #tpu.memory_space<hbm>>) target(%arg10 : memref<100x128xf32, #tpu.memory_space<vmem>>) offsets(%dma_start3A_191 : memref<100xi32, #tpu.memory_space<vmem>>) semaphore(%arg14 : memref<!tpu.dma_semaphore, #tpu.memory_space<semaphore_mem>>)
        %dma_wait3A_195 = arith.constant 0 : i32
        %dma_wait3A_196 = arith.constant 0 : i32
        %dma_wait3A_197 = tpu.memref_slice %arg6[%dma_wait3A_195, %dma_wait3A_196] : memref<20x100xi32, #tpu.memory_space<vmem>> -> memref<1x100xi32, #tpu.memory_space<vmem>>
        %dma_wait3A_198 = tpu.memref_squeeze %dma_wait3A_197 : memref<1x100xi32, #tpu.memory_space<vmem>> -> memref<100xi32, #tpu.memory_space<vmem>>
        %dma_wait3A_199 = arith.constant 0 : i32
        %dma_wait3A_200 = arith.constant 0 : i32
        %dma_wait3A_201 = tpu.memref_slice %arg2[%dma_wait3A_199, %dma_wait3A_200] : memref<10000x128xf32, #tpu.memory_space<hbm>> -> memref<10000x128xf32, #tpu.memory_space<hbm>>
        tpu.wait_indirect_dma semaphore(%arg12 : memref<!tpu.dma_semaphore, #tpu.memory_space<semaphore_mem>>) src(%dma_wait3A_201 : memref<10000x128xf32, #tpu.memory_space<hbm>>) dst(%arg8 : memref<100x128xf32, #tpu.memory_space<vmem>>)
        %dma_start3A_202 = arith.constant 0 : i32
        %dma_start3A_203 = tpu.memref_slice %arg7[%mul3A_180, %dma_start3A_202] : memref<20x100xi32, #tpu.memory_space<vmem>> -> memref<1x100xi32, #tpu.memory_space<vmem>>
        %dma_start3A_204 = tpu.memref_squeeze %dma_start3A_203 : memref<1x100xi32, #tpu.memory_space<vmem>> -> memref<100xi32, #tpu.memory_space<vmem>>
        %dma_start3A_205 = arith.constant 0 : i32
        %dma_start3A_206 = arith.constant 0 : i32
        %dma_start3A_207 = tpu.memref_slice %arg11[%dma_start3A_205, %dma_start3A_206] : memref<10000x128xf32, #tpu.memory_space<vmem_shared>> -> memref<10000x128xf32, #tpu.memory_space<vmem_shared>>
        tpu.enqueue_indirect_dma source(%arg8 : memref<100x128xf32, #tpu.memory_space<vmem>>) target(%dma_start3A_207 : memref<10000x128xf32, #tpu.memory_space<vmem_shared>>) offsets(%dma_start3A_204 : memref<100xi32, #tpu.memory_space<vmem>>) semaphore(%arg15 : memref<!tpu.dma_semaphore, #tpu.memory_space<semaphore_mem>>) {add = true}
        %dma_wait3A_208 = arith.constant 0 : i32
        %dma_wait3A_209 = arith.constant 0 : i32
        %dma_wait3A_210 = tpu.memref_slice %arg11[%dma_wait3A_208, %dma_wait3A_209] : memref<10000x128xf32, #tpu.memory_space<vmem_shared>> -> memref<100x128xf32, #tpu.memory_space<vmem_shared>>
        %dma_wait3A_211 = arith.constant 0 : i32
        %dma_wait3A_212 = arith.constant 0 : i32
        %dma_wait3A_213 = tpu.memref_slice %arg11[%dma_wait3A_211, %dma_wait3A_212] : memref<10000x128xf32, #tpu.memory_space<vmem_shared>> -> memref<100x128xf32, #tpu.memory_space<vmem_shared>>
        tpu.wait_dma2 semaphore(%arg15 : memref<!tpu.dma_semaphore, #tpu.memory_space<semaphore_mem>>) src(%arg8 : memref<100x128xf32, #tpu.memory_space<vmem>>) dst(%dma_wait3A_213 : memref<100x128xf32, #tpu.memory_space<vmem_shared>>)
        %add3A_214 = arith.constant 3 : i32
        %add3A_215 = arith.addi %mul3A_180, %add3A_214 : i32
        %dma_start3A_216 = arith.constant 0 : i32
        %dma_start3A_217 = tpu.memref_slice %arg6[%add3A_215, %dma_start3A_216] : memref<20x100xi32, #tpu.memory_space<vmem>> -> memref<1x100xi32, #tpu.memory_space<vmem>>
        %dma_start3A_218 = tpu.memref_squeeze %dma_start3A_217 : memref<1x100xi32, #tpu.memory_space<vmem>> -> memref<100xi32, #tpu.memory_space<vmem>>
        %dma_start3A_219 = arith.constant 0 : i32
        %dma_start3A_220 = arith.constant 0 : i32
        %dma_start3A_221 = tpu.memref_slice %arg2[%dma_start3A_219, %dma_start3A_220] : memref<10000x128xf32, #tpu.memory_space<hbm>> -> memref<10000x128xf32, #tpu.memory_space<hbm>>
        tpu.enqueue_indirect_dma source(%dma_start3A_221 : memref<10000x128xf32, #tpu.memory_space<hbm>>) target(%arg8 : memref<100x128xf32, #tpu.memory_space<vmem>>) offsets(%dma_start3A_218 : memref<100xi32, #tpu.memory_space<vmem>>) semaphore(%arg12 : memref<!tpu.dma_semaphore, #tpu.memory_space<semaphore_mem>>)
        %dma_wait3A_222 = arith.constant 0 : i32
        %dma_wait3A_223 = arith.constant 0 : i32
        %dma_wait3A_224 = tpu.memref_slice %arg6[%dma_wait3A_222, %dma_wait3A_223] : memref<20x100xi32, #tpu.memory_space<vmem>> -> memref<1x100xi32, #tpu.memory_space<vmem>>
        %dma_wait3A_225 = tpu.memref_squeeze %dma_wait3A_224 : memref<1x100xi32, #tpu.memory_space<vmem>> -> memref<100xi32, #tpu.memory_space<vmem>>
        %dma_wait3A_226 = arith.constant 0 : i32
        %dma_wait3A_227 = arith.constant 0 : i32
        %dma_wait3A_228 = tpu.memref_slice %arg2[%dma_wait3A_226, %dma_wait3A_227] : memref<10000x128xf32, #tpu.memory_space<hbm>> -> memref<10000x128xf32, #tpu.memory_space<hbm>>
        tpu.wait_indirect_dma semaphore(%arg13 : memref<!tpu.dma_semaphore, #tpu.memory_space<semaphore_mem>>) src(%dma_wait3A_228 : memref<10000x128xf32, #tpu.memory_space<hbm>>) dst(%arg9 : memref<100x128xf32, #tpu.memory_space<vmem>>)
        %add3A_229 = arith.constant 1 : i32
        %add3A_230 = arith.addi %mul3A_180, %add3A_229 : i32
        %dma_start3A_231 = arith.constant 0 : i32
        %dma_start3A_232 = tpu.memref_slice %arg7[%add3A_230, %dma_start3A_231] : memref<20x100xi32, #tpu.memory_space<vmem>> -> memref<1x100xi32, #tpu.memory_space<vmem>>
        %dma_start3A_233 = tpu.memref_squeeze %dma_start3A_232 : memref<1x100xi32, #tpu.memory_space<vmem>> -> memref<100xi32, #tpu.memory_space<vmem>>
        %dma_start3A_234 = arith.constant 0 : i32
        %dma_start3A_235 = arith.constant 0 : i32
        %dma_start3A_236 = tpu.memref_slice %arg11[%dma_start3A_234, %dma_start3A_235] : memref<10000x128xf32, #tpu.memory_space<vmem_shared>> -> memref<10000x128xf32, #tpu.memory_space<vmem_shared>>
        tpu.enqueue_indirect_dma source(%arg9 : memref<100x128xf32, #tpu.memory_space<vmem>>) target(%dma_start3A_236 : memref<10000x128xf32, #tpu.memory_space<vmem_shared>>) offsets(%dma_start3A_233 : memref<100xi32, #tpu.memory_space<vmem>>) semaphore(%arg16 : memref<!tpu.dma_semaphore, #tpu.memory_space<semaphore_mem>>) {add = true}
        %dma_wait3A_237 = arith.constant 0 : i32
        %dma_wait3A_238 = arith.constant 0 : i32
        %dma_wait3A_239 = tpu.memref_slice %arg11[%dma_wait3A_237, %dma_wait3A_238] : memref<10000x128xf32, #tpu.memory_space<vmem_shared>> -> memref<100x128xf32, #tpu.memory_space<vmem_shared>>
        %dma_wait3A_240 = arith.constant 0 : i32
        %dma_wait3A_241 = arith.constant 0 : i32
        %dma_wait3A_242 = tpu.memref_slice %arg11[%dma_wait3A_240, %dma_wait3A_241] : memref<10000x128xf32, #tpu.memory_space<vmem_shared>> -> memref<100x128xf32, #tpu.memory_space<vmem_shared>>
        tpu.wait_dma2 semaphore(%arg16 : memref<!tpu.dma_semaphore, #tpu.memory_space<semaphore_mem>>) src(%arg9 : memref<100x128xf32, #tpu.memory_space<vmem>>) dst(%dma_wait3A_242 : memref<100x128xf32, #tpu.memory_space<vmem_shared>>)
        %add3A_243 = arith.constant 4 : i32
        %add3A_244 = arith.addi %mul3A_180, %add3A_243 : i32
        %dma_start3A_245 = arith.constant 0 : i32
        %dma_start3A_246 = tpu.memref_slice %arg6[%add3A_244, %dma_start3A_245] : memref<20x100xi32, #tpu.memory_space<vmem>> -> memref<1x100xi32, #tpu.memory_space<vmem>>
        %dma_start3A_247 = tpu.memref_squeeze %dma_start3A_246 : memref<1x100xi32, #tpu.memory_space<vmem>> -> memref<100xi32, #tpu.memory_space<vmem>>
        %dma_start3A_248 = arith.constant 0 : i32
        %dma_start3A_249 = arith.constant 0 : i32
        %dma_start3A_250 = tpu.memref_slice %arg2[%dma_start3A_248, %dma_start3A_249] : memref<10000x128xf32, #tpu.memory_space<hbm>> -> memref<10000x128xf32, #tpu.memory_space<hbm>>
        tpu.enqueue_indirect_dma source(%dma_start3A_250 : memref<10000x128xf32, #tpu.memory_space<hbm>>) target(%arg9 : memref<100x128xf32, #tpu.memory_space<vmem>>) offsets(%dma_start3A_247 : memref<100xi32, #tpu.memory_space<vmem>>) semaphore(%arg13 : memref<!tpu.dma_semaphore, #tpu.memory_space<semaphore_mem>>)
        %dma_wait3A_251 = arith.constant 0 : i32
        %dma_wait3A_252 = arith.constant 0 : i32
        %dma_wait3A_253 = tpu.memref_slice %arg6[%dma_wait3A_251, %dma_wait3A_252] : memref<20x100xi32, #tpu.memory_space<vmem>> -> memref<1x100xi32, #tpu.memory_space<vmem>>
        %dma_wait3A_254 = tpu.memref_squeeze %dma_wait3A_253 : memref<1x100xi32, #tpu.memory_space<vmem>> -> memref<100xi32, #tpu.memory_space<vmem>>
        %dma_wait3A_255 = arith.constant 0 : i32
        %dma_wait3A_256 = arith.constant 0 : i32
        %dma_wait3A_257 = tpu.memref_slice %arg2[%dma_wait3A_255, %dma_wait3A_256] : memref<10000x128xf32, #tpu.memory_space<hbm>> -> memref<10000x128xf32, #tpu.memory_space<hbm>>
        tpu.wait_indirect_dma semaphore(%arg14 : memref<!tpu.dma_semaphore, #tpu.memory_space<semaphore_mem>>) src(%dma_wait3A_257 : memref<10000x128xf32, #tpu.memory_space<hbm>>) dst(%arg10 : memref<100x128xf32, #tpu.memory_space<vmem>>)
        %add3A_258 = arith.constant 2 : i32
        %add3A_259 = arith.addi %mul3A_180, %add3A_258 : i32
        %dma_start3A_260 = arith.constant 0 : i32
        %dma_start3A_261 = tpu.memref_slice %arg7[%add3A_259, %dma_start3A_260] : memref<20x100xi32, #tpu.memory_space<vmem>> -> memref<1x100xi32, #tpu.memory_space<vmem>>
        %dma_start3A_262 = tpu.memref_squeeze %dma_start3A_261 : memref<1x100xi32, #tpu.memory_space<vmem>> -> memref<100xi32, #tpu.memory_space<vmem>>
        %dma_start3A_263 = arith.constant 0 : i32
        %dma_start3A_264 = arith.constant 0 : i32
        %dma_start3A_265 = tpu.memref_slice %arg11[%dma_start3A_263, %dma_start3A_264] : memref<10000x128xf32, #tpu.memory_space<vmem_shared>> -> memref<10000x128xf32, #tpu.memory_space<vmem_shared>>
        tpu.enqueue_indirect_dma source(%arg10 : memref<100x128xf32, #tpu.memory_space<vmem>>) target(%dma_start3A_265 : memref<10000x128xf32, #tpu.memory_space<vmem_shared>>) offsets(%dma_start3A_262 : memref<100xi32, #tpu.memory_space<vmem>>) semaphore(%arg17 : memref<!tpu.dma_semaphore, #tpu.memory_space<semaphore_mem>>) {add = true}
      }
      %scan3A_131 = arith.constant 5 : i32
      %dma_wait3A_132 = arith.constant 0 : i32
      %dma_wait3A_133 = arith.constant 0 : i32
      %dma_wait3A_134 = tpu.memref_slice %arg11[%dma_wait3A_132, %dma_wait3A_133] : memref<10000x128xf32, #tpu.memory_space<vmem_shared>> -> memref<100x128xf32, #tpu.memory_space<vmem_shared>>
      %dma_wait3A_135 = arith.constant 0 : i32
      %dma_wait3A_136 = arith.constant 0 : i32
      %dma_wait3A_137 = tpu.memref_slice %arg11[%dma_wait3A_135, %dma_wait3A_136] : memref<10000x128xf32, #tpu.memory_space<vmem_shared>> -> memref<100x128xf32, #tpu.memory_space<vmem_shared>>
      tpu.wait_dma2 semaphore(%arg17 : memref<!tpu.dma_semaphore, #tpu.memory_space<semaphore_mem>>) src(%arg10 : memref<100x128xf32, #tpu.memory_space<vmem>>) dst(%dma_wait3A_137 : memref<100x128xf32, #tpu.memory_space<vmem_shared>>)
      %dma_wait3A_138 = arith.constant 0 : i32
      %dma_wait3A_139 = arith.constant 0 : i32
      %dma_wait3A_140 = tpu.memref_slice %arg6[%dma_wait3A_138, %dma_wait3A_139] : memref<20x100xi32, #tpu.memory_space<vmem>> -> memref<1x100xi32, #tpu.memory_space<vmem>>
      %dma_wait3A_141 = tpu.memref_squeeze %dma_wait3A_140 : memref<1x100xi32, #tpu.memory_space<vmem>> -> memref<100xi32, #tpu.memory_space<vmem>>
      %dma_wait3A_142 = arith.constant 0 : i32
      %dma_wait3A_143 = arith.constant 0 : i32
      %dma_wait3A_144 = tpu.memref_slice %arg2[%dma_wait3A_142, %dma_wait3A_143] : memref<10000x128xf32, #tpu.memory_space<hbm>> -> memref<10000x128xf32, #tpu.memory_space<hbm>>
      tpu.wait_indirect_dma semaphore(%arg12 : memref<!tpu.dma_semaphore, #tpu.memory_space<semaphore_mem>>) src(%dma_wait3A_144 : memref<10000x128xf32, #tpu.memory_space<hbm>>) dst(%arg8 : memref<100x128xf32, #tpu.memory_space<vmem>>)
      %dma_start3A_145 = arith.constant 18 : i32
      %dma_start3A_146 = arith.constant 0 : i32
      %dma_start3A_147 = tpu.memref_slice %arg7[%dma_start3A_145, %dma_start3A_146] : memref<20x100xi32, #tpu.memory_space<vmem>> -> memref<1x100xi32, #tpu.memory_space<vmem>>
      %dma_start3A_148 = tpu.memref_squeeze %dma_start3A_147 : memref<1x100xi32, #tpu.memory_space<vmem>> -> memref<100xi32, #tpu.memory_space<vmem>>
      %dma_start3A_149 = arith.constant 0 : i32
      %dma_start3A_150 = arith.constant 0 : i32
      %dma_start3A_151 = tpu.memref_slice %arg11[%dma_start3A_149, %dma_start3A_150] : memref<10000x128xf32, #tpu.memory_space<vmem_shared>> -> memref<10000x128xf32, #tpu.memory_space<vmem_shared>>
      tpu.enqueue_indirect_dma source(%arg8 : memref<100x128xf32, #tpu.memory_space<vmem>>) target(%dma_start3A_151 : memref<10000x128xf32, #tpu.memory_space<vmem_shared>>) offsets(%dma_start3A_148 : memref<100xi32, #tpu.memory_space<vmem>>) semaphore(%arg15 : memref<!tpu.dma_semaphore, #tpu.memory_space<semaphore_mem>>) {add = true}
      %dma_wait3A_152 = arith.constant 0 : i32
      %dma_wait3A_153 = arith.constant 0 : i32
      %dma_wait3A_154 = tpu.memref_slice %arg11[%dma_wait3A_152, %dma_wait3A_153] : memref<10000x128xf32, #tpu.memory_space<vmem_shared>> -> memref<100x128xf32, #tpu.memory_space<vmem_shared>>
      %dma_wait3A_155 = arith.constant 0 : i32
      %dma_wait3A_156 = arith.constant 0 : i32
      %dma_wait3A_157 = tpu.memref_slice %arg11[%dma_wait3A_155, %dma_wait3A_156] : memref<10000x128xf32, #tpu.memory_space<vmem_shared>> -> memref<100x128xf32, #tpu.memory_space<vmem_shared>>
      tpu.wait_dma2 semaphore(%arg15 : memref<!tpu.dma_semaphore, #tpu.memory_space<semaphore_mem>>) src(%arg8 : memref<100x128xf32, #tpu.memory_space<vmem>>) dst(%dma_wait3A_157 : memref<100x128xf32, #tpu.memory_space<vmem_shared>>)
      %dma_wait3A_158 = arith.constant 0 : i32
      %dma_wait3A_159 = arith.constant 0 : i32
      %dma_wait3A_160 = tpu.memref_slice %arg6[%dma_wait3A_158, %dma_wait3A_159] : memref<20x100xi32, #tpu.memory_space<vmem>> -> memref<1x100xi32, #tpu.memory_space<vmem>>
      %dma_wait3A_161 = tpu.memref_squeeze %dma_wait3A_160 : memref<1x100xi32, #tpu.memory_space<vmem>> -> memref<100xi32, #tpu.memory_space<vmem>>
      %dma_wait3A_162 = arith.constant 0 : i32
      %dma_wait3A_163 = arith.constant 0 : i32
      %dma_wait3A_164 = tpu.memref_slice %arg2[%dma_wait3A_162, %dma_wait3A_163] : memref<10000x128xf32, #tpu.memory_space<hbm>> -> memref<10000x128xf32, #tpu.memory_space<hbm>>
      tpu.wait_indirect_dma semaphore(%arg13 : memref<!tpu.dma_semaphore, #tpu.memory_space<semaphore_mem>>) src(%dma_wait3A_164 : memref<10000x128xf32, #tpu.memory_space<hbm>>) dst(%arg9 : memref<100x128xf32, #tpu.memory_space<vmem>>)
      %dma_start3A_165 = arith.constant 19 : i32
      %dma_start3A_166 = arith.constant 0 : i32
      %dma_start3A_167 = tpu.memref_slice %arg7[%dma_start3A_165, %dma_start3A_166] : memref<20x100xi32, #tpu.memory_space<vmem>> -> memref<1x100xi32, #tpu.memory_space<vmem>>
      %dma_start3A_168 = tpu.memref_squeeze %dma_start3A_167 : memref<1x100xi32, #tpu.memory_space<vmem>> -> memref<100xi32, #tpu.memory_space<vmem>>
      %dma_start3A_169 = arith.constant 0 : i32
      %dma_start3A_170 = arith.constant 0 : i32
      %dma_start3A_171 = tpu.memref_slice %arg11[%dma_start3A_169, %dma_start3A_170] : memref<10000x128xf32, #tpu.memory_space<vmem_shared>> -> memref<10000x128xf32, #tpu.memory_space<vmem_shared>>
      tpu.enqueue_indirect_dma source(%arg9 : memref<100x128xf32, #tpu.memory_space<vmem>>) target(%dma_start3A_171 : memref<10000x128xf32, #tpu.memory_space<vmem_shared>>) offsets(%dma_start3A_168 : memref<100xi32, #tpu.memory_space<vmem>>) semaphore(%arg16 : memref<!tpu.dma_semaphore, #tpu.memory_space<semaphore_mem>>) {add = true}
      %dma_wait3A_172 = arith.constant 0 : i32
      %dma_wait3A_173 = arith.constant 0 : i32
      %dma_wait3A_174 = tpu.memref_slice %arg11[%dma_wait3A_172, %dma_wait3A_173] : memref<10000x128xf32, #tpu.memory_space<vmem_shared>> -> memref<100x128xf32, #tpu.memory_space<vmem_shared>>
      %dma_wait3A_175 = arith.constant 0 : i32
      %dma_wait3A_176 = arith.constant 0 : i32
      %dma_wait3A_177 = tpu.memref_slice %arg11[%dma_wait3A_175, %dma_wait3A_176] : memref<10000x128xf32, #tpu.memory_space<vmem_shared>> -> memref<100x128xf32, #tpu.memory_space<vmem_shared>>
      tpu.wait_dma2 semaphore(%arg16 : memref<!tpu.dma_semaphore, #tpu.memory_space<semaphore_mem>>) src(%arg9 : memref<100x128xf32, #tpu.memory_space<vmem>>) dst(%dma_wait3A_177 : memref<100x128xf32, #tpu.memory_space<vmem_shared>>)
    }
    %scan3A_26 = arith.constant 5 : i32
    %barrier3A_27 = arith.constant 0 : index
    tpu.barrier barrier_id(%barrier3A_27)
    %while3A_28 = arith.constant 0 : i32
    %while3A_29 = arith.constant 0 : i32
    %while3A_30 = arith.subi %select_n3A, %while3A_29 : i32
    %while3A_31 = arith.addi %while3A_29, %while3A_30 : i32
    %while3A_32 = arith.constant 1 : i32
    %while3A_33 = arith.divsi %while3A_30, %while3A_32 : i32
    %while3A_34 = arith.muli %while3A_33, %while3A_32 : i32
    %while3A_35 = arith.addi %while3A_29, %while3A_34 : i32
    %while3A_36 = arith.constant 1 : i32
    scf.for %while3A_38 = %while3A_29 to %while3A_35 step %while3A_36  : i32 {
      %mul3A_39 = arith.constant 80 : i32
      %mul3A_40 = arith.muli %while3A_38, %mul3A_39 : i32
      %add3A_41 = arith.addi %mul3A_11, %mul3A_40 : i32
      %multiple_of3A = tpu.assume_multiple %add3A_41, 80 : i32
      "tpu.region"() ({
        %run_scoped3A = tpu.sem_alloc : memref<!tpu.dma_semaphore, #tpu.memory_space<semaphore_mem>>
        %dma_start3A = arith.constant 0 : i32
        %dma_start3A_42 = tpu.memref_slice %arg5[%arg0, %multiple_of3A, %dma_start3A] : memref<2x10000x128xf32, #tpu.memory_space<hbm>> -> memref<1x80x128xf32, #tpu.memory_space<hbm>>
        %dma_start3A_43 = tpu.memref_squeeze %dma_start3A_42 : memref<1x80x128xf32, #tpu.memory_space<hbm>> -> memref<80x128xf32, #tpu.memory_space<hbm>>
        %dma_start3A_44 = arith.constant 0 : i32
        %dma_start3A_45 = tpu.memref_slice %arg11[%multiple_of3A, %dma_start3A_44] : memref<10000x128xf32, #tpu.memory_space<vmem_shared>> -> memref<80x128xf32, #tpu.memory_space<vmem_shared>>
        tpu.enqueue_dma source(%dma_start3A_45 : memref<80x128xf32, #tpu.memory_space<vmem_shared>>) target(%dma_start3A_43 : memref<80x128xf32, #tpu.memory_space<hbm>>) target_semaphore(%run_scoped3A : memref<!tpu.dma_semaphore, #tpu.memory_space<semaphore_mem>>)
        %dma_wait3A = arith.constant 0 : i32
        %dma_wait3A_46 = tpu.memref_slice %arg5[%arg0, %multiple_of3A, %dma_wait3A] : memref<2x10000x128xf32, #tpu.memory_space<hbm>> -> memref<1x80x128xf32, #tpu.memory_space<hbm>>
        %dma_wait3A_47 = tpu.memref_squeeze %dma_wait3A_46 : memref<1x80x128xf32, #tpu.memory_space<hbm>> -> memref<80x128xf32, #tpu.memory_space<hbm>>
        %dma_wait3A_48 = arith.constant 0 : i32
        %dma_wait3A_49 = tpu.memref_slice %arg11[%multiple_of3A, %dma_wait3A_48] : memref<10000x128xf32, #tpu.memory_space<vmem_shared>> -> memref<80x128xf32, #tpu.memory_space<vmem_shared>>
        tpu.wait_dma2 semaphore(%run_scoped3A : memref<!tpu.dma_semaphore, #tpu.memory_space<semaphore_mem>>) src(%dma_wait3A_49 : memref<80x128xf32, #tpu.memory_space<vmem_shared>>) dst(%dma_wait3A_47 : memref<80x128xf32, #tpu.memory_space<hbm>>)
        tpu.yield
      }) : () -> ()
    }
    %while3A_37 = arith.constant 1 : i32
    scf.for %while3A_38 = %while3A_35 to %while3A_31 step %while3A_37  : i32 {
      %mul3A_39 = arith.constant 80 : i32
      %mul3A_40 = arith.muli %while3A_38, %mul3A_39 : i32
      %add3A_41 = arith.addi %mul3A_11, %mul3A_40 : i32
      %multiple_of3A = tpu.assume_multiple %add3A_41, 80 : i32
      "tpu.region"() ({
        %run_scoped3A = tpu.sem_alloc : memref<!tpu.dma_semaphore, #tpu.memory_space<semaphore_mem>>
        %dma_start3A = arith.constant 0 : i32
        %dma_start3A_42 = tpu.memref_slice %arg5[%arg0, %multiple_of3A, %dma_start3A] : memref<2x10000x128xf32, #tpu.memory_space<hbm>> -> memref<1x80x128xf32, #tpu.memory_space<hbm>>
        %dma_start3A_43 = tpu.memref_squeeze %dma_start3A_42 : memref<1x80x128xf32, #tpu.memory_space<hbm>> -> memref<80x128xf32, #tpu.memory_space<hbm>>
        %dma_start3A_44 = arith.constant 0 : i32
        %dma_start3A_45 = tpu.memref_slice %arg11[%multiple_of3A, %dma_start3A_44] : memref<10000x128xf32, #tpu.memory_space<vmem_shared>> -> memref<80x128xf32, #tpu.memory_space<vmem_shared>>
        tpu.enqueue_dma source(%dma_start3A_45 : memref<80x128xf32, #tpu.memory_space<vmem_shared>>) target(%dma_start3A_43 : memref<80x128xf32, #tpu.memory_space<hbm>>) target_semaphore(%run_scoped3A : memref<!tpu.dma_semaphore, #tpu.memory_space<semaphore_mem>>)
        %dma_wait3A = arith.constant 0 : i32
        %dma_wait3A_46 = tpu.memref_slice %arg5[%arg0, %multiple_of3A, %dma_wait3A] : memref<2x10000x128xf32, #tpu.memory_space<hbm>> -> memref<1x80x128xf32, #tpu.memory_space<hbm>>
        %dma_wait3A_47 = tpu.memref_squeeze %dma_wait3A_46 : memref<1x80x128xf32, #tpu.memory_space<hbm>> -> memref<80x128xf32, #tpu.memory_space<hbm>>
        %dma_wait3A_48 = arith.constant 0 : i32
        %dma_wait3A_49 = tpu.memref_slice %arg11[%multiple_of3A, %dma_wait3A_48] : memref<10000x128xf32, #tpu.memory_space<vmem_shared>> -> memref<80x128xf32, #tpu.memory_space<vmem_shared>>
        tpu.wait_dma2 semaphore(%run_scoped3A : memref<!tpu.dma_semaphore, #tpu.memory_space<semaphore_mem>>) src(%dma_wait3A_49 : memref<80x128xf32, #tpu.memory_space<vmem_shared>>) dst(%dma_wait3A_47 : memref<80x128xf32, #tpu.memory_space<hbm>>)
        tpu.yield
      }) : () -> ()
    }
    return
  }
}

#map = affine_map<(d0, d1) -> (0, 0)>
#map1 = affine_map<(d0, d1) -> (0, 0, 0, 0)>
#map2 = affine_map<(d0, d1) -> (0, 0, 0)>
module attributes {stable_mosaic.version = 14 : i64} {
  func.func @scatter_k(%arg0: i32, %arg1: i32, %arg2: memref<10000x128xf32, #tpu.memory_space<hbm>>, %arg3: memref<32x5x20x100xi32, #tpu.memory_space<hbm>>, %arg4: memref<32x5x20x100xi32, #tpu.memory_space<hbm>>, %arg5: memref<2x10000x128xf32, #tpu.memory_space<hbm>>, %arg6: memref<20x100xi32, #tpu.memory_space<vmem>>, %arg7: memref<20x100xi32, #tpu.memory_space<vmem>>, %arg8: memref<100x128xf32, #tpu.memory_space<vmem>>, %arg9: memref<100x128xf32, #tpu.memory_space<vmem>>, %arg10: memref<100x128xf32, #tpu.memory_space<vmem>>, %arg11: memref<10000x128xf32, #tpu.memory_space<vmem_shared>>, %arg12: memref<!tpu.dma_semaphore, #tpu.memory_space<semaphore_mem>>, %arg13: memref<!tpu.dma_semaphore, #tpu.memory_space<semaphore_mem>>, %arg14: memref<!tpu.dma_semaphore, #tpu.memory_space<semaphore_mem>>, %arg15: memref<!tpu.dma_semaphore, #tpu.memory_space<semaphore_mem>>, %arg16: memref<!tpu.dma_semaphore, #tpu.memory_space<semaphore_mem>>, %arg17: memref<!tpu.dma_semaphore, #tpu.memory_space<semaphore_mem>>) attributes {dimension_semantics = [#tpu.dimension_semantics<core_parallel>, #tpu.dimension_semantics<subcore_parallel>], iteration_bounds = array<i64: 2, 16>, scalar_prefetch = 0 : i64, scratch_operands = 12 : i64, tpu.core_type = #tpu.core_type<sc_vector_subcore>, window_params = [{transform_indices = #map}, {transform_indices = #map1}, {transform_indices = #map1}, {transform_indices = #map2}]} {
    %mul3A = arith.constant 16 : i32
    %mul3A_0 = arith.muli %arg0, %mul3A : i32
    %add3A = arith.addi %mul3A_0, %arg1 : i32
    %scan3A = arith.constant 0 : i32
    %scan3A_1 = arith.constant 0 : i32
    %scan3A_2 = arith.constant 640 : i32
    %scan3A_3 = arith.addi %scan3A_1, %scan3A_2 : i32
    %scan3A_4 = arith.constant 1 : i32
    scf.for %scan3A_38 = %scan3A_1 to %scan3A_3 step %scan3A_4  : i32 {
      %broadcast_in_dim3A = arith.constant 0.000000e+00 : f32
      %broadcast_in_dim3A_39 = vector.broadcast %broadcast_in_dim3A : f32 to vector<16xf32>
      %jit3A_40 = arith.constant 8 : i32
      %div3A = arith.divsi %scan3A_38, %jit3A_40 : i32
      %sign3A = arith.constant 0 : i32
      %sign3A_41 = arith.cmpi sgt, %scan3A_38, %sign3A : i32
      %sign3A_42 = arith.extui %sign3A_41 : i1 to i32
      %sign3A_43 = arith.constant 0 : i32
      %sign3A_44 = arith.cmpi slt, %scan3A_38, %sign3A_43 : i32
      %sign3A_45 = arith.extui %sign3A_44 : i1 to i32
      %sign3A_46 = arith.subi %sign3A_42, %sign3A_45 : i32
      %sign3A_47 = arith.constant 0 : i32
      %sign3A_48 = arith.cmpi sgt, %jit3A_40, %sign3A_47 : i32
      %sign3A_49 = arith.extui %sign3A_48 : i1 to i32
      %sign3A_50 = arith.constant 0 : i32
      %sign3A_51 = arith.cmpi slt, %jit3A_40, %sign3A_50 : i32
      %sign3A_52 = arith.extui %sign3A_51 : i1 to i32
      %sign3A_53 = arith.subi %sign3A_49, %sign3A_52 : i32
      %ne3A = arith.cmpi ne, %sign3A_46, %sign3A_53 : i32
      %rem3A = arith.remsi %scan3A_38, %jit3A_40 : i32
      %ne3A_54 = arith.constant 0 : i32
      %ne3A_55 = arith.cmpi ne, %rem3A, %ne3A_54 : i32
      %and3A = arith.andi %ne3A, %ne3A_55 : i1
      %sub3A = arith.constant 1 : i32
      %sub3A_56 = arith.subi %div3A, %sub3A : i32
      %select_n3A_57 = arith.select %and3A, %sub3A_56, %div3A : i32
      %jit3A_58 = arith.constant 8 : i32
      %eq3A = arith.constant 0 : i32
      %eq3A_59 = arith.cmpi eq, %jit3A_58, %eq3A : i32
      %jit3A_60 = arith.constant 1 : i32
      %select_n3A_61 = arith.select %eq3A_59, %jit3A_60, %jit3A_58 : i32
      %rem3A_62 = arith.remsi %scan3A_38, %select_n3A_61 : i32
      %ne3A_63 = arith.constant 0 : i32
      %ne3A_64 = arith.cmpi ne, %rem3A_62, %ne3A_63 : i32
      %lt3A_65 = arith.constant 0 : i32
      %lt3A_66 = arith.cmpi slt, %rem3A_62, %lt3A_65 : i32
      %lt3A_67 = arith.constant 0 : i32
      %lt3A_68 = arith.cmpi slt, %select_n3A_61, %lt3A_67 : i32
      %ne3A_69 = arith.xori %lt3A_66, %lt3A_68 : i1
      %and3A_70 = arith.andi %ne3A_69, %ne3A_64 : i1
      %add3A_71 = arith.addi %rem3A_62, %select_n3A_61 : i32
      %select_n3A_72 = arith.select %and3A_70, %add3A_71, %rem3A_62 : i32
      %mul3A_73 = arith.constant 16 : i32
      %mul3A_74 = arith.muli %select_n3A_72, %mul3A_73 : i32
      %swap3A = arith.index_cast %select_n3A_57 : i32 to index
      %swap3A_75 = arith.index_cast %mul3A_74 : i32 to index
      %swap3A_76 = tpu.vector_load %arg8[%swap3A, %swap3A_75] {strides = array<i32>} : memref<100x128xf32, #tpu.memory_space<vmem>>, vector<1x16xf32>,
      %swap3A_77 = vector.shape_cast %swap3A_76 : vector<1x16xf32> to vector<16xf32>
      %swap3A_78 = vector.shape_cast %broadcast_in_dim3A_39 : vector<16xf32> to vector<1x16xf32>
      tpu.vector_store %arg8[%swap3A, %swap3A_75], %swap3A_78 {strides = array<i32>} : memref<100x128xf32, #tpu.memory_space<vmem>>, vector<1x16xf32>,
    }
    %scan3A_5 = arith.constant 640 : i32
    %lt3A = arith.constant 15 : i32
    %lt3A_6 = arith.cmpi slt, %arg1, %lt3A : i32
    %jit3A = arith.constant 8 : i32
    %jit3A_7 = arith.constant 5 : i32
    %select_n3A = arith.select %lt3A_6, %jit3A, %jit3A_7 : i32
    %mul3A_8 = arith.constant 8 : i32
    %mul3A_9 = arith.muli %arg1, %mul3A_8 : i32
    %mul3A_10 = arith.constant 80 : i32
    %mul3A_11 = arith.muli %mul3A_9, %mul3A_10 : i32
    %while3A = arith.constant 0 : i32
    %while3A_12 = arith.constant 0 : i32
    %while3A_13 = arith.subi %select_n3A, %while3A_12 : i32
    %while3A_14 = arith.addi %while3A_12, %while3A_13 : i32
    %while3A_15 = arith.constant 1 : i32
    %while3A_16 = arith.divsi %while3A_13, %while3A_15 : i32
    %while3A_17 = arith.muli %while3A_16, %while3A_15 : i32
    %while3A_18 = arith.addi %while3A_12, %while3A_17 : i32
    %while3A_19 = arith.constant 1 : i32
    scf.for %while3A_38 = %while3A_12 to %while3A_18 step %while3A_19  : i32 {
      %mul3A_39 = arith.constant 80 : i32
      %mul3A_40 = arith.muli %while3A_38, %mul3A_39 : i32
      %add3A_41 = arith.addi %mul3A_11, %mul3A_40 : i32
      %multiple_of3A = tpu.assume_multiple %add3A_41, 80 : i32
      "tpu.region"() ({
        %run_scoped3A = tpu.sem_alloc : memref<!tpu.dma_semaphore, #tpu.memory_space<semaphore_mem>>
        %dma_start3A = arith.constant 0 : i32
        %dma_start3A_42 = arith.constant 0 : i32
        %dma_start3A_43 = tpu.memref_slice %arg8[%dma_start3A, %dma_start3A_42] : memref<100x128xf32, #tpu.memory_space<vmem>> -> memref<80x128xf32, #tpu.memory_space<vmem>>
        %dma_start3A_44 = arith.constant 0 : i32
        %dma_start3A_45 = tpu.memref_slice %arg11[%multiple_of3A, %dma_start3A_44] : memref<10000x128xf32, #tpu.memory_space<vmem_shared>> -> memref<80x128xf32, #tpu.memory_space<vmem_shared>>
        %dma_start3A_46 = arith.constant 0 : i32
        %dma_start3A_47 = tpu.memref_slice %arg11[%multiple_of3A, %dma_start3A_46] : memref<10000x128xf32, #tpu.memory_space<vmem_shared>> -> memref<80x128xf32, #tpu.memory_space<vmem_shared>>
        %dma_start3A_48 = arith.constant 0 : i32
        %dma_start3A_49 = arith.constant 0 : i32
        %dma_start3A_50 = tpu.memref_slice %arg8[%dma_start3A_48, %dma_start3A_49] : memref<100x128xf32, #tpu.memory_space<vmem>> -> memref<80x128xf32, #tpu.memory_space<vmem>>
        tpu.enqueue_dma source(%dma_start3A_50 : memref<80x128xf32, #tpu.memory_space<vmem>>) target(%dma_start3A_47 : memref<80x128xf32, #tpu.memory_space<vmem_shared>>) target_semaphore(%run_scoped3A : memref<!tpu.dma_semaphore, #tpu.memory_space<semaphore_mem>>)
        %dma_wait3A = arith.constant 0 : i32
        %dma_wait3A_51 = arith.constant 0 : i32
        %dma_wait3A_52 = tpu.memref_slice %arg8[%dma_wait3A, %dma_wait3A_51] : memref<100x128xf32, #tpu.memory_space<vmem>> -> memref<80x128xf32, #tpu.memory_space<vmem>>
        %dma_wait3A_53 = arith.constant 0 : i32
        %dma_wait3A_54 = tpu.memref_slice %arg11[%multiple_of3A, %dma_wait3A_53] : memref<10000x128xf32, #tpu.memory_space<vmem_shared>> -> memref<80x128xf32, #tpu.memory_space<vmem_shared>>
        %dma_wait3A_55 = arith.constant 0 : i32
        %dma_wait3A_56 = tpu.memref_slice %arg11[%multiple_of3A, %dma_wait3A_55] : memref<10000x128xf32, #tpu.memory_space<vmem_shared>> -> memref<80x128xf32, #tpu.memory_space<vmem_shared>>
        %dma_wait3A_57 = arith.constant 0 : i32
        %dma_wait3A_58 = arith.constant 0 : i32
        %dma_wait3A_59 = tpu.memref_slice %arg8[%dma_wait3A_57, %dma_wait3A_58] : memref<100x128xf32, #tpu.memory_space<vmem>> -> memref<80x128xf32, #tpu.memory_space<vmem>>
        tpu.wait_dma2 semaphore(%run_scoped3A : memref<!tpu.dma_semaphore, #tpu.memory_space<semaphore_mem>>) src(%dma_wait3A_59 : memref<80x128xf32, #tpu.memory_space<vmem>>) dst(%dma_wait3A_56 : memref<80x128xf32, #tpu.memory_space<vmem_shared>>)
        tpu.yield
      }) : () -> ()
    }
    %while3A_20 = arith.constant 1 : i32
    scf.for %while3A_38 = %while3A_18 to %while3A_14 step %while3A_20  : i32 {
      %mul3A_39 = arith.constant 80 : i32
      %mul3A_40 = arith.muli %while3A_38, %mul3A_39 : i32
      %add3A_41 = arith.addi %mul3A_11, %mul3A_40 : i32
      %multiple_of3A = tpu.assume_multiple %add3A_41, 80 : i32
      "tpu.region"() ({
        %run_scoped3A = tpu.sem_alloc : memref<!tpu.dma_semaphore, #tpu.memory_space<semaphore_mem>>
        %dma_start3A = arith.constant 0 : i32
        %dma_start3A_42 = arith.constant 0 : i32
        %dma_start3A_43 = tpu.memref_slice %arg8[%dma_start3A, %dma_start3A_42] : memref<100x128xf32, #tpu.memory_space<vmem>> -> memref<80x128xf32, #tpu.memory_space<vmem>>
        %dma_start3A_44 = arith.constant 0 : i32
        %dma_start3A_45 = tpu.memref_slice %arg11[%multiple_of3A, %dma_start3A_44] : memref<10000x128xf32, #tpu.memory_space<vmem_shared>> -> memref<80x128xf32, #tpu.memory_space<vmem_shared>>
        %dma_start3A_46 = arith.constant 0 : i32
        %dma_start3A_47 = tpu.memref_slice %arg11[%multiple_of3A, %dma_start3A_46] : memref<10000x128xf32, #tpu.memory_space<vmem_shared>> -> memref<80x128xf32, #tpu.memory_space<vmem_shared>>
        %dma_start3A_48 = arith.constant 0 : i32
        %dma_start3A_49 = arith.constant 0 : i32
        %dma_start3A_50 = tpu.memref_slice %arg8[%dma_start3A_48, %dma_start3A_49] : memref<100x128xf32, #tpu.memory_space<vmem>> -> memref<80x128xf32, #tpu.memory_space<vmem>>
        tpu.enqueue_dma source(%dma_start3A_50 : memref<80x128xf32, #tpu.memory_space<vmem>>) target(%dma_start3A_47 : memref<80x128xf32, #tpu.memory_space<vmem_shared>>) target_semaphore(%run_scoped3A : memref<!tpu.dma_semaphore, #tpu.memory_space<semaphore_mem>>)
        %dma_wait3A = arith.constant 0 : i32
        %dma_wait3A_51 = arith.constant 0 : i32
        %dma_wait3A_52 = tpu.memref_slice %arg8[%dma_wait3A, %dma_wait3A_51] : memref<100x128xf32, #tpu.memory_space<vmem>> -> memref<80x128xf32, #tpu.memory_space<vmem>>
        %dma_wait3A_53 = arith.constant 0 : i32
        %dma_wait3A_54 = tpu.memref_slice %arg11[%multiple_of3A, %dma_wait3A_53] : memref<10000x128xf32, #tpu.memory_space<vmem_shared>> -> memref<80x128xf32, #tpu.memory_space<vmem_shared>>
        %dma_wait3A_55 = arith.constant 0 : i32
        %dma_wait3A_56 = tpu.memref_slice %arg11[%multiple_of3A, %dma_wait3A_55] : memref<10000x128xf32, #tpu.memory_space<vmem_shared>> -> memref<80x128xf32, #tpu.memory_space<vmem_shared>>
        %dma_wait3A_57 = arith.constant 0 : i32
        %dma_wait3A_58 = arith.constant 0 : i32
        %dma_wait3A_59 = tpu.memref_slice %arg8[%dma_wait3A_57, %dma_wait3A_58] : memref<100x128xf32, #tpu.memory_space<vmem>> -> memref<80x128xf32, #tpu.memory_space<vmem>>
        tpu.wait_dma2 semaphore(%run_scoped3A : memref<!tpu.dma_semaphore, #tpu.memory_space<semaphore_mem>>) src(%dma_wait3A_59 : memref<80x128xf32, #tpu.memory_space<vmem>>) dst(%dma_wait3A_56 : memref<80x128xf32, #tpu.memory_space<vmem_shared>>)
        tpu.yield
      }) : () -> ()
    }
    %barrier3A = arith.constant 0 : index
    tpu.barrier barrier_id(%barrier3A)
    %scan3A_21 = arith.constant 0 : i32
    %scan3A_22 = arith.constant 0 : i32
    %scan3A_23 = arith.constant 5 : i32
    %scan3A_24 = arith.addi %scan3A_22, %scan3A_23 : i32
    %scan3A_25 = arith.constant 1 : i32
    scf.for %scan3A_38 = %scan3A_22 to %scan3A_24 step %scan3A_25  : i32 {
      "tpu.region"() ({
        %run_scoped3A = tpu.sem_alloc : memref<!tpu.dma_semaphore, #tpu.memory_space<semaphore_mem>>
        %dma_start3A_178 = arith.constant 0 : i32
        %dma_start3A_179 = arith.constant 0 : i32
        %dma_start3A_180 = tpu.memref_slice %arg3[%add3A, %scan3A_38, %dma_start3A_178, %dma_start3A_179] : memref<32x5x20x100xi32, #tpu.memory_space<hbm>> -> memref<1x1x20x100xi32, #tpu.memory_space<hbm>>
        %dma_start3A_181 = tpu.memref_squeeze %dma_start3A_180 : memref<1x1x20x100xi32, #tpu.memory_space<hbm>> -> memref<20x100xi32, #tpu.memory_space<hbm>>
        %dma_start3A_182 = arith.constant 0 : i32
        %dma_start3A_183 = arith.constant 0 : i32
        %dma_start3A_184 = tpu.memref_slice %arg3[%add3A, %scan3A_38, %dma_start3A_182, %dma_start3A_183] : memref<32x5x20x100xi32, #tpu.memory_space<hbm>> -> memref<1x1x20x100xi32, #tpu.memory_space<hbm>>
        %dma_start3A_185 = tpu.memref_squeeze %dma_start3A_184 : memref<1x1x20x100xi32, #tpu.memory_space<hbm>> -> memref<20x100xi32, #tpu.memory_space<hbm>>
        tpu.enqueue_dma source(%dma_start3A_185 : memref<20x100xi32, #tpu.memory_space<hbm>>) target(%arg6 : memref<20x100xi32, #tpu.memory_space<vmem>>) target_semaphore(%run_scoped3A : memref<!tpu.dma_semaphore, #tpu.memory_space<semaphore_mem>>)
        %dma_wait3A_186 = arith.constant 0 : i32
        %dma_wait3A_187 = arith.constant 0 : i32
        %dma_wait3A_188 = tpu.memref_slice %arg3[%add3A, %scan3A_38, %dma_wait3A_186, %dma_wait3A_187] : memref<32x5x20x100xi32, #tpu.memory_space<hbm>> -> memref<1x1x20x100xi32, #tpu.memory_space<hbm>>
        %dma_wait3A_189 = tpu.memref_squeeze %dma_wait3A_188 : memref<1x1x20x100xi32, #tpu.memory_space<hbm>> -> memref<20x100xi32, #tpu.memory_space<hbm>>
        %dma_wait3A_190 = arith.constant 0 : i32
        %dma_wait3A_191 = arith.constant 0 : i32
        %dma_wait3A_192 = tpu.memref_slice %arg3[%add3A, %scan3A_38, %dma_wait3A_190, %dma_wait3A_191] : memref<32x5x20x100xi32, #tpu.memory_space<hbm>> -> memref<1x1x20x100xi32, #tpu.memory_space<hbm>>
        %dma_wait3A_193 = tpu.memref_squeeze %dma_wait3A_192 : memref<1x1x20x100xi32, #tpu.memory_space<hbm>> -> memref<20x100xi32, #tpu.memory_space<hbm>>
        tpu.wait_dma2 semaphore(%run_scoped3A : memref<!tpu.dma_semaphore, #tpu.memory_space<semaphore_mem>>) src(%dma_wait3A_193 : memref<20x100xi32, #tpu.memory_space<hbm>>) dst(%arg6 : memref<20x100xi32, #tpu.memory_space<vmem>>)
        tpu.yield
      }) : () -> ()
      "tpu.region"() ({
        %run_scoped3A = tpu.sem_alloc : memref<!tpu.dma_semaphore, #tpu.memory_space<semaphore_mem>>
        %dma_start3A_178 = arith.constant 0 : i32
        %dma_start3A_179 = arith.constant 0 : i32
        %dma_start3A_180 = tpu.memref_slice %arg4[%add3A, %scan3A_38, %dma_start3A_178, %dma_start3A_179] : memref<32x5x20x100xi32, #tpu.memory_space<hbm>> -> memref<1x1x20x100xi32, #tpu.memory_space<hbm>>
        %dma_start3A_181 = tpu.memref_squeeze %dma_start3A_180 : memref<1x1x20x100xi32, #tpu.memory_space<hbm>> -> memref<20x100xi32, #tpu.memory_space<hbm>>
        %dma_start3A_182 = arith.constant 0 : i32
        %dma_start3A_183 = arith.constant 0 : i32
        %dma_start3A_184 = tpu.memref_slice %arg4[%add3A, %scan3A_38, %dma_start3A_182, %dma_start3A_183] : memref<32x5x20x100xi32, #tpu.memory_space<hbm>> -> memref<1x1x20x100xi32, #tpu.memory_space<hbm>>
        %dma_start3A_185 = tpu.memref_squeeze %dma_start3A_184 : memref<1x1x20x100xi32, #tpu.memory_space<hbm>> -> memref<20x100xi32, #tpu.memory_space<hbm>>
        tpu.enqueue_dma source(%dma_start3A_185 : memref<20x100xi32, #tpu.memory_space<hbm>>) target(%arg7 : memref<20x100xi32, #tpu.memory_space<vmem>>) target_semaphore(%run_scoped3A : memref<!tpu.dma_semaphore, #tpu.memory_space<semaphore_mem>>)
        %dma_wait3A_186 = arith.constant 0 : i32
        %dma_wait3A_187 = arith.constant 0 : i32
        %dma_wait3A_188 = tpu.memref_slice %arg4[%add3A, %scan3A_38, %dma_wait3A_186, %dma_wait3A_187] : memref<32x5x20x100xi32, #tpu.memory_space<hbm>> -> memref<1x1x20x100xi32, #tpu.memory_space<hbm>>
        %dma_wait3A_189 = tpu.memref_squeeze %dma_wait3A_188 : memref<1x1x20x100xi32, #tpu.memory_space<hbm>> -> memref<20x100xi32, #tpu.memory_space<hbm>>
        %dma_wait3A_190 = arith.constant 0 : i32
        %dma_wait3A_191 = arith.constant 0 : i32
        %dma_wait3A_192 = tpu.memref_slice %arg4[%add3A, %scan3A_38, %dma_wait3A_190, %dma_wait3A_191] : memref<32x5x20x100xi32, #tpu.memory_space<hbm>> -> memref<1x1x20x100xi32, #tpu.memory_space<hbm>>
        %dma_wait3A_193 = tpu.memref_squeeze %dma_wait3A_192 : memref<1x1x20x100xi32, #tpu.memory_space<hbm>> -> memref<20x100xi32, #tpu.memory_space<hbm>>
        tpu.wait_dma2 semaphore(%run_scoped3A : memref<!tpu.dma_semaphore, #tpu.memory_space<semaphore_mem>>) src(%dma_wait3A_193 : memref<20x100xi32, #tpu.memory_space<hbm>>) dst(%arg7 : memref<20x100xi32, #tpu.memory_space<vmem>>)
        tpu.yield
      }) : () -> ()
      %dma_start3A = arith.constant 0 : i32
      %dma_start3A_39 = arith.constant 0 : i32
      %dma_start3A_40 = tpu.memref_slice %arg6[%dma_start3A, %dma_start3A_39] : memref<20x100xi32, #tpu.memory_space<vmem>> -> memref<1x100xi32, #tpu.memory_space<vmem>>
      %dma_start3A_41 = tpu.memref_squeeze %dma_start3A_40 : memref<1x100xi32, #tpu.memory_space<vmem>> -> memref<100xi32, #tpu.memory_space<vmem>>
      %dma_start3A_42 = arith.constant 0 : i32
      %dma_start3A_43 = arith.constant 0 : i32
      %dma_start3A_44 = tpu.memref_slice %arg2[%dma_start3A_42, %dma_start3A_43] : memref<10000x128xf32, #tpu.memory_space<hbm>> -> memref<10000x128xf32, #tpu.memory_space<hbm>>
      tpu.enqueue_indirect_dma source(%dma_start3A_44 : memref<10000x128xf32, #tpu.memory_space<hbm>>) target(%arg8 : memref<100x128xf32, #tpu.memory_space<vmem>>) offsets(%dma_start3A_41 : memref<100xi32, #tpu.memory_space<vmem>>) semaphore(%arg12 : memref<!tpu.dma_semaphore, #tpu.memory_space<semaphore_mem>>)
      %dma_start3A_45 = arith.constant 1 : i32
      %dma_start3A_46 = arith.constant 0 : i32
      %dma_start3A_47 = tpu.memref_slice %arg6[%dma_start3A_45, %dma_start3A_46] : memref<20x100xi32, #tpu.memory_space<vmem>> -> memref<1x100xi32, #tpu.memory_space<vmem>>
      %dma_start3A_48 = tpu.memref_squeeze %dma_start3A_47 : memref<1x100xi32, #tpu.memory_space<vmem>> -> memref<100xi32, #tpu.memory_space<vmem>>
      %dma_start3A_49 = arith.constant 0 : i32
      %dma_start3A_50 = arith.constant 0 : i32
      %dma_start3A_51 = tpu.memref_slice %arg2[%dma_start3A_49, %dma_start3A_50] : memref<10000x128xf32, #tpu.memory_space<hbm>> -> memref<10000x128xf32, #tpu.memory_space<hbm>>
      tpu.enqueue_indirect_dma source(%dma_start3A_51 : memref<10000x128xf32, #tpu.memory_space<hbm>>) target(%arg9 : memref<100x128xf32, #tpu.memory_space<vmem>>) offsets(%dma_start3A_48 : memref<100xi32, #tpu.memory_space<vmem>>) semaphore(%arg13 : memref<!tpu.dma_semaphore, #tpu.memory_space<semaphore_mem>>)
      %dma_start3A_52 = arith.constant 2 : i32
      %dma_start3A_53 = arith.constant 0 : i32
      %dma_start3A_54 = tpu.memref_slice %arg6[%dma_start3A_52, %dma_start3A_53] : memref<20x100xi32, #tpu.memory_space<vmem>> -> memref<1x100xi32, #tpu.memory_space<vmem>>
      %dma_start3A_55 = tpu.memref_squeeze %dma_start3A_54 : memref<1x100xi32, #tpu.memory_space<vmem>> -> memref<100xi32, #tpu.memory_space<vmem>>
      %dma_start3A_56 = arith.constant 0 : i32
      %dma_start3A_57 = arith.constant 0 : i32
      %dma_start3A_58 = tpu.memref_slice %arg2[%dma_start3A_56, %dma_start3A_57] : memref<10000x128xf32, #tpu.memory_space<hbm>> -> memref<10000x128xf32, #tpu.memory_space<hbm>>
      tpu.enqueue_indirect_dma source(%dma_start3A_58 : memref<10000x128xf32, #tpu.memory_space<hbm>>) target(%arg10 : memref<100x128xf32, #tpu.memory_space<vmem>>) offsets(%dma_start3A_55 : memref<100xi32, #tpu.memory_space<vmem>>) semaphore(%arg14 : memref<!tpu.dma_semaphore, #tpu.memory_space<semaphore_mem>>)
      %dma_wait3A = arith.constant 0 : i32
      %dma_wait3A_59 = arith.constant 0 : i32
      %dma_wait3A_60 = tpu.memref_slice %arg6[%dma_wait3A, %dma_wait3A_59] : memref<20x100xi32, #tpu.memory_space<vmem>> -> memref<1x100xi32, #tpu.memory_space<vmem>>
      %dma_wait3A_61 = tpu.memref_squeeze %dma_wait3A_60 : memref<1x100xi32, #tpu.memory_space<vmem>> -> memref<100xi32, #tpu.memory_space<vmem>>
      %dma_wait3A_62 = arith.constant 0 : i32
      %dma_wait3A_63 = arith.constant 0 : i32
      %dma_wait3A_64 = tpu.memref_slice %arg2[%dma_wait3A_62, %dma_wait3A_63] : memref<10000x128xf32, #tpu.memory_space<hbm>> -> memref<10000x128xf32, #tpu.memory_space<hbm>>
      tpu.wait_indirect_dma semaphore(%arg12 : memref<!tpu.dma_semaphore, #tpu.memory_space<semaphore_mem>>) src(%dma_wait3A_64 : memref<10000x128xf32, #tpu.memory_space<hbm>>) dst(%arg8 : memref<100x128xf32, #tpu.memory_space<vmem>>)
      %dma_start3A_65 = arith.constant 0 : i32
      %dma_start3A_66 = arith.constant 0 : i32
      %dma_start3A_67 = tpu.memref_slice %arg7[%dma_start3A_65, %dma_start3A_66] : memref<20x100xi32, #tpu.memory_space<vmem>> -> memref<1x100xi32, #tpu.memory_space<vmem>>
      %dma_start3A_68 = tpu.memref_squeeze %dma_start3A_67 : memref<1x100xi32, #tpu.memory_space<vmem>> -> memref<100xi32, #tpu.memory_space<vmem>>
      %dma_start3A_69 = arith.constant 0 : i32
      %dma_start3A_70 = arith.constant 0 : i32
      %dma_start3A_71 = tpu.memref_slice %arg11[%dma_start3A_69, %dma_start3A_70] : memref<10000x128xf32, #tpu.memory_space<vmem_shared>> -> memref<10000x128xf32, #tpu.memory_space<vmem_shared>>
      tpu.enqueue_indirect_dma source(%arg8 : memref<100x128xf32, #tpu.memory_space<vmem>>) target(%dma_start3A_71 : memref<10000x128xf32, #tpu.memory_space<vmem_shared>>) offsets(%dma_start3A_68 : memref<100xi32, #tpu.memory_space<vmem>>) semaphore(%arg15 : memref<!tpu.dma_semaphore, #tpu.memory_space<semaphore_mem>>) {add = true}
      %dma_wait3A_72 = arith.constant 0 : i32
      %dma_wait3A_73 = arith.constant 0 : i32
      %dma_wait3A_74 = tpu.memref_slice %arg11[%dma_wait3A_72, %dma_wait3A_73] : memref<10000x128xf32, #tpu.memory_space<vmem_shared>> -> memref<100x128xf32, #tpu.memory_space<vmem_shared>>
      %dma_wait3A_75 = arith.constant 0 : i32
      %dma_wait3A_76 = arith.constant 0 : i32
      %dma_wait3A_77 = tpu.memref_slice %arg11[%dma_wait3A_75, %dma_wait3A_76] : memref<10000x128xf32, #tpu.memory_space<vmem_shared>> -> memref<100x128xf32, #tpu.memory_space<vmem_shared>>
      tpu.wait_dma2 semaphore(%arg15 : memref<!tpu.dma_semaphore, #tpu.memory_space<semaphore_mem>>) src(%arg8 : memref<100x128xf32, #tpu.memory_space<vmem>>) dst(%dma_wait3A_77 : memref<100x128xf32, #tpu.memory_space<vmem_shared>>)
      %dma_start3A_78 = arith.constant 3 : i32
      %dma_start3A_79 = arith.constant 0 : i32
      %dma_start3A_80 = tpu.memref_slice %arg6[%dma_start3A_78, %dma_start3A_79] : memref<20x100xi32, #tpu.memory_space<vmem>> -> memref<1x100xi32, #tpu.memory_space<vmem>>
      %dma_start3A_81 = tpu.memref_squeeze %dma_start3A_80 : memref<1x100xi32, #tpu.memory_space<vmem>> -> memref<100xi32, #tpu.memory_space<vmem>>
      %dma_start3A_82 = arith.constant 0 : i32
      %dma_start3A_83 = arith.constant 0 : i32
      %dma_start3A_84 = tpu.memref_slice %arg2[%dma_start3A_82, %dma_start3A_83] : memref<10000x128xf32, #tpu.memory_space<hbm>> -> memref<10000x128xf32, #tpu.memory_space<hbm>>
      tpu.enqueue_indirect_dma source(%dma_start3A_84 : memref<10000x128xf32, #tpu.memory_space<hbm>>) target(%arg8 : memref<100x128xf32, #tpu.memory_space<vmem>>) offsets(%dma_start3A_81 : memref<100xi32, #tpu.memory_space<vmem>>) semaphore(%arg12 : memref<!tpu.dma_semaphore, #tpu.memory_space<semaphore_mem>>)
      %dma_wait3A_85 = arith.constant 0 : i32
      %dma_wait3A_86 = arith.constant 0 : i32
      %dma_wait3A_87 = tpu.memref_slice %arg6[%dma_wait3A_85, %dma_wait3A_86] : memref<20x100xi32, #tpu.memory_space<vmem>> -> memref<1x100xi32, #tpu.memory_space<vmem>>
      %dma_wait3A_88 = tpu.memref_squeeze %dma_wait3A_87 : memref<1x100xi32, #tpu.memory_space<vmem>> -> memref<100xi32, #tpu.memory_space<vmem>>
      %dma_wait3A_89 = arith.constant 0 : i32
      %dma_wait3A_90 = arith.constant 0 : i32
      %dma_wait3A_91 = tpu.memref_slice %arg2[%dma_wait3A_89, %dma_wait3A_90] : memref<10000x128xf32, #tpu.memory_space<hbm>> -> memref<10000x128xf32, #tpu.memory_space<hbm>>
      tpu.wait_indirect_dma semaphore(%arg13 : memref<!tpu.dma_semaphore, #tpu.memory_space<semaphore_mem>>) src(%dma_wait3A_91 : memref<10000x128xf32, #tpu.memory_space<hbm>>) dst(%arg9 : memref<100x128xf32, #tpu.memory_space<vmem>>)
      %dma_start3A_92 = arith.constant 1 : i32
      %dma_start3A_93 = arith.constant 0 : i32
      %dma_start3A_94 = tpu.memref_slice %arg7[%dma_start3A_92, %dma_start3A_93] : memref<20x100xi32, #tpu.memory_space<vmem>> -> memref<1x100xi32, #tpu.memory_space<vmem>>
      %dma_start3A_95 = tpu.memref_squeeze %dma_start3A_94 : memref<1x100xi32, #tpu.memory_space<vmem>> -> memref<100xi32, #tpu.memory_space<vmem>>
      %dma_start3A_96 = arith.constant 0 : i32
      %dma_start3A_97 = arith.constant 0 : i32
      %dma_start3A_98 = tpu.memref_slice %arg11[%dma_start3A_96, %dma_start3A_97] : memref<10000x128xf32, #tpu.memory_space<vmem_shared>> -> memref<10000x128xf32, #tpu.memory_space<vmem_shared>>
      tpu.enqueue_indirect_dma source(%arg9 : memref<100x128xf32, #tpu.memory_space<vmem>>) target(%dma_start3A_98 : memref<10000x128xf32, #tpu.memory_space<vmem_shared>>) offsets(%dma_start3A_95 : memref<100xi32, #tpu.memory_space<vmem>>) semaphore(%arg16 : memref<!tpu.dma_semaphore, #tpu.memory_space<semaphore_mem>>) {add = true}
      %dma_wait3A_99 = arith.constant 0 : i32
      %dma_wait3A_100 = arith.constant 0 : i32
      %dma_wait3A_101 = tpu.memref_slice %arg11[%dma_wait3A_99, %dma_wait3A_100] : memref<10000x128xf32, #tpu.memory_space<vmem_shared>> -> memref<100x128xf32, #tpu.memory_space<vmem_shared>>
      %dma_wait3A_102 = arith.constant 0 : i32
      %dma_wait3A_103 = arith.constant 0 : i32
      %dma_wait3A_104 = tpu.memref_slice %arg11[%dma_wait3A_102, %dma_wait3A_103] : memref<10000x128xf32, #tpu.memory_space<vmem_shared>> -> memref<100x128xf32, #tpu.memory_space<vmem_shared>>
      tpu.wait_dma2 semaphore(%arg16 : memref<!tpu.dma_semaphore, #tpu.memory_space<semaphore_mem>>) src(%arg9 : memref<100x128xf32, #tpu.memory_space<vmem>>) dst(%dma_wait3A_104 : memref<100x128xf32, #tpu.memory_space<vmem_shared>>)
      %dma_start3A_105 = arith.constant 4 : i32
      %dma_start3A_106 = arith.constant 0 : i32
      %dma_start3A_107 = tpu.memref_slice %arg6[%dma_start3A_105, %dma_start3A_106] : memref<20x100xi32, #tpu.memory_space<vmem>> -> memref<1x100xi32, #tpu.memory_space<vmem>>
      %dma_start3A_108 = tpu.memref_squeeze %dma_start3A_107 : memref<1x100xi32, #tpu.memory_space<vmem>> -> memref<100xi32, #tpu.memory_space<vmem>>
      %dma_start3A_109 = arith.constant 0 : i32
      %dma_start3A_110 = arith.constant 0 : i32
      %dma_start3A_111 = tpu.memref_slice %arg2[%dma_start3A_109, %dma_start3A_110] : memref<10000x128xf32, #tpu.memory_space<hbm>> -> memref<10000x128xf32, #tpu.memory_space<hbm>>
      tpu.enqueue_indirect_dma source(%dma_start3A_111 : memref<10000x128xf32, #tpu.memory_space<hbm>>) target(%arg9 : memref<100x128xf32, #tpu.memory_space<vmem>>) offsets(%dma_start3A_108 : memref<100xi32, #tpu.memory_space<vmem>>) semaphore(%arg13 : memref<!tpu.dma_semaphore, #tpu.memory_space<semaphore_mem>>)
      %dma_wait3A_112 = arith.constant 0 : i32
      %dma_wait3A_113 = arith.constant 0 : i32
      %dma_wait3A_114 = tpu.memref_slice %arg6[%dma_wait3A_112, %dma_wait3A_113] : memref<20x100xi32, #tpu.memory_space<vmem>> -> memref<1x100xi32, #tpu.memory_space<vmem>>
      %dma_wait3A_115 = tpu.memref_squeeze %dma_wait3A_114 : memref<1x100xi32, #tpu.memory_space<vmem>> -> memref<100xi32, #tpu.memory_space<vmem>>
      %dma_wait3A_116 = arith.constant 0 : i32
      %dma_wait3A_117 = arith.constant 0 : i32
      %dma_wait3A_118 = tpu.memref_slice %arg2[%dma_wait3A_116, %dma_wait3A_117] : memref<10000x128xf32, #tpu.memory_space<hbm>> -> memref<10000x128xf32, #tpu.memory_space<hbm>>
      tpu.wait_indirect_dma semaphore(%arg14 : memref<!tpu.dma_semaphore, #tpu.memory_space<semaphore_mem>>) src(%dma_wait3A_118 : memref<10000x128xf32, #tpu.memory_space<hbm>>) dst(%arg10 : memref<100x128xf32, #tpu.memory_space<vmem>>)
      %dma_start3A_119 = arith.constant 2 : i32
      %dma_start3A_120 = arith.constant 0 : i32
      %dma_start3A_121 = tpu.memref_slice %arg7[%dma_start3A_119, %dma_start3A_120] : memref<20x100xi32, #tpu.memory_space<vmem>> -> memref<1x100xi32, #tpu.memory_space<vmem>>
      %dma_start3A_122 = tpu.memref_squeeze %dma_start3A_121 : memref<1x100xi32, #tpu.memory_space<vmem>> -> memref<100xi32, #tpu.memory_space<vmem>>
      %dma_start3A_123 = arith.constant 0 : i32
      %dma_start3A_124 = arith.constant 0 : i32
      %dma_start3A_125 = tpu.memref_slice %arg11[%dma_start3A_123, %dma_start3A_124] : memref<10000x128xf32, #tpu.memory_space<vmem_shared>> -> memref<10000x128xf32, #tpu.memory_space<vmem_shared>>
      tpu.enqueue_indirect_dma source(%arg10 : memref<100x128xf32, #tpu.memory_space<vmem>>) target(%dma_start3A_125 : memref<10000x128xf32, #tpu.memory_space<vmem_shared>>) offsets(%dma_start3A_122 : memref<100xi32, #tpu.memory_space<vmem>>) semaphore(%arg17 : memref<!tpu.dma_semaphore, #tpu.memory_space<semaphore_mem>>) {add = true}
      %scan3A_126 = arith.constant 0 : i32
      %scan3A_127 = arith.constant 1 : i32
      %scan3A_128 = arith.constant 5 : i32
      %scan3A_129 = arith.addi %scan3A_127, %scan3A_128 : i32
      %scan3A_130 = arith.constant 1 : i32
      scf.for %scan3A_178 = %scan3A_127 to %scan3A_129 step %scan3A_130  : i32 {
        %mul3A_179 = arith.constant 3 : i32
        %mul3A_180 = arith.muli %mul3A_179, %scan3A_178 : i32
        %dma_wait3A_181 = arith.constant 0 : i32
        %dma_wait3A_182 = arith.constant 0 : i32
        %dma_wait3A_183 = tpu.memref_slice %arg11[%dma_wait3A_181, %dma_wait3A_182] : memref<10000x128xf32, #tpu.memory_space<vmem_shared>> -> memref<100x128xf32, #tpu.memory_space<vmem_shared>>
        %dma_wait3A_184 = arith.constant 0 : i32
        %dma_wait3A_185 = arith.constant 0 : i32
        %dma_wait3A_186 = tpu.memref_slice %arg11[%dma_wait3A_184, %dma_wait3A_185] : memref<10000x128xf32, #tpu.memory_space<vmem_shared>> -> memref<100x128xf32, #tpu.memory_space<vmem_shared>>
        tpu.wait_dma2 semaphore(%arg17 : memref<!tpu.dma_semaphore, #tpu.memory_space<semaphore_mem>>) src(%arg10 : memref<100x128xf32, #tpu.memory_space<vmem>>) dst(%dma_wait3A_186 : memref<100x128xf32, #tpu.memory_space<vmem_shared>>)
        %add3A_187 = arith.constant 2 : i32
        %add3A_188 = arith.addi %mul3A_180, %add3A_187 : i32
        %dma_start3A_189 = arith.constant 0 : i32
        %dma_start3A_190 = tpu.memref_slice %arg6[%add3A_188, %dma_start3A_189] : memref<20x100xi32, #tpu.memory_space<vmem>> -> memref<1x100xi32, #tpu.memory_space<vmem>>
        %dma_start3A_191 = tpu.memref_squeeze %dma_start3A_190 : memref<1x100xi32, #tpu.memory_space<vmem>> -> memref<100xi32, #tpu.memory_space<vmem>>
        %dma_start3A_192 = arith.constant 0 : i32
        %dma_start3A_193 = arith.constant 0 : i32
        %dma_start3A_194 = tpu.memref_slice %arg2[%dma_start3A_192, %dma_start3A_193] : memref<10000x128xf32, #tpu.memory_space<hbm>> -> memref<10000x128xf32, #tpu.memory_space<hbm>>
        tpu.enqueue_indirect_dma source(%dma_start3A_194 : memref<10000x128xf32, #tpu.memory_space<hbm>>) target(%arg10 : memref<100x128xf32, #tpu.memory_space<vmem>>) offsets(%dma_start3A_191 : memref<100xi32, #tpu.memory_space<vmem>>) semaphore(%arg14 : memref<!tpu.dma_semaphore, #tpu.memory_space<semaphore_mem>>)
        %dma_wait3A_195 = arith.constant 0 : i32
        %dma_wait3A_196 = arith.constant 0 : i32
        %dma_wait3A_197 = tpu.memref_slice %arg6[%dma_wait3A_195, %dma_wait3A_196] : memref<20x100xi32, #tpu.memory_space<vmem>> -> memref<1x100xi32, #tpu.memory_space<vmem>>
        %dma_wait3A_198 = tpu.memref_squeeze %dma_wait3A_197 : memref<1x100xi32, #tpu.memory_space<vmem>> -> memref<100xi32, #tpu.memory_space<vmem>>
        %dma_wait3A_199 = arith.constant 0 : i32
        %dma_wait3A_200 = arith.constant 0 : i32
        %dma_wait3A_201 = tpu.memref_slice %arg2[%dma_wait3A_199, %dma_wait3A_200] : memref<10000x128xf32, #tpu.memory_space<hbm>> -> memref<10000x128xf32, #tpu.memory_space<hbm>>
        tpu.wait_indirect_dma semaphore(%arg12 : memref<!tpu.dma_semaphore, #tpu.memory_space<semaphore_mem>>) src(%dma_wait3A_201 : memref<10000x128xf32, #tpu.memory_space<hbm>>) dst(%arg8 : memref<100x128xf32, #tpu.memory_space<vmem>>)
        %dma_start3A_202 = arith.constant 0 : i32
        %dma_start3A_203 = tpu.memref_slice %arg7[%mul3A_180, %dma_start3A_202] : memref<20x100xi32, #tpu.memory_space<vmem>> -> memref<1x100xi32, #tpu.memory_space<vmem>>
        %dma_start3A_204 = tpu.memref_squeeze %dma_start3A_203 : memref<1x100xi32, #tpu.memory_space<vmem>> -> memref<100xi32, #tpu.memory_space<vmem>>
        %dma_start3A_205 = arith.constant 0 : i32
        %dma_start3A_206 = arith.constant 0 : i32
        %dma_start3A_207 = tpu.memref_slice %arg11[%dma_start3A_205, %dma_start3A_206] : memref<10000x128xf32, #tpu.memory_space<vmem_shared>> -> memref<10000x128xf32, #tpu.memory_space<vmem_shared>>
        tpu.enqueue_indirect_dma source(%arg8 : memref<100x128xf32, #tpu.memory_space<vmem>>) target(%dma_start3A_207 : memref<10000x128xf32, #tpu.memory_space<vmem_shared>>) offsets(%dma_start3A_204 : memref<100xi32, #tpu.memory_space<vmem>>) semaphore(%arg15 : memref<!tpu.dma_semaphore, #tpu.memory_space<semaphore_mem>>) {add = true}
        %dma_wait3A_208 = arith.constant 0 : i32
        %dma_wait3A_209 = arith.constant 0 : i32
        %dma_wait3A_210 = tpu.memref_slice %arg11[%dma_wait3A_208, %dma_wait3A_209] : memref<10000x128xf32, #tpu.memory_space<vmem_shared>> -> memref<100x128xf32, #tpu.memory_space<vmem_shared>>
        %dma_wait3A_211 = arith.constant 0 : i32
        %dma_wait3A_212 = arith.constant 0 : i32
        %dma_wait3A_213 = tpu.memref_slice %arg11[%dma_wait3A_211, %dma_wait3A_212] : memref<10000x128xf32, #tpu.memory_space<vmem_shared>> -> memref<100x128xf32, #tpu.memory_space<vmem_shared>>
        tpu.wait_dma2 semaphore(%arg15 : memref<!tpu.dma_semaphore, #tpu.memory_space<semaphore_mem>>) src(%arg8 : memref<100x128xf32, #tpu.memory_space<vmem>>) dst(%dma_wait3A_213 : memref<100x128xf32, #tpu.memory_space<vmem_shared>>)
        %add3A_214 = arith.constant 3 : i32
        %add3A_215 = arith.addi %mul3A_180, %add3A_214 : i32
        %dma_start3A_216 = arith.constant 0 : i32
        %dma_start3A_217 = tpu.memref_slice %arg6[%add3A_215, %dma_start3A_216] : memref<20x100xi32, #tpu.memory_space<vmem>> -> memref<1x100xi32, #tpu.memory_space<vmem>>
        %dma_start3A_218 = tpu.memref_squeeze %dma_start3A_217 : memref<1x100xi32, #tpu.memory_space<vmem>> -> memref<100xi32, #tpu.memory_space<vmem>>
        %dma_start3A_219 = arith.constant 0 : i32
        %dma_start3A_220 = arith.constant 0 : i32
        %dma_start3A_221 = tpu.memref_slice %arg2[%dma_start3A_219, %dma_start3A_220] : memref<10000x128xf32, #tpu.memory_space<hbm>> -> memref<10000x128xf32, #tpu.memory_space<hbm>>
        tpu.enqueue_indirect_dma source(%dma_start3A_221 : memref<10000x128xf32, #tpu.memory_space<hbm>>) target(%arg8 : memref<100x128xf32, #tpu.memory_space<vmem>>) offsets(%dma_start3A_218 : memref<100xi32, #tpu.memory_space<vmem>>) semaphore(%arg12 : memref<!tpu.dma_semaphore, #tpu.memory_space<semaphore_mem>>)
        %dma_wait3A_222 = arith.constant 0 : i32
        %dma_wait3A_223 = arith.constant 0 : i32
        %dma_wait3A_224 = tpu.memref_slice %arg6[%dma_wait3A_222, %dma_wait3A_223] : memref<20x100xi32, #tpu.memory_space<vmem>> -> memref<1x100xi32, #tpu.memory_space<vmem>>
        %dma_wait3A_225 = tpu.memref_squeeze %dma_wait3A_224 : memref<1x100xi32, #tpu.memory_space<vmem>> -> memref<100xi32, #tpu.memory_space<vmem>>
        %dma_wait3A_226 = arith.constant 0 : i32
        %dma_wait3A_227 = arith.constant 0 : i32
        %dma_wait3A_228 = tpu.memref_slice %arg2[%dma_wait3A_226, %dma_wait3A_227] : memref<10000x128xf32, #tpu.memory_space<hbm>> -> memref<10000x128xf32, #tpu.memory_space<hbm>>
        tpu.wait_indirect_dma semaphore(%arg13 : memref<!tpu.dma_semaphore, #tpu.memory_space<semaphore_mem>>) src(%dma_wait3A_228 : memref<10000x128xf32, #tpu.memory_space<hbm>>) dst(%arg9 : memref<100x128xf32, #tpu.memory_space<vmem>>)
        %add3A_229 = arith.constant 1 : i32
        %add3A_230 = arith.addi %mul3A_180, %add3A_229 : i32
        %dma_start3A_231 = arith.constant 0 : i32
        %dma_start3A_232 = tpu.memref_slice %arg7[%add3A_230, %dma_start3A_231] : memref<20x100xi32, #tpu.memory_space<vmem>> -> memref<1x100xi32, #tpu.memory_space<vmem>>
        %dma_start3A_233 = tpu.memref_squeeze %dma_start3A_232 : memref<1x100xi32, #tpu.memory_space<vmem>> -> memref<100xi32, #tpu.memory_space<vmem>>
        %dma_start3A_234 = arith.constant 0 : i32
        %dma_start3A_235 = arith.constant 0 : i32
        %dma_start3A_236 = tpu.memref_slice %arg11[%dma_start3A_234, %dma_start3A_235] : memref<10000x128xf32, #tpu.memory_space<vmem_shared>> -> memref<10000x128xf32, #tpu.memory_space<vmem_shared>>
        tpu.enqueue_indirect_dma source(%arg9 : memref<100x128xf32, #tpu.memory_space<vmem>>) target(%dma_start3A_236 : memref<10000x128xf32, #tpu.memory_space<vmem_shared>>) offsets(%dma_start3A_233 : memref<100xi32, #tpu.memory_space<vmem>>) semaphore(%arg16 : memref<!tpu.dma_semaphore, #tpu.memory_space<semaphore_mem>>) {add = true}
        %dma_wait3A_237 = arith.constant 0 : i32
        %dma_wait3A_238 = arith.constant 0 : i32
        %dma_wait3A_239 = tpu.memref_slice %arg11[%dma_wait3A_237, %dma_wait3A_238] : memref<10000x128xf32, #tpu.memory_space<vmem_shared>> -> memref<100x128xf32, #tpu.memory_space<vmem_shared>>
        %dma_wait3A_240 = arith.constant 0 : i32
        %dma_wait3A_241 = arith.constant 0 : i32
        %dma_wait3A_242 = tpu.memref_slice %arg11[%dma_wait3A_240, %dma_wait3A_241] : memref<10000x128xf32, #tpu.memory_space<vmem_shared>> -> memref<100x128xf32, #tpu.memory_space<vmem_shared>>
        tpu.wait_dma2 semaphore(%arg16 : memref<!tpu.dma_semaphore, #tpu.memory_space<semaphore_mem>>) src(%arg9 : memref<100x128xf32, #tpu.memory_space<vmem>>) dst(%dma_wait3A_242 : memref<100x128xf32, #tpu.memory_space<vmem_shared>>)
        %add3A_243 = arith.constant 4 : i32
        %add3A_244 = arith.addi %mul3A_180, %add3A_243 : i32
        %dma_start3A_245 = arith.constant 0 : i32
        %dma_start3A_246 = tpu.memref_slice %arg6[%add3A_244, %dma_start3A_245] : memref<20x100xi32, #tpu.memory_space<vmem>> -> memref<1x100xi32, #tpu.memory_space<vmem>>
        %dma_start3A_247 = tpu.memref_squeeze %dma_start3A_246 : memref<1x100xi32, #tpu.memory_space<vmem>> -> memref<100xi32, #tpu.memory_space<vmem>>
        %dma_start3A_248 = arith.constant 0 : i32
        %dma_start3A_249 = arith.constant 0 : i32
        %dma_start3A_250 = tpu.memref_slice %arg2[%dma_start3A_248, %dma_start3A_249] : memref<10000x128xf32, #tpu.memory_space<hbm>> -> memref<10000x128xf32, #tpu.memory_space<hbm>>
        tpu.enqueue_indirect_dma source(%dma_start3A_250 : memref<10000x128xf32, #tpu.memory_space<hbm>>) target(%arg9 : memref<100x128xf32, #tpu.memory_space<vmem>>) offsets(%dma_start3A_247 : memref<100xi32, #tpu.memory_space<vmem>>) semaphore(%arg13 : memref<!tpu.dma_semaphore, #tpu.memory_space<semaphore_mem>>)
        %dma_wait3A_251 = arith.constant 0 : i32
        %dma_wait3A_252 = arith.constant 0 : i32
        %dma_wait3A_253 = tpu.memref_slice %arg6[%dma_wait3A_251, %dma_wait3A_252] : memref<20x100xi32, #tpu.memory_space<vmem>> -> memref<1x100xi32, #tpu.memory_space<vmem>>
        %dma_wait3A_254 = tpu.memref_squeeze %dma_wait3A_253 : memref<1x100xi32, #tpu.memory_space<vmem>> -> memref<100xi32, #tpu.memory_space<vmem>>
        %dma_wait3A_255 = arith.constant 0 : i32
        %dma_wait3A_256 = arith.constant 0 : i32
        %dma_wait3A_257 = tpu.memref_slice %arg2[%dma_wait3A_255, %dma_wait3A_256] : memref<10000x128xf32, #tpu.memory_space<hbm>> -> memref<10000x128xf32, #tpu.memory_space<hbm>>
        tpu.wait_indirect_dma semaphore(%arg14 : memref<!tpu.dma_semaphore, #tpu.memory_space<semaphore_mem>>) src(%dma_wait3A_257 : memref<10000x128xf32, #tpu.memory_space<hbm>>) dst(%arg10 : memref<100x128xf32, #tpu.memory_space<vmem>>)
        %add3A_258 = arith.constant 2 : i32
        %add3A_259 = arith.addi %mul3A_180, %add3A_258 : i32
        %dma_start3A_260 = arith.constant 0 : i32
        %dma_start3A_261 = tpu.memref_slice %arg7[%add3A_259, %dma_start3A_260] : memref<20x100xi32, #tpu.memory_space<vmem>> -> memref<1x100xi32, #tpu.memory_space<vmem>>
        %dma_start3A_262 = tpu.memref_squeeze %dma_start3A_261 : memref<1x100xi32, #tpu.memory_space<vmem>> -> memref<100xi32, #tpu.memory_space<vmem>>
        %dma_start3A_263 = arith.constant 0 : i32
        %dma_start3A_264 = arith.constant 0 : i32
        %dma_start3A_265 = tpu.memref_slice %arg11[%dma_start3A_263, %dma_start3A_264] : memref<10000x128xf32, #tpu.memory_space<vmem_shared>> -> memref<10000x128xf32, #tpu.memory_space<vmem_shared>>
        tpu.enqueue_indirect_dma source(%arg10 : memref<100x128xf32, #tpu.memory_space<vmem>>) target(%dma_start3A_265 : memref<10000x128xf32, #tpu.memory_space<vmem_shared>>) offsets(%dma_start3A_262 : memref<100xi32, #tpu.memory_space<vmem>>) semaphore(%arg17 : memref<!tpu.dma_semaphore, #tpu.memory_space<semaphore_mem>>) {add = true}
      }
      %scan3A_131 = arith.constant 5 : i32
      %dma_wait3A_132 = arith.constant 0 : i32
      %dma_wait3A_133 = arith.constant 0 : i32
      %dma_wait3A_134 = tpu.memref_slice %arg11[%dma_wait3A_132, %dma_wait3A_133] : memref<10000x128xf32, #tpu.memory_space<vmem_shared>> -> memref<100x128xf32, #tpu.memory_space<vmem_shared>>
      %dma_wait3A_135 = arith.constant 0 : i32
      %dma_wait3A_136 = arith.constant 0 : i32
      %dma_wait3A_137 = tpu.memref_slice %arg11[%dma_wait3A_135, %dma_wait3A_136] : memref<10000x128xf32, #tpu.memory_space<vmem_shared>> -> memref<100x128xf32, #tpu.memory_space<vmem_shared>>
      tpu.wait_dma2 semaphore(%arg17 : memref<!tpu.dma_semaphore, #tpu.memory_space<semaphore_mem>>) src(%arg10 : memref<100x128xf32, #tpu.memory_space<vmem>>) dst(%dma_wait3A_137 : memref<100x128xf32, #tpu.memory_space<vmem_shared>>)
      %dma_wait3A_138 = arith.constant 0 : i32
      %dma_wait3A_139 = arith.constant 0 : i32
      %dma_wait3A_140 = tpu.memref_slice %arg6[%dma_wait3A_138, %dma_wait3A_139] : memref<20x100xi32, #tpu.memory_space<vmem>> -> memref<1x100xi32, #tpu.memory_space<vmem>>
      %dma_wait3A_141 = tpu.memref_squeeze %dma_wait3A_140 : memref<1x100xi32, #tpu.memory_space<vmem>> -> memref<100xi32, #tpu.memory_space<vmem>>
      %dma_wait3A_142 = arith.constant 0 : i32
      %dma_wait3A_143 = arith.constant 0 : i32
      %dma_wait3A_144 = tpu.memref_slice %arg2[%dma_wait3A_142, %dma_wait3A_143] : memref<10000x128xf32, #tpu.memory_space<hbm>> -> memref<10000x128xf32, #tpu.memory_space<hbm>>
      tpu.wait_indirect_dma semaphore(%arg12 : memref<!tpu.dma_semaphore, #tpu.memory_space<semaphore_mem>>) src(%dma_wait3A_144 : memref<10000x128xf32, #tpu.memory_space<hbm>>) dst(%arg8 : memref<100x128xf32, #tpu.memory_space<vmem>>)
      %dma_start3A_145 = arith.constant 18 : i32
      %dma_start3A_146 = arith.constant 0 : i32
      %dma_start3A_147 = tpu.memref_slice %arg7[%dma_start3A_145, %dma_start3A_146] : memref<20x100xi32, #tpu.memory_space<vmem>> -> memref<1x100xi32, #tpu.memory_space<vmem>>
      %dma_start3A_148 = tpu.memref_squeeze %dma_start3A_147 : memref<1x100xi32, #tpu.memory_space<vmem>> -> memref<100xi32, #tpu.memory_space<vmem>>
      %dma_start3A_149 = arith.constant 0 : i32
      %dma_start3A_150 = arith.constant 0 : i32
      %dma_start3A_151 = tpu.memref_slice %arg11[%dma_start3A_149, %dma_start3A_150] : memref<10000x128xf32, #tpu.memory_space<vmem_shared>> -> memref<10000x128xf32, #tpu.memory_space<vmem_shared>>
      tpu.enqueue_indirect_dma source(%arg8 : memref<100x128xf32, #tpu.memory_space<vmem>>) target(%dma_start3A_151 : memref<10000x128xf32, #tpu.memory_space<vmem_shared>>) offsets(%dma_start3A_148 : memref<100xi32, #tpu.memory_space<vmem>>) semaphore(%arg15 : memref<!tpu.dma_semaphore, #tpu.memory_space<semaphore_mem>>) {add = true}
      %dma_wait3A_152 = arith.constant 0 : i32
      %dma_wait3A_153 = arith.constant 0 : i32
      %dma_wait3A_154 = tpu.memref_slice %arg11[%dma_wait3A_152, %dma_wait3A_153] : memref<10000x128xf32, #tpu.memory_space<vmem_shared>> -> memref<100x128xf32, #tpu.memory_space<vmem_shared>>
      %dma_wait3A_155 = arith.constant 0 : i32
      %dma_wait3A_156 = arith.constant 0 : i32
      %dma_wait3A_157 = tpu.memref_slice %arg11[%dma_wait3A_155, %dma_wait3A_156] : memref<10000x128xf32, #tpu.memory_space<vmem_shared>> -> memref<100x128xf32, #tpu.memory_space<vmem_shared>>
      tpu.wait_dma2 semaphore(%arg15 : memref<!tpu.dma_semaphore, #tpu.memory_space<semaphore_mem>>) src(%arg8 : memref<100x128xf32, #tpu.memory_space<vmem>>) dst(%dma_wait3A_157 : memref<100x128xf32, #tpu.memory_space<vmem_shared>>)
      %dma_wait3A_158 = arith.constant 0 : i32
      %dma_wait3A_159 = arith.constant 0 : i32
      %dma_wait3A_160 = tpu.memref_slice %arg6[%dma_wait3A_158, %dma_wait3A_159] : memref<20x100xi32, #tpu.memory_space<vmem>> -> memref<1x100xi32, #tpu.memory_space<vmem>>
      %dma_wait3A_161 = tpu.memref_squeeze %dma_wait3A_160 : memref<1x100xi32, #tpu.memory_space<vmem>> -> memref<100xi32, #tpu.memory_space<vmem>>
      %dma_wait3A_162 = arith.constant 0 : i32
      %dma_wait3A_163 = arith.constant 0 : i32
      %dma_wait3A_164 = tpu.memref_slice %arg2[%dma_wait3A_162, %dma_wait3A_163] : memref<10000x128xf32, #tpu.memory_space<hbm>> -> memref<10000x128xf32, #tpu.memory_space<hbm>>
      tpu.wait_indirect_dma semaphore(%arg13 : memref<!tpu.dma_semaphore, #tpu.memory_space<semaphore_mem>>) src(%dma_wait3A_164 : memref<10000x128xf32, #tpu.memory_space<hbm>>) dst(%arg9 : memref<100x128xf32, #tpu.memory_space<vmem>>)
      %dma_start3A_165 = arith.constant 19 : i32
      %dma_start3A_166 = arith.constant 0 : i32
      %dma_start3A_167 = tpu.memref_slice %arg7[%dma_start3A_165, %dma_start3A_166] : memref<20x100xi32, #tpu.memory_space<vmem>> -> memref<1x100xi32, #tpu.memory_space<vmem>>
      %dma_start3A_168 = tpu.memref_squeeze %dma_start3A_167 : memref<1x100xi32, #tpu.memory_space<vmem>> -> memref<100xi32, #tpu.memory_space<vmem>>
      %dma_start3A_169 = arith.constant 0 : i32
      %dma_start3A_170 = arith.constant 0 : i32
      %dma_start3A_171 = tpu.memref_slice %arg11[%dma_start3A_169, %dma_start3A_170] : memref<10000x128xf32, #tpu.memory_space<vmem_shared>> -> memref<10000x128xf32, #tpu.memory_space<vmem_shared>>
      tpu.enqueue_indirect_dma source(%arg9 : memref<100x128xf32, #tpu.memory_space<vmem>>) target(%dma_start3A_171 : memref<10000x128xf32, #tpu.memory_space<vmem_shared>>) offsets(%dma_start3A_168 : memref<100xi32, #tpu.memory_space<vmem>>) semaphore(%arg16 : memref<!tpu.dma_semaphore, #tpu.memory_space<semaphore_mem>>) {add = true}
      %dma_wait3A_172 = arith.constant 0 : i32
      %dma_wait3A_173 = arith.constant 0 : i32
      %dma_wait3A_174 = tpu.memref_slice %arg11[%dma_wait3A_172, %dma_wait3A_173] : memref<10000x128xf32, #tpu.memory_space<vmem_shared>> -> memref<100x128xf32, #tpu.memory_space<vmem_shared>>
      %dma_wait3A_175 = arith.constant 0 : i32
      %dma_wait3A_176 = arith.constant 0 : i32
      %dma_wait3A_177 = tpu.memref_slice %arg11[%dma_wait3A_175, %dma_wait3A_176] : memref<10000x128xf32, #tpu.memory_space<vmem_shared>> -> memref<100x128xf32, #tpu.memory_space<vmem_shared>>
      tpu.wait_dma2 semaphore(%arg16 : memref<!tpu.dma_semaphore, #tpu.memory_space<semaphore_mem>>) src(%arg9 : memref<100x128xf32, #tpu.memory_space<vmem>>) dst(%dma_wait3A_177 : memref<100x128xf32, #tpu.memory_space<vmem_shared>>)
    }
    %scan3A_26 = arith.constant 5 : i32
    %barrier3A_27 = arith.constant 0 : index
    tpu.barrier barrier_id(%barrier3A_27)
    %while3A_28 = arith.constant 0 : i32
    %while3A_29 = arith.constant 0 : i32
    %while3A_30 = arith.subi %select_n3A, %while3A_29 : i32
    %while3A_31 = arith.addi %while3A_29, %while3A_30 : i32
    %while3A_32 = arith.constant 1 : i32
    %while3A_33 = arith.divsi %while3A_30, %while3A_32 : i32
    %while3A_34 = arith.muli %while3A_33, %while3A_32 : i32
    %while3A_35 = arith.addi %while3A_29, %while3A_34 : i32
    %while3A_36 = arith.constant 1 : i32
    scf.for %while3A_38 = %while3A_29 to %while3A_35 step %while3A_36  : i32 {
      %mul3A_39 = arith.constant 80 : i32
      %mul3A_40 = arith.muli %while3A_38, %mul3A_39 : i32
      %add3A_41 = arith.addi %mul3A_11, %mul3A_40 : i32
      %multiple_of3A = tpu.assume_multiple %add3A_41, 80 : i32
      "tpu.region"() ({
        %run_scoped3A = tpu.sem_alloc : memref<!tpu.dma_semaphore, #tpu.memory_space<semaphore_mem>>
        %dma_start3A = arith.constant 0 : i32
        %dma_start3A_42 = tpu.memref_slice %arg5[%arg0, %multiple_of3A, %dma_start3A] : memref<2x10000x128xf32, #tpu.memory_space<hbm>> -> memref<1x80x128xf32, #tpu.memory_space<hbm>>
        %dma_start3A_43 = tpu.memref_squeeze %dma_start3A_42 : memref<1x80x128xf32, #tpu.memory_space<hbm>> -> memref<80x128xf32, #tpu.memory_space<hbm>>
        %dma_start3A_44 = arith.constant 0 : i32
        %dma_start3A_45 = tpu.memref_slice %arg11[%multiple_of3A, %dma_start3A_44] : memref<10000x128xf32, #tpu.memory_space<vmem_shared>> -> memref<80x128xf32, #tpu.memory_space<vmem_shared>>
        tpu.enqueue_dma source(%dma_start3A_45 : memref<80x128xf32, #tpu.memory_space<vmem_shared>>) target(%dma_start3A_43 : memref<80x128xf32, #tpu.memory_space<hbm>>) target_semaphore(%run_scoped3A : memref<!tpu.dma_semaphore, #tpu.memory_space<semaphore_mem>>)
        %dma_wait3A = arith.constant 0 : i32
        %dma_wait3A_46 = tpu.memref_slice %arg5[%arg0, %multiple_of3A, %dma_wait3A] : memref<2x10000x128xf32, #tpu.memory_space<hbm>> -> memref<1x80x128xf32, #tpu.memory_space<hbm>>
        %dma_wait3A_47 = tpu.memref_squeeze %dma_wait3A_46 : memref<1x80x128xf32, #tpu.memory_space<hbm>> -> memref<80x128xf32, #tpu.memory_space<hbm>>
        %dma_wait3A_48 = arith.constant 0 : i32
        %dma_wait3A_49 = tpu.memref_slice %arg11[%multiple_of3A, %dma_wait3A_48] : memref<10000x128xf32, #tpu.memory_space<vmem_shared>> -> memref<80x128xf32, #tpu.memory_space<vmem_shared>>
        tpu.wait_dma2 semaphore(%run_scoped3A : memref<!tpu.dma_semaphore, #tpu.memory_space<semaphore_mem>>) src(%dma_wait3A_49 : memref<80x128xf32, #tpu.memory_space<vmem_shared>>) dst(%dma_wait3A_47 : memref<80x128xf32, #tpu.memory_space<hbm>>)
        tpu.yield
      }) : () -> ()
    }
    %while3A_37 = arith.constant 1 : i32
    scf.for %while3A_38 = %while3A_35 to %while3A_31 step %while3A_37  : i32 {
      %mul3A_39 = arith.constant 80 : i32
      %mul3A_40 = arith.muli %while3A_38, %mul3A_39 : i32
      %add3A_41 = arith.addi %mul3A_11, %mul3A_40 : i32
      %multiple_of3A = tpu.assume_multiple %add3A_41, 80 : i32
      "tpu.region"() ({
        %run_scoped3A = tpu.sem_alloc : memref<!tpu.dma_semaphore, #tpu.memory_space<semaphore_mem>>
        %dma_start3A = arith.constant 0 : i32
        %dma_start3A_42 = tpu.memref_slice %arg5[%arg0, %multiple_of3A, %dma_start3A] : memref<2x10000x128xf32, #tpu.memory_space<hbm>> -> memref<1x80x128xf32, #tpu.memory_space<hbm>>
        %dma_start3A_43 = tpu.memref_squeeze %dma_start3A_42 : memref<1x80x128xf32, #tpu.memory_space<hbm>> -> memref<80x128xf32, #tpu.memory_space<hbm>>
        %dma_start3A_44 = arith.constant 0 : i32
        %dma_start3A_45 = tpu.memref_slice %arg11[%multiple_of3A, %dma_start3A_44] : memref<10000x128xf32, #tpu.memory_space<vmem_shared>> -> memref<80x128xf32, #tpu.memory_space<vmem_shared>>
        tpu.enqueue_dma source(%dma_start3A_45 : memref<80x128xf32, #tpu.memory_space<vmem_shared>>) target(%dma_start3A_43 : memref<80x128xf32, #tpu.memory_space<hbm>>) target_semaphore(%run_scoped3A : memref<!tpu.dma_semaphore, #tpu.memory_space<semaphore_mem>>)
        %dma_wait3A = arith.constant 0 : i32
        %dma_wait3A_46 = tpu.memref_slice %arg5[%arg0, %multiple_of3A, %dma_wait3A] : memref<2x10000x128xf32, #tpu.memory_space<hbm>> -> memref<1x80x128xf32, #tpu.memory_space<hbm>>
        %dma_wait3A_47 = tpu.memref_squeeze %dma_wait3A_46 : memref<1x80x128xf32, #tpu.memory_space<hbm>> -> memref<80x128xf32, #tpu.memory_space<hbm>>
        %dma_wait3A_48 = arith.constant 0 : i32
        %dma_wait3A_49 = tpu.memref_slice %arg11[%multiple_of3A, %dma_wait3A_48] : memref<10000x128xf32, #tpu.memory_space<vmem_shared>> -> memref<80x128xf32, #tpu.memory_space<vmem_shared>>
        tpu.wait_dma2 semaphore(%run_scoped3A : memref<!tpu.dma_semaphore, #tpu.memory_space<semaphore_mem>>) src(%dma_wait3A_49 : memref<80x128xf32, #tpu.memory_space<vmem_shared>>) dst(%dma_wait3A_47 : memref<80x128xf32, #tpu.memory_space<hbm>>)
        tpu.yield
      }) : () -> ()
    }
    return
  }
}

module attributes {stable_mosaic.version = 14 : i64} {
  func.func @_mlp0_body(%arg0: memref<2xf32, #tpu.memory_space<smem>>, %arg1: memref<2x10000x128xf32, #tpu.memory_space<vmem>>, %arg2: memref<10000x128xf32, #tpu.memory_space<vmem>>, %arg3: memref<128x128xf32, #tpu.memory_space<vmem>>, %arg4: memref<1x128xf32, #tpu.memory_space<vmem>>, %arg5: memref<1x128xf32, #tpu.memory_space<vmem>>, %arg6: memref<1x128xf32, #tpu.memory_space<vmem>>, %arg7: memref<128x128xf32, #tpu.memory_space<vmem>>, %arg8: memref<1x128xf32, #tpu.memory_space<vmem>>, %arg9: memref<1x128xf32, #tpu.memory_space<vmem>>, %arg10: memref<1x128xf32, #tpu.memory_space<vmem>>, %arg11: memref<10000x128xf32, #tpu.memory_space<vmem>>) attributes {dimension_semantics = [], scalar_prefetch = 0 : i64, scratch_operands = 0 : i64, tpu.core_type = #tpu.core_type<tc>} {
    %get3A = arith.constant 0 : index
    %get3A_0 = arith.constant 0 : index
    %get3A_1 = arith.constant 0 : index
    %get3A_2 = vector.load %arg1[%get3A, %get3A_0, %get3A_1] : memref<2x10000x128xf32, #tpu.memory_space<vmem>>, vector<1x10000x128xf32>
    %get3A_3 = vector.shape_cast %get3A_2 : vector<1x10000x128xf32> to vector<10000x128xf32>
    %get3A_4 = arith.constant 1 : index
    %get3A_5 = arith.constant 0 : index
    %get3A_6 = arith.constant 0 : index
    %get3A_7 = vector.load %arg1[%get3A_4, %get3A_5, %get3A_6] : memref<2x10000x128xf32, #tpu.memory_space<vmem>>, vector<1x10000x128xf32>
    %get3A_8 = vector.shape_cast %get3A_7 : vector<1x10000x128xf32> to vector<10000x128xf32>
    %add3A = arith.addf %get3A_3, %get3A_8 : vector<10000x128xf32>
    %get3A_9 = arith.constant 0 : index
    %get3A_10 = memref.load %arg0[%get3A_9] : memref<2xf32, #tpu.memory_space<smem>>
    %add3A_11 = arith.constant 1.000000e+00 : f32
    %add3A_12 = arith.addf %add3A_11, %get3A_10 : f32
    %get3A_13 = arith.constant 0 : index
    %get3A_14 = arith.constant 0 : index
    %get3A_15 = vector.load %arg2[%get3A_13, %get3A_14] : memref<10000x128xf32, #tpu.memory_space<vmem>>, vector<10000x128xf32>
    %mul3A = vector.broadcast %add3A_12 : f32 to vector<10000x128xf32>
    %mul3A_16 = arith.mulf %mul3A, %get3A_15 : vector<10000x128xf32>
    %add3A_17 = arith.addf %add3A, %mul3A_16 : vector<10000x128xf32>
    %get3A_18 = arith.constant 0 : index
    %get3A_19 = arith.constant 0 : index
    %get3A_20 = vector.load %arg3[%get3A_18, %get3A_19] : memref<128x128xf32, #tpu.memory_space<vmem>>, vector<128x128xf32>
    %dot_general3A = arith.constant dense<0.000000e+00> : vector<10000x128xf32>
    %dot_general3A_21 = tpu.matmul %add3A_17, %get3A_20, %dot_general3A {dimension_numbers = #tpu.dot_dimension_numbers<[1], [1], [0], [0], [0, 0, 1, 0], [], []>, transpose_lhs_hint = false} : vector<10000x128xf32>, vector<128x128xf32>, vector<10000x128xf32> -> vector<10000x128xf32>
    %get3A_22 = arith.constant 0 : index
    %get3A_23 = arith.constant 0 : index
    %get3A_24 = vector.load %arg4[%get3A_22, %get3A_23] : memref<1x128xf32, #tpu.memory_space<vmem>>, vector<1x128xf32>
    %add3A_25 = vector.broadcast %get3A_24 : vector<1x128xf32> to vector<10000x128xf32>
    %add3A_26 = arith.addf %dot_general3A_21, %add3A_25 : vector<10000x128xf32>
    %get3A_27 = arith.constant 0 : index
    %get3A_28 = arith.constant 0 : index
    %get3A_29 = vector.load %arg5[%get3A_27, %get3A_28] : memref<1x128xf32, #tpu.memory_space<vmem>>, vector<1x128xf32>
    %get3A_30 = arith.constant 0 : index
    %get3A_31 = arith.constant 0 : index
    %get3A_32 = vector.load %arg6[%get3A_30, %get3A_31] : memref<1x128xf32, #tpu.memory_space<vmem>>, vector<1x128xf32>
    %reduce_sum3A = arith.constant dense<0.000000e+00> : vector<128xf32>
    %reduce_sum3A_33 = vector.multi_reduction <add>, %add3A_26, %reduce_sum3A [0] : vector<10000x128xf32> to vector<128xf32>
    %broadcast_in_dim3A = vector.shape_cast %reduce_sum3A_33 : vector<128xf32> to vector<1x128xf32>
    %div3A = arith.constant 1.000000e+04 : f32
    %div3A_34 = vector.broadcast %div3A : f32 to vector<1x128xf32>
    %div3A_35 = arith.divf %broadcast_in_dim3A, %div3A_34 : vector<1x128xf32>
    %sub3A = vector.broadcast %div3A_35 : vector<1x128xf32> to vector<10000x128xf32>
    %sub3A_36 = arith.subf %add3A_26, %sub3A : vector<10000x128xf32>
    %integer_pow3A = arith.mulf %sub3A_36, %sub3A_36 : vector<10000x128xf32>
    %reduce_sum3A_37 = arith.constant dense<0.000000e+00> : vector<128xf32>
    %reduce_sum3A_38 = vector.multi_reduction <add>, %integer_pow3A, %reduce_sum3A_37 [0] : vector<10000x128xf32> to vector<128xf32>
    %broadcast_in_dim3A_39 = vector.shape_cast %reduce_sum3A_38 : vector<128xf32> to vector<1x128xf32>
    %div3A_40 = arith.constant 1.000000e+04 : f32
    %div3A_41 = vector.broadcast %div3A_40 : f32 to vector<1x128xf32>
    %div3A_42 = arith.divf %broadcast_in_dim3A_39, %div3A_41 : vector<1x128xf32>
    %sub3A_43 = vector.broadcast %div3A_35 : vector<1x128xf32> to vector<10000x128xf32>
    %sub3A_44 = arith.subf %add3A_26, %sub3A_43 : vector<10000x128xf32>
    %mul3A_45 = vector.broadcast %get3A_29 : vector<1x128xf32> to vector<10000x128xf32>
    %mul3A_46 = arith.mulf %mul3A_45, %sub3A_44 : vector<10000x128xf32>
    %add3A_47 = arith.constant 9.99999974E-6 : f32
    %add3A_48 = vector.broadcast %add3A_47 : f32 to vector<1x128xf32>
    %add3A_49 = arith.addf %div3A_42, %add3A_48 : vector<1x128xf32>
    %sqrt3A = math.sqrt %add3A_49 : vector<1x128xf32>
    %div3A_50 = vector.broadcast %sqrt3A : vector<1x128xf32> to vector<10000x128xf32>
    %div3A_51 = arith.divf %mul3A_46, %div3A_50 : vector<10000x128xf32>
    %add3A_52 = vector.broadcast %get3A_32 : vector<1x128xf32> to vector<10000x128xf32>
    %add3A_53 = arith.addf %div3A_51, %add3A_52 : vector<10000x128xf32>
    %max3A = arith.constant 0.000000e+00 : f32
    %max3A_54 = vector.broadcast %max3A : f32 to vector<10000x128xf32>
    %max3A_55 = arith.maximumf %add3A_53, %max3A_54 : vector<10000x128xf32>
    %get3A_56 = arith.constant 0 : index
    %get3A_57 = arith.constant 0 : index
    %get3A_58 = vector.load %arg7[%get3A_56, %get3A_57] : memref<128x128xf32, #tpu.memory_space<vmem>>, vector<128x128xf32>
    %dot_general3A_59 = arith.constant dense<0.000000e+00> : vector<10000x128xf32>
    %dot_general3A_60 = tpu.matmul %max3A_55, %get3A_58, %dot_general3A_59 {dimension_numbers = #tpu.dot_dimension_numbers<[1], [1], [0], [0], [0, 0, 1, 0], [], []>, transpose_lhs_hint = false} : vector<10000x128xf32>, vector<128x128xf32>, vector<10000x128xf32> -> vector<10000x128xf32>
    %get3A_61 = arith.constant 0 : index
    %get3A_62 = arith.constant 0 : index
    %get3A_63 = vector.load %arg8[%get3A_61, %get3A_62] : memref<1x128xf32, #tpu.memory_space<vmem>>, vector<1x128xf32>
    %add3A_64 = vector.broadcast %get3A_63 : vector<1x128xf32> to vector<10000x128xf32>
    %add3A_65 = arith.addf %dot_general3A_60, %add3A_64 : vector<10000x128xf32>
    %get3A_66 = arith.constant 0 : index
    %get3A_67 = arith.constant 0 : index
    %get3A_68 = vector.load %arg9[%get3A_66, %get3A_67] : memref<1x128xf32, #tpu.memory_space<vmem>>, vector<1x128xf32>
    %get3A_69 = arith.constant 0 : index
    %get3A_70 = arith.constant 0 : index
    %get3A_71 = vector.load %arg10[%get3A_69, %get3A_70] : memref<1x128xf32, #tpu.memory_space<vmem>>, vector<1x128xf32>
    %reduce_sum3A_72 = arith.constant dense<0.000000e+00> : vector<128xf32>
    %reduce_sum3A_73 = vector.multi_reduction <add>, %add3A_65, %reduce_sum3A_72 [0] : vector<10000x128xf32> to vector<128xf32>
    %broadcast_in_dim3A_74 = vector.shape_cast %reduce_sum3A_73 : vector<128xf32> to vector<1x128xf32>
    %div3A_75 = arith.constant 1.000000e+04 : f32
    %div3A_76 = vector.broadcast %div3A_75 : f32 to vector<1x128xf32>
    %div3A_77 = arith.divf %broadcast_in_dim3A_74, %div3A_76 : vector<1x128xf32>
    %sub3A_78 = vector.broadcast %div3A_77 : vector<1x128xf32> to vector<10000x128xf32>
    %sub3A_79 = arith.subf %add3A_65, %sub3A_78 : vector<10000x128xf32>
    %integer_pow3A_80 = arith.mulf %sub3A_79, %sub3A_79 : vector<10000x128xf32>
    %reduce_sum3A_81 = arith.constant dense<0.000000e+00> : vector<128xf32>
    %reduce_sum3A_82 = vector.multi_reduction <add>, %integer_pow3A_80, %reduce_sum3A_81 [0] : vector<10000x128xf32> to vector<128xf32>
    %broadcast_in_dim3A_83 = vector.shape_cast %reduce_sum3A_82 : vector<128xf32> to vector<1x128xf32>
    %div3A_84 = arith.constant 1.000000e+04 : f32
    %div3A_85 = vector.broadcast %div3A_84 : f32 to vector<1x128xf32>
    %div3A_86 = arith.divf %broadcast_in_dim3A_83, %div3A_85 : vector<1x128xf32>
    %sub3A_87 = vector.broadcast %div3A_77 : vector<1x128xf32> to vector<10000x128xf32>
    %sub3A_88 = arith.subf %add3A_65, %sub3A_87 : vector<10000x128xf32>
    %mul3A_89 = vector.broadcast %get3A_68 : vector<1x128xf32> to vector<10000x128xf32>
    %mul3A_90 = arith.mulf %mul3A_89, %sub3A_88 : vector<10000x128xf32>
    %add3A_91 = arith.constant 9.99999974E-6 : f32
    %add3A_92 = vector.broadcast %add3A_91 : f32 to vector<1x128xf32>
    %add3A_93 = arith.addf %div3A_86, %add3A_92 : vector<1x128xf32>
    %sqrt3A_94 = math.sqrt %add3A_93 : vector<1x128xf32>
    %div3A_95 = vector.broadcast %sqrt3A_94 : vector<1x128xf32> to vector<10000x128xf32>
    %div3A_96 = arith.divf %mul3A_90, %div3A_95 : vector<10000x128xf32>
    %add3A_97 = vector.broadcast %get3A_71 : vector<1x128xf32> to vector<10000x128xf32>
    %add3A_98 = arith.addf %div3A_96, %add3A_97 : vector<10000x128xf32>
    %max3A_99 = arith.constant 0.000000e+00 : f32
    %max3A_100 = vector.broadcast %max3A_99 : f32 to vector<10000x128xf32>
    %max3A_101 = arith.maximumf %add3A_98, %max3A_100 : vector<10000x128xf32>
    %swap3A = arith.constant 0 : index
    %swap3A_102 = arith.constant 0 : index
    %swap3A_103 = vector.load %arg11[%swap3A, %swap3A_102] : memref<10000x128xf32, #tpu.memory_space<vmem>>, vector<10000x128xf32>
    tpu.vector_store %arg11[%swap3A, %swap3A_102], %max3A_101 {strides = array<i32>} : memref<10000x128xf32, #tpu.memory_space<vmem>>, vector<10000x128xf32>,
    return
  }
}

module attributes {stable_mosaic.version = 14 : i64} {
  func.func @_proj0_body(%arg0: memref<10000x128xf32, #tpu.memory_space<vmem>>, %arg1: memref<128x128xf32, #tpu.memory_space<vmem>>, %arg2: memref<1x128xf32, #tpu.memory_space<vmem>>, %arg3: memref<10000x128xf32, #tpu.memory_space<vmem>>) attributes {dimension_semantics = [], scalar_prefetch = 0 : i64, scratch_operands = 0 : i64, tpu.core_type = #tpu.core_type<tc>} {
    %get3A = arith.constant 0 : index
    %get3A_0 = arith.constant 0 : index
    %get3A_1 = vector.load %arg0[%get3A, %get3A_0] : memref<10000x128xf32, #tpu.memory_space<vmem>>, vector<10000x128xf32>
    %get3A_2 = arith.constant 0 : index
    %get3A_3 = arith.constant 0 : index
    %get3A_4 = vector.load %arg1[%get3A_2, %get3A_3] : memref<128x128xf32, #tpu.memory_space<vmem>>, vector<128x128xf32>
    %dot_general3A = arith.constant dense<0.000000e+00> : vector<10000x128xf32>
    %dot_general3A_5 = tpu.matmul %get3A_1, %get3A_4, %dot_general3A {dimension_numbers = #tpu.dot_dimension_numbers<[1], [1], [0], [0], [0, 0, 1, 0], [], []>, transpose_lhs_hint = false} : vector<10000x128xf32>, vector<128x128xf32>, vector<10000x128xf32> -> vector<10000x128xf32>
    %get3A_6 = arith.constant 0 : index
    %get3A_7 = arith.constant 0 : index
    %get3A_8 = vector.load %arg2[%get3A_6, %get3A_7] : memref<1x128xf32, #tpu.memory_space<vmem>>, vector<1x128xf32>
    %add3A = vector.broadcast %get3A_8 : vector<1x128xf32> to vector<10000x128xf32>
    %add3A_9 = arith.addf %dot_general3A_5, %add3A : vector<10000x128xf32>
    %swap3A = arith.constant 0 : index
    %swap3A_10 = arith.constant 0 : index
    %swap3A_11 = vector.load %arg3[%swap3A, %swap3A_10] : memref<10000x128xf32, #tpu.memory_space<vmem>>, vector<10000x128xf32>
    tpu.vector_store %arg3[%swap3A, %swap3A_10], %add3A_9 {strides = array<i32>} : memref<10000x128xf32, #tpu.memory_space<vmem>>, vector<10000x128xf32>,
    return
  }
}

module attributes {stable_mosaic.version = 14 : i64} {
  func.func @_proj1_body(%arg0: memref<10000x128xf32, #tpu.memory_space<vmem>>, %arg1: memref<128x128xf32, #tpu.memory_space<vmem>>, %arg2: memref<10000x128xf32, #tpu.memory_space<vmem>>, %arg3: memref<10000x128xf32, #tpu.memory_space<vmem>>) attributes {dimension_semantics = [], scalar_prefetch = 0 : i64, scratch_operands = 0 : i64, tpu.core_type = #tpu.core_type<tc>} {
    %get3A = arith.constant 0 : index
    %get3A_0 = arith.constant 0 : index
    %get3A_1 = vector.load %arg2[%get3A, %get3A_0] : memref<10000x128xf32, #tpu.memory_space<vmem>>, vector<10000x128xf32>
    %get3A_2 = arith.constant 0 : index
    %get3A_3 = arith.constant 0 : index
    %get3A_4 = vector.load %arg0[%get3A_2, %get3A_3] : memref<10000x128xf32, #tpu.memory_space<vmem>>, vector<10000x128xf32>
    %get3A_5 = arith.constant 0 : index
    %get3A_6 = arith.constant 0 : index
    %get3A_7 = vector.load %arg1[%get3A_5, %get3A_6] : memref<128x128xf32, #tpu.memory_space<vmem>>, vector<128x128xf32>
    %dot_general3A = arith.constant dense<0.000000e+00> : vector<10000x128xf32>
    %dot_general3A_8 = tpu.matmul %get3A_4, %get3A_7, %dot_general3A {dimension_numbers = #tpu.dot_dimension_numbers<[1], [1], [0], [0], [0, 0, 1, 0], [], []>, transpose_lhs_hint = false} : vector<10000x128xf32>, vector<128x128xf32>, vector<10000x128xf32> -> vector<10000x128xf32>
    %add3A = arith.addf %get3A_1, %dot_general3A_8 : vector<10000x128xf32>
    %swap3A = arith.constant 0 : index
    %swap3A_9 = arith.constant 0 : index
    %swap3A_10 = vector.load %arg3[%swap3A, %swap3A_9] : memref<10000x128xf32, #tpu.memory_space<vmem>>, vector<10000x128xf32>
    tpu.vector_store %arg3[%swap3A, %swap3A_9], %add3A {strides = array<i32>} : memref<10000x128xf32, #tpu.memory_space<vmem>>, vector<10000x128xf32>,
    return
  }
}

module attributes {stable_mosaic.version = 14 : i64} {
  func.func @_mlp1_body(%arg0: memref<2xf32, #tpu.memory_space<smem>>, %arg1: memref<2x10000x128xf32, #tpu.memory_space<vmem>>, %arg2: memref<10000x128xf32, #tpu.memory_space<vmem>>, %arg3: memref<10000x128xf32, #tpu.memory_space<vmem>>, %arg4: memref<128x128xf32, #tpu.memory_space<vmem>>, %arg5: memref<1x128xf32, #tpu.memory_space<vmem>>, %arg6: memref<1x128xf32, #tpu.memory_space<vmem>>, %arg7: memref<1x128xf32, #tpu.memory_space<vmem>>, %arg8: memref<128x128xf32, #tpu.memory_space<vmem>>, %arg9: memref<1x128xf32, #tpu.memory_space<vmem>>, %arg10: memref<1x128xf32, #tpu.memory_space<vmem>>, %arg11: memref<1x128xf32, #tpu.memory_space<vmem>>, %arg12: memref<128x128xf32, #tpu.memory_space<vmem>>, %arg13: memref<10000x128xf32, #tpu.memory_space<vmem>>) attributes {dimension_semantics = [], scalar_prefetch = 0 : i64, scratch_operands = 0 : i64, tpu.core_type = #tpu.core_type<tc>} {
    %get3A = arith.constant 0 : index
    %get3A_0 = arith.constant 0 : index
    %get3A_1 = arith.constant 0 : index
    %get3A_2 = vector.load %arg1[%get3A, %get3A_0, %get3A_1] : memref<2x10000x128xf32, #tpu.memory_space<vmem>>, vector<1x10000x128xf32>
    %get3A_3 = vector.shape_cast %get3A_2 : vector<1x10000x128xf32> to vector<10000x128xf32>
    %get3A_4 = arith.constant 1 : index
    %get3A_5 = arith.constant 0 : index
    %get3A_6 = arith.constant 0 : index
    %get3A_7 = vector.load %arg1[%get3A_4, %get3A_5, %get3A_6] : memref<2x10000x128xf32, #tpu.memory_space<vmem>>, vector<1x10000x128xf32>
    %get3A_8 = vector.shape_cast %get3A_7 : vector<1x10000x128xf32> to vector<10000x128xf32>
    %add3A = arith.addf %get3A_3, %get3A_8 : vector<10000x128xf32>
    %get3A_9 = arith.constant 1 : index
    %get3A_10 = memref.load %arg0[%get3A_9] : memref<2xf32, #tpu.memory_space<smem>>
    %add3A_11 = arith.constant 1.000000e+00 : f32
    %add3A_12 = arith.addf %add3A_11, %get3A_10 : f32
    %get3A_13 = arith.constant 0 : index
    %get3A_14 = arith.constant 0 : index
    %get3A_15 = vector.load %arg2[%get3A_13, %get3A_14] : memref<10000x128xf32, #tpu.memory_space<vmem>>, vector<10000x128xf32>
    %mul3A = vector.broadcast %add3A_12 : f32 to vector<10000x128xf32>
    %mul3A_16 = arith.mulf %mul3A, %get3A_15 : vector<10000x128xf32>
    %add3A_17 = arith.addf %add3A, %mul3A_16 : vector<10000x128xf32>
    %get3A_18 = arith.constant 0 : index
    %get3A_19 = arith.constant 0 : index
    %get3A_20 = vector.load %arg4[%get3A_18, %get3A_19] : memref<128x128xf32, #tpu.memory_space<vmem>>, vector<128x128xf32>
    %dot_general3A = arith.constant dense<0.000000e+00> : vector<10000x128xf32>
    %dot_general3A_21 = tpu.matmul %add3A_17, %get3A_20, %dot_general3A {dimension_numbers = #tpu.dot_dimension_numbers<[1], [1], [0], [0], [0, 0, 1, 0], [], []>, transpose_lhs_hint = false} : vector<10000x128xf32>, vector<128x128xf32>, vector<10000x128xf32> -> vector<10000x128xf32>
    %get3A_22 = arith.constant 0 : index
    %get3A_23 = arith.constant 0 : index
    %get3A_24 = vector.load %arg5[%get3A_22, %get3A_23] : memref<1x128xf32, #tpu.memory_space<vmem>>, vector<1x128xf32>
    %add3A_25 = vector.broadcast %get3A_24 : vector<1x128xf32> to vector<10000x128xf32>
    %add3A_26 = arith.addf %dot_general3A_21, %add3A_25 : vector<10000x128xf32>
    %get3A_27 = arith.constant 0 : index
    %get3A_28 = arith.constant 0 : index
    %get3A_29 = vector.load %arg6[%get3A_27, %get3A_28] : memref<1x128xf32, #tpu.memory_space<vmem>>, vector<1x128xf32>
    %get3A_30 = arith.constant 0 : index
    %get3A_31 = arith.constant 0 : index
    %get3A_32 = vector.load %arg7[%get3A_30, %get3A_31] : memref<1x128xf32, #tpu.memory_space<vmem>>, vector<1x128xf32>
    %reduce_sum3A = arith.constant dense<0.000000e+00> : vector<128xf32>
    %reduce_sum3A_33 = vector.multi_reduction <add>, %add3A_26, %reduce_sum3A [0] : vector<10000x128xf32> to vector<128xf32>
    %broadcast_in_dim3A = vector.shape_cast %reduce_sum3A_33 : vector<128xf32> to vector<1x128xf32>
    %div3A = arith.constant 1.000000e+04 : f32
    %div3A_34 = vector.broadcast %div3A : f32 to vector<1x128xf32>
    %div3A_35 = arith.divf %broadcast_in_dim3A, %div3A_34 : vector<1x128xf32>
    %sub3A = vector.broadcast %div3A_35 : vector<1x128xf32> to vector<10000x128xf32>
    %sub3A_36 = arith.subf %add3A_26, %sub3A : vector<10000x128xf32>
    %integer_pow3A = arith.mulf %sub3A_36, %sub3A_36 : vector<10000x128xf32>
    %reduce_sum3A_37 = arith.constant dense<0.000000e+00> : vector<128xf32>
    %reduce_sum3A_38 = vector.multi_reduction <add>, %integer_pow3A, %reduce_sum3A_37 [0] : vector<10000x128xf32> to vector<128xf32>
    %broadcast_in_dim3A_39 = vector.shape_cast %reduce_sum3A_38 : vector<128xf32> to vector<1x128xf32>
    %div3A_40 = arith.constant 1.000000e+04 : f32
    %div3A_41 = vector.broadcast %div3A_40 : f32 to vector<1x128xf32>
    %div3A_42 = arith.divf %broadcast_in_dim3A_39, %div3A_41 : vector<1x128xf32>
    %sub3A_43 = vector.broadcast %div3A_35 : vector<1x128xf32> to vector<10000x128xf32>
    %sub3A_44 = arith.subf %add3A_26, %sub3A_43 : vector<10000x128xf32>
    %mul3A_45 = vector.broadcast %get3A_29 : vector<1x128xf32> to vector<10000x128xf32>
    %mul3A_46 = arith.mulf %mul3A_45, %sub3A_44 : vector<10000x128xf32>
    %add3A_47 = arith.constant 9.99999974E-6 : f32
    %add3A_48 = vector.broadcast %add3A_47 : f32 to vector<1x128xf32>
    %add3A_49 = arith.addf %div3A_42, %add3A_48 : vector<1x128xf32>
    %sqrt3A = math.sqrt %add3A_49 : vector<1x128xf32>
    %div3A_50 = vector.broadcast %sqrt3A : vector<1x128xf32> to vector<10000x128xf32>
    %div3A_51 = arith.divf %mul3A_46, %div3A_50 : vector<10000x128xf32>
    %add3A_52 = vector.broadcast %get3A_32 : vector<1x128xf32> to vector<10000x128xf32>
    %add3A_53 = arith.addf %div3A_51, %add3A_52 : vector<10000x128xf32>
    %max3A = arith.constant 0.000000e+00 : f32
    %max3A_54 = vector.broadcast %max3A : f32 to vector<10000x128xf32>
    %max3A_55 = arith.maximumf %add3A_53, %max3A_54 : vector<10000x128xf32>
    %get3A_56 = arith.constant 0 : index
    %get3A_57 = arith.constant 0 : index
    %get3A_58 = vector.load %arg8[%get3A_56, %get3A_57] : memref<128x128xf32, #tpu.memory_space<vmem>>, vector<128x128xf32>
    %dot_general3A_59 = arith.constant dense<0.000000e+00> : vector<10000x128xf32>
    %dot_general3A_60 = tpu.matmul %max3A_55, %get3A_58, %dot_general3A_59 {dimension_numbers = #tpu.dot_dimension_numbers<[1], [1], [0], [0], [0, 0, 1, 0], [], []>, transpose_lhs_hint = false} : vector<10000x128xf32>, vector<128x128xf32>, vector<10000x128xf32> -> vector<10000x128xf32>
    %get3A_61 = arith.constant 0 : index
    %get3A_62 = arith.constant 0 : index
    %get3A_63 = vector.load %arg9[%get3A_61, %get3A_62] : memref<1x128xf32, #tpu.memory_space<vmem>>, vector<1x128xf32>
    %add3A_64 = vector.broadcast %get3A_63 : vector<1x128xf32> to vector<10000x128xf32>
    %add3A_65 = arith.addf %dot_general3A_60, %add3A_64 : vector<10000x128xf32>
    %get3A_66 = arith.constant 0 : index
    %get3A_67 = arith.constant 0 : index
    %get3A_68 = vector.load %arg10[%get3A_66, %get3A_67] : memref<1x128xf32, #tpu.memory_space<vmem>>, vector<1x128xf32>
    %get3A_69 = arith.constant 0 : index
    %get3A_70 = arith.constant 0 : index
    %get3A_71 = vector.load %arg11[%get3A_69, %get3A_70] : memref<1x128xf32, #tpu.memory_space<vmem>>, vector<1x128xf32>
    %reduce_sum3A_72 = arith.constant dense<0.000000e+00> : vector<128xf32>
    %reduce_sum3A_73 = vector.multi_reduction <add>, %add3A_65, %reduce_sum3A_72 [0] : vector<10000x128xf32> to vector<128xf32>
    %broadcast_in_dim3A_74 = vector.shape_cast %reduce_sum3A_73 : vector<128xf32> to vector<1x128xf32>
    %div3A_75 = arith.constant 1.000000e+04 : f32
    %div3A_76 = vector.broadcast %div3A_75 : f32 to vector<1x128xf32>
    %div3A_77 = arith.divf %broadcast_in_dim3A_74, %div3A_76 : vector<1x128xf32>
    %sub3A_78 = vector.broadcast %div3A_77 : vector<1x128xf32> to vector<10000x128xf32>
    %sub3A_79 = arith.subf %add3A_65, %sub3A_78 : vector<10000x128xf32>
    %integer_pow3A_80 = arith.mulf %sub3A_79, %sub3A_79 : vector<10000x128xf32>
    %reduce_sum3A_81 = arith.constant dense<0.000000e+00> : vector<128xf32>
    %reduce_sum3A_82 = vector.multi_reduction <add>, %integer_pow3A_80, %reduce_sum3A_81 [0] : vector<10000x128xf32> to vector<128xf32>
    %broadcast_in_dim3A_83 = vector.shape_cast %reduce_sum3A_82 : vector<128xf32> to vector<1x128xf32>
    %div3A_84 = arith.constant 1.000000e+04 : f32
    %div3A_85 = vector.broadcast %div3A_84 : f32 to vector<1x128xf32>
    %div3A_86 = arith.divf %broadcast_in_dim3A_83, %div3A_85 : vector<1x128xf32>
    %sub3A_87 = vector.broadcast %div3A_77 : vector<1x128xf32> to vector<10000x128xf32>
    %sub3A_88 = arith.subf %add3A_65, %sub3A_87 : vector<10000x128xf32>
    %mul3A_89 = vector.broadcast %get3A_68 : vector<1x128xf32> to vector<10000x128xf32>
    %mul3A_90 = arith.mulf %mul3A_89, %sub3A_88 : vector<10000x128xf32>
    %add3A_91 = arith.constant 9.99999974E-6 : f32
    %add3A_92 = vector.broadcast %add3A_91 : f32 to vector<1x128xf32>
    %add3A_93 = arith.addf %div3A_86, %add3A_92 : vector<1x128xf32>
    %sqrt3A_94 = math.sqrt %add3A_93 : vector<1x128xf32>
    %div3A_95 = vector.broadcast %sqrt3A_94 : vector<1x128xf32> to vector<10000x128xf32>
    %div3A_96 = arith.divf %mul3A_90, %div3A_95 : vector<10000x128xf32>
    %add3A_97 = vector.broadcast %get3A_71 : vector<1x128xf32> to vector<10000x128xf32>
    %add3A_98 = arith.addf %div3A_96, %add3A_97 : vector<10000x128xf32>
    %max3A_99 = arith.constant 0.000000e+00 : f32
    %max3A_100 = vector.broadcast %max3A_99 : f32 to vector<10000x128xf32>
    %max3A_101 = arith.maximumf %add3A_98, %max3A_100 : vector<10000x128xf32>
    %get3A_102 = arith.constant 0 : index
    %get3A_103 = arith.constant 0 : index
    %get3A_104 = vector.load %arg3[%get3A_102, %get3A_103] : memref<10000x128xf32, #tpu.memory_space<vmem>>, vector<10000x128xf32>
    %get3A_105 = arith.constant 0 : index
    %get3A_106 = arith.constant 0 : index
    %get3A_107 = vector.load %arg12[%get3A_105, %get3A_106] : memref<128x128xf32, #tpu.memory_space<vmem>>, vector<128x128xf32>
    %dot_general3A_108 = arith.constant dense<0.000000e+00> : vector<10000x128xf32>
    %dot_general3A_109 = tpu.matmul %max3A_101, %get3A_107, %dot_general3A_108 {dimension_numbers = #tpu.dot_dimension_numbers<[1], [1], [0], [0], [0, 0, 1, 0], [], []>, transpose_lhs_hint = false} : vector<10000x128xf32>, vector<128x128xf32>, vector<10000x128xf32> -> vector<10000x128xf32>
    %add3A_110 = arith.addf %get3A_104, %dot_general3A_109 : vector<10000x128xf32>
    %swap3A = arith.constant 0 : index
    %swap3A_111 = arith.constant 0 : index
    %swap3A_112 = vector.load %arg13[%swap3A, %swap3A_111] : memref<10000x128xf32, #tpu.memory_space<vmem>>, vector<10000x128xf32>
    tpu.vector_store %arg13[%swap3A, %swap3A_111], %add3A_110 {strides = array<i32>} : memref<10000x128xf32, #tpu.memory_space<vmem>>, vector<10000x128xf32>,
    return
  }
}

</mosaic_0001>

<sc_bundles>
// kernel: kernel.11.cloned.1.call-start
scs
__scs_entry_jumppad:
0x0: {  	(pc) =	sbr.rel $0x88, $3  }
0x1: {  	(tag) =	ssettag $0x0;
	lr =	simm.s32 $0x1  }
0x2: {  	[smem:$0x3F88] =	sst lr;
	_ =	strace $0xD0000000  }
0x3: {  	_ = 	snop  }
0x4: {  	_ = 	snop  }
0x5: {  	_ = 	snop  }
0x6: {  	_ = 	snop  }
0x7: {  	_ = 	snop  }
__scs_overlays_trampoline_lowered:
0x8: {  	[smem:$0x3F97] =	sst s0  }
0x9: {  	[smem:$0x3F98] =	sst s1  }
0xa: {  	[smem:$0x3F99] =	sst s2  }
0xb: {  	[smem:$0x3F9A] =	sst s3  }
0xc: {  	[smem:$0x3F9B] =	sst s4  }
0xd: {  	[smem:$0x3F9C] =	sst s5  }
0xe: {  	[smem:$0x3F9D] =	sst s6  }
0xf: {  	[smem:$0x3F9E] =	sst s7  }
0x10: {  	[smem:$0x3F9F] =	sst s8  }
0x11: {  	[smem:$0x3FA0] =	sst s9;
	s0 =	simm.s32 @!p0 $0x0  }
0x12: {  	s1 =	sld [smem:$0x3F86];
	s0 =	simm.s32 @p0 $0x1  }
0x13: {  	[smem:$0x3FA1] =	sst s0;
	s0 =	simm.s32 @!p1 $0x0  }
0x14: {  	s2 =	sld [smem:$0x3F85];
	s0 =	simm.s32 @p1 $0x1  }
0x15: {  	[smem:$0x3FA2] =	sst s0;
	s0 =	simm.s32 @!p2 $0x0  }
0x16: {  	s3 =	sld [smem:$0x3FDB];
	s0 =	simm.s32 @p2 $0x1  }
0x17: {  	s4 =	simm.s32 $0x1BF5;
	[smem:$0x3FA4] =	sst s0  }
0x18: {  	s0 =	sld [smem:$0x3F87];
	_ =	swait.ge [sflag:s4], $0x0  }
0x19: {  	s7 =	sld [smem:$0x3F88]  }
0x1a: {  	s8 =	sadd.s32 $0xFFFFE003, lr  }
0x1b: {  	s9 =	sadd.s32 $0xFFFFFEF7, lr;
	s5 =	simm.s32 $0xFFFFFFFF;
	p2 =	slt.u32 s8, $0xFFFFF086  }
0x1c: {  	p1 =	slt.u32 s9, $0xF7A;
	s5 =	simm.s32 @!p2 $0x0  }
0x1d: {  	s5 =	simm.s32 @p1 $0x1;
	p0 =	seq.s32 s7, s2  }
0x1e: {  	s7 =	smul.u32 @!p0 $0xF7A, s2;
	p2 =	seq.s32 @!p0 s5, $0x0  }
0x1f: {  	s9 =	smul.u32 $0xF7A, s1;
	s8 =	simm.s32 @!p0 $0x1BF5;
	p2 =	por !p2, p0  }
0x20: {  	[sflag:s8] =	ssyncset.s32 @!p0 $0xFFFFF086;
	s6 =	sadd.s32 @!p0 s3, s7;
	s7 =	simm.s32 @!p0 $0x108  }
0x21: {  	s3 =	sadd.s32 s3, s9;
	s6 =	sadd.s32 @!p0 $0x88, s6;
	s7 =	simm.s32 @p2 $0x1082  }
0x22: {  	[simem:s7], [sflag:s8] =	dma.local @!p0 [hbm:s6], $0xF7A  }
0x23: {  	s9 =	sor.u32 $0xD0000000, s2;
	s6 =	simm.s32 $0x108;
	_ =	swait.ge @!p0 [sflag:s8], $0x0  }
0x24: {  	s3 =	sadd.s32 $0x88, s3;
	s6 =	simm.s32 @!p1 $0x1082;
	[sflag:s4] =	ssyncset.s32 $0xFFFFF086  }
0x25: {  	[simem:s6], [sflag:s4] =	dma.local [hbm:s3], $0xF7A  }
0x26: {  	[smem:$0x3F88] =	sst s1;
	(tag) =	ssettag s2;
	_ =	strace s9  }
0x27: {  	s1 =	sld [smem:$0x3F98]  }
0x28: {  	s2 =	sld [smem:$0x3F99]  }
0x29: {  	s4 =	sld [smem:$0x3F9B]  }
0x2a: {  	p0 =	seq.s32 s5, $0x0;
	s5 =	sld [smem:$0x3F9C]  }
0x2b: {  	s6 =	sld [smem:$0x3F9D]  }
0x2c: {  	s7 =	sld [smem:$0x3F9E]  }
0x2d: {  	s3 =	simm.s32 $0x108;
	s8 =	sld [smem:$0x3F9F]  }
0x2e: {  	s3 =	simm.s32 @!p0 $0x1082;
	s9 =	sld [smem:$0x3FA0]  }
0x2f: {  	lr =	sadd.s32 s0, s3;
	s0 =	sld [smem:$0x3F97]  }
0x30: {  	s3 =	sld [smem:$0x3F9A]  }
0x31: {  	[smem:$0x3FA3] =	sst s10  }
0x32: {  	s10 =	sld [smem:$0x3FA1];
	_ =	sdelay $0x3  }
0x33: {  	p0 =	seq.s32 s10, $0x1;
	s10 =	sld [smem:$0x3FA3];
	_ =	sdelay $0x3  }
0x34: {  	[smem:$0x3FA3] =	sst s10  }
0x35: {  	s10 =	sld [smem:$0x3FA2];
	_ =	sdelay $0x3  }
0x36: {  	p1 =	seq.s32 s10, $0x1;
	s10 =	sld [smem:$0x3FA3];
	_ =	sdelay $0x3  }
0x37: {  	[smem:$0x3FA3] =	sst s10  }
0x38: {  	s10 =	sld [smem:$0x3FA4]  }
0x39: {  	_ = 	snop;
	(pc) =	sbr.ind lr, $3  }
0x3a: {  	_ = 	snop  }
0x3b: {  	_ = 	snop  }
0x3c: {  	p2 =	seq.s32 s10, $0x1;
	s10 =	sld [smem:$0x3FA3]  }
0x3d: {  	_ =	shalt  }
0x3e: {  	_ =	shalt  }
0x3f: {  	_ =	shalt  }
0x40: {  	_ =	shalt  }
0x41: {  	_ =	shalt  }
0x42: {  	_ =	shalt  }
0x43: {  	_ =	shalt  }
0x44: {  	_ =	shalt  }
0x45: {  	_ =	shalt  }
0x46: {  	_ =	shalt  }
0x47: {  	_ =	shalt  }
0x48: {  	_ =	shalt  }
0x49: {  	_ =	shalt  }
0x4a: {  	_ =	shalt  }
0x4b: {  	_ =	shalt  }
0x4c: {  	_ =	shalt  }
0x4d: {  	_ =	shalt  }
0x4e: {  	_ =	shalt  }
0x4f: {  	_ =	shalt  }
0x50: {  	_ =	shalt  }
0x51: {  	_ =	shalt  }
0x52: {  	_ =	shalt  }
0x53: {  	_ =	shalt  }
0x54: {  	_ =	shalt  }
0x55: {  	_ =	shalt  }
0x56: {  	_ =	shalt  }
0x57: {  	_ =	shalt  }
0x58: {  	_ =	shalt  }
0x59: {  	_ =	shalt  }
0x5a: {  	_ =	shalt  }
0x5b: {  	_ =	shalt  }
0x5c: {  	_ =	shalt  }
0x5d: {  	_ =	shalt  }
0x5e: {  	_ =	shalt  }
0x5f: {  	_ =	shalt  }
0x60: {  	_ =	shalt  }
0x61: {  	_ =	shalt  }
0x62: {  	_ =	shalt  }
0x63: {  	_ =	shalt  }
0x64: {  	_ =	shalt  }
0x65: {  	_ =	shalt  }
0x66: {  	_ =	shalt  }
0x67: {  	_ =	shalt  }
0x68: {  	_ =	shalt  }
0x69: {  	_ =	shalt  }
0x6a: {  	_ =	shalt  }
0x6b: {  	_ =	shalt  }
0x6c: {  	_ =	shalt  }
0x6d: {  	_ =	shalt  }
0x6e: {  	_ =	shalt  }
0x6f: {  	_ =	shalt  }
0x70: {  	_ =	shalt  }
0x71: {  	_ =	shalt  }
0x72: {  	_ =	shalt  }
0x73: {  	_ =	shalt  }
0x74: {  	_ =	shalt  }
0x75: {  	_ =	shalt  }
0x76: {  	_ =	shalt  }
0x77: {  	_ =	shalt  }
0x78: {  	_ =	shalt  }
0x79: {  	_ =	shalt  }
0x7a: {  	_ =	shalt  }
0x7b: {  	_ =	shalt  }
0x7c: {  	_ =	shalt  }
0x7d: {  	_ =	shalt  }
0x7e: {  	_ =	shalt  }
0x7f: {  	_ =	shalt  }
0x80: {  	_ =	shalt  }
0x81: {  	_ =	shalt  }
0x82: {  	_ =	shalt  }
0x83: {  	_ =	shalt  }
0x84: {  	_ =	shalt  }
0x85: {  	_ =	shalt  }
0x86: {  	_ =	shalt  }
0x87: {  	_ =	shalt  }
.Lfunc_end0:
.L_simem_size_0:
called_computation.1_lowered:
.L_overlay_start_0:
0x88: {  	s2 =	sld [smem:$0x3FD9]  }
0x89: {  	s3 =	sld [smem:$0x3FFE];
	_ =	sdelay $0x1  }
0x8a: {  	s1 =	srdreg.scid  }
0x8b: {  	s0 =	sand.u32 $0x1, s1  }
0x8c: {  	s16 =	sshll.u32 s0, $0xA;
	s2 =	sadd.s32 s3, s2  }
0x8d: {  	s2 =	sadd.s32 s2, s16  }
0x8e: {  	[smem:$0x3FAF] =	sst s2  }
0x8f: {  	_ = 	snop  }
0x90: {  	(tm) =	ssettm $0x1  }
0x91: {  	s17 =	sld [smem:$0x3FFB];
	_ =	sdelay $0x3  }
0x92: {  	_ =	strace s17  }
0x93: {  	s2 =	sld [smem:$0x3FFC];
	_ =	sdelay $0x3  }
0x94: {  	_ =	strace s2  }
0x95: {  	s2 =	sld [smem:$0x3FFD];
	_ =	sdelay $0x3  }
0x96: {  	_ =	strace s2  }
0x97: {  	_ =	strace $0x8FFFFFFF  }
0x98: {  	s18 =	sld [smem:$0x3FDB];
	_ =	sdelay $0x1  }
0x99: {  	s19 =	simm.s32 $_scs_section_size  }
0x9a: {  	s4 =	simm.s32 $_size__tile_overlayer_lowered;
	s5 =	simm.s32 $_tile_overlayer_lowered  }
0x9b: {  	s22 =	simm.s32 $0x1BFF;
	s21 =	sshll.u32 s5, $0x1;
	s2 =	sadd.s32 s19, s18  }
0x9c: {  	s6 =	simm.s32 $0x0;
	s20 =	sshll.u32 s4, $0x1;
	s4 =	sadd.s32 s21, s2  }
0x9d: {  	[timem:s6], [sflag:s22] =	dma.local [hbm:s4], s20  }
0x9e: {  	_ =	swait.ge [sflag:s22], s20  }
0x9f: {  	s3 =	ssub.s32 $0x0, s20;
	[sflag:s22] =	ssyncset.done $0x0  }
0xa0: {  	[sflag:s22] =	ssyncadd.s32 s3;
	_ =	sdelay $0x1  }
0xa1: {  	s23 =	simm.s32 $0x1B8B  }
0xa2: {  	_ =	swait.ge [sflag:s23], $0x1  }
0xa3: {  	[sflag:s23] =	ssyncset.done $0x0  }
0xa4: {  	s25 =	simm.s32 $0x1B8E;
	s24 =	sld [smem:$0x3FFE];
	[sflag:s23] =	ssyncadd.s32 $0xFFFFFFFF  }
0xa5: {  	s26 =	simm.s32 $execute0_lowered;
	[smem:$0x3FD2] =	sst s25  }
0xa6: {  	s4 =	sshll.u32 s26, $0x1;
	_ =	strace $0x80000049;
	[dreg:$0x1] =	wrdreg $0xFFFFFFFF  }
0xa7: {  	s28 =	simm.s32 $_size_execute0_lowered;
	s2 =	sadd.s32 s2, s4;
	[dreg:$0x0] =	wrdreg $0x0  }
0xa8: {  	s4 =	sshll.u32 s28, $0x1;
	[dreg:$0x2] =	wrdreg s2  }
0xa9: {  	[dreg:$0x3] =	wrdreg s4  }
0xaa: {  	[dreg:$0x4] =	wrdreg $0xC0  }
0xab: {  	_ =	task [dreg:s6], $0x5FFFF  }
0xac: {  	[dreg:$0x1] =	wrdreg $0xFFFFFFFF  }
0xad: {  	[dreg:$0x0] =	wrdreg $0x60  }
0xae: {  	[dreg:$0x2] =	wrdreg s24  }
0xaf: {  	[dreg:$0x3] =	wrdreg $0xB4000  }
0xb0: {  	[dreg:$0x4] =	wrdreg $0x9  }
0xb1: {  	_ =	task.clear_ibuf [dreg:s6], $0x5FFFF;
	_ =	strace $0x90000049  }
0xb2: {  	s29 =	simm.s32 $0x9;
	_ =	strace $0x8000004B  }
0xb3: {  	_ =	swait.ge [sflag:s29], $0x1  }
0xb4: {  	[sflag:s29] =	ssyncadd.s32 $0xFFFFFFFF  }
0xb5: {  	_ =	strace $0x9000004B  }
0xb6: {  	_ =	sfence  }
0xb7: {  	s30 =	sld [smem:$0x0];
	_ =	sdelay $0x2  }
0xb8: {  	s31 =	sshll.u32 s1, $0xD;
	s1 =	sshrl.u32 s1, $0x2  }
0xb9: {  	s3 =	sand.u32 $0x4000, s31;
	s1 =	sadd.s32 s1, s30  }
0xba: {  	s0 =	sor.u32 s3, s0;
	s1 =	sshll.u32 s1, $0x11  }
0xbb: {  	s0 =	sor.u32 s1, s0  }
0xbc: {  	s0 =	sadd.s32 $0x8F2B, s0  }
0xbd: {  	[sflag:s0] =	ssyncadd.remote.s32 $0x1  }
0xbe: {  	_ =	sfence.sel $0xFFFF  }
0xbf: {  	[dreg:$0x0] =	wrdreg $0xFFFFFFFF;
	(pc) =	sbr.abs _section_cstart, $3  }
0xc0: {  	[dreg:$0x1] =	wrdreg $0xFFFFFFFF  }
0xc1: {  	_ =	task.clear_ibuf [dreg:s6], $0x2FFFF;
	_ =	strace $0x9FFFFFFF  }
0xc2: {  	(tm) =	ssettm $0x7FFFFFFF  }
0xc3: {  	_ =	shalt  }
tec
execute0_lowered:
.L_overlay_start_1:
0x0: {  	(tag) =	ssettag $0x1  }
0x1: {  	s0 =	srdreg.scid;
	s9 =	stileid.u32  }
0x2: {  	s0 =	sand.u32 $0x1, s0;
	s3 =	smul.u32 $0x3C00, s9  }
0x3: {  	s5 =	rddreg [dreg:$0x0];
	s1 =	smul.u32 $0x3C000, s0  }
0x4: {  	s2 =	rddreg [dreg:$0x1];
	s15 =	simm.s32 $0x80  }
0x5: {  	s16 =	simm.s32 $0x100;
	s1 =	sadd.s32 s3, s1;
	s3 =	simm.s32 $0x0  }
0x6: {  	s17 =	simm.s32 $0x180;
	s18 =	simm.s32 $0xC80;
	[smem:$0x7FF] =	sst s3  }
0x7: {  	s19 =	simm.s32 $0x200;
	_ =	strace $0x8000004A;
	[dreg:$0x5] =	wrdreg s15  }
0x8: {  	s20 =	simm.s32 $0xD00;
	s21 =	simm.s32 $0x280;
	[dreg:$0x6] =	wrdreg s16  }
0x9: {  	s23 =	simm.s32 $0x5;
	s22 =	simm.s32 $0xD80;
	[dreg:$0x7] =	wrdreg s17  }
0xa: {  	s24 =	simm.s32 $0x300;
	s25 =	simm.s32 $0xE00;
	[dreg:$0x8] =	wrdreg s18  }
0xb: {  	s26 =	simm.s32 $0x380;
	s10 =	simm.s32 $0x400;
	[dreg:$0x9] =	wrdreg s19  }
0xc: {  	s12 =	simm.s32 $0xF00;
	s13 =	simm.s32 $0x480;
	[dreg:$0xa] =	wrdreg s20  }
0xd: {  	s14 =	simm.s32 $0xF80;
	s6 =	ssub.s32 $0x2, s0;
	[dreg:$0xb] =	wrdreg s21  }
0xe: {  	s28 =	simm.s32 $0x1380;
	s7 =	sshrl.u32 s6, $0x1;
	[dreg:$0xc] =	wrdreg s22  }
0xf: {  	s29 =	simm.s32 $0x900;
	s7 =	ssub.s32 s6, s7;
	[dreg:$0xd] =	wrdreg s24  }
0x10: {  	s30 =	simm.s32 $0x1400;
	s7 =	smax.u32 s7, $0x1;
	[dreg:$0xe] =	wrdreg s25  }
0x11: {  	s31 =	simm.s32 $0x980;
	s11 =	smul.u32 $0x14000, s9;
	[smem:$0x7FB] =	sst s7  }
0x12: {  	p0 =	seq.s32 s9, $0xF;
	s0 =	smul.u32 $0x138800, s0;
	[dreg:$0xf] =	wrdreg s26  }
0x13: {  	s8 =	smul.u32 $0x50000, s9;
	s9 =	simm.s32 $0x0;
	[dreg:$0x11] =	wrdreg s10  }
0x14: {  	s23 =	simm.s32 @!p0 $0x8;
	s0 =	sadd.s32 s11, s0;
	[dreg:$0x12] =	wrdreg s12  }
0x15: {  	s8 =	sshrl.u32 s8, $0x2;
	s6 =	simm.s32 $0x5;
	[smem:$0x7FC] =	sst s0  }
0x16: {  	s11 =	simm.s32 $0x1800;
	s1 =	sshrl.u32 s1, $0x3;
	[dreg:$0x13] =	wrdreg s13  }
0x17: {  	s1 =	sadd.s32 s1, s5;
	s7 =	simm.s32 $0xE80;
	[dreg:$0x14] =	wrdreg s14  }
0x18: {  	s24 =	sadd.s32 s8, s2;
	s15 =	simm.s32 $0x500;
	[dreg:$0x1f] =	wrdreg s23  }
0x19: {  	s12 =	simm.s32 $0x7;
	s16 =	simm.s32 $0x1000;
	[dreg:$0x10] =	wrdreg s7  }
0x1a: {  	s13 =	simm.s32 $0xC00;
	s17 =	simm.s32 $0x580;
	[dreg:$0x15] =	wrdreg s15  }
0x1b: {  	s14 =	simm.s32 $0x64;
	s18 =	simm.s32 $0x1080;
	[dreg:$0x16] =	wrdreg s16  }
0x1c: {  	s19 =	simm.s32 $0x600;
	s20 =	simm.s32 $0x1100;
	[dreg:$0x17] =	wrdreg s17  }
0x1d: {  	s21 =	simm.s32 $0x680;
	s22 =	simm.s32 $0x1180;
	[dreg:$0x18] =	wrdreg s18  }
0x1e: {  	s25 =	simm.s32 $0x700;
	s26 =	simm.s32 $0x1200;
	[dreg:$0x19] =	wrdreg s19  }
0x1f: {  	s0 =	simm.s32 $0x1500;
	s8 =	simm.s32 $0x1580;
	[dreg:$0x1a] =	wrdreg s20  }
0x20: {  	s4 =	sadd.s32 $0x600, s1;
	s1 =	sadd.s32 $0xF600, s1;
	[dreg:$0x1b] =	wrdreg s21  }
0x21: {  	s15 =	simm.s32 $0x4C00;
	s16 =	simm.s32 $0x8000;
	[dreg:$0x1c] =	wrdreg s22  }
0x22: {  	s17 =	simm.s32 $0x1;
	s18 =	simm.s32 $0x4;
	[dreg:$0x1d] =	wrdreg s25  }
0x23: {  	s19 =	simm.s32 $0x2;
	s20 =	simm.s32 $0x3;
	[dreg:$0x1e] =	wrdreg s26  }
0x24: {  	s21 =	simm.s32 $0x6;
	s25 =	simm.s32 $0x1300;
	[smem:$0x7FD] =	sst s24  }
0x25: {  	s26 =	simm.s32 $0x880;
	[dreg:$0x3] =	wrdreg s4;
	s4 =	sadd.s32 $0x6C800, s5  }
0x26: {  	v0 =	vimm.f32 $0.0e+00;
	[dreg:$0x4] =	wrdreg s1;
	s5 =	sadd.s32 $0x1E600, s5;
	s1 =	simm.s32 $0x1480  }
.LBB2_1:
0x27: {  	s7 =	sand.u32 $0xFE00, s3  }
0x28: {  	[smem:$0x7FA] =	sst s9;
	s22 =	sand.u32 $0x70, s3;
	s10 =	sshrl.u32 s7, $0x2  }
0x29: {  	s9 =	simm.s32 $0x0;
	s7 =	simm.s32 $0x40;
	s10 =	sor.u32 s22, s10  }
.LBB2_2:
0x2a: {  	p0 =	sne.s32 s7, $0x9FC0  }
0x2b: {  	[tilespmem:s10+$0x1800] =	vst v0;
	s9 =	sadd.s32 $0x10, s9;
	s10 =	smov.u32 s7;
	s7 =	sadd.s32 $0x40, s7  }
.Ltmp0:
0x2c: {  	(pc) =	sbr.rel @p0 .LBB2_2-.Ltmp0, $4  }
0x2d: {  	_ = 	snop  }
0x2e: {  	s10 =	sand.u32 $0xFE00, s10  }
0x2f: {  	s22 =	sand.u32 $0x70, s9;
	s10 =	sshrl.u32 s10, $0x2  }
0x30: {  	s10 =	sor.u32 s22, s10  }
0x31: {  	p0 =	sne.s32 s23, $0x1  }
.Ltmp1:
0x32: {  	_ = 	snop;
	(pc) =	sbr.rel @!p0 .LBB2_5-.Ltmp1, $4  }
0x33: {  	[tilespmem:s10+$0x1800] =	vst v0  }
0x34: {  	[spmem:s24] =	stream.linear.scatter [tilespmem:s11], [sflag:$0x7], $0x2800, $0x38;
	[tilespmem:$0x1EC80] =	vst v63  }
0x35: {  	_ =	swait.ge [sflag:s12], $0x2800  }
0x36: {  	s7 =	sadd.s32 $0xFFFFFFFF, s23;
	s9 =	smov.u32 s24;
	[sflag:s12] =	ssyncset.done $0x0  }
.LBB2_4:
0x37: {  	p1 =	sne.s32 s7, $0x1;
	[sflag:s12] =	ssyncadd.s32 $0xFFFFD800;
	s9 =	sadd.s32 $0x2800, s9  }
.Ltmp2:
0x38: {  	s7 =	sadd.s32 $0xFFFFFFFF, s7;
	(pc) =	sbr.rel @p1 .LBB2_4-.Ltmp2, $4  }
0x39: {  	_ = 	snop  }
0x3a: {  	[spmem:s9] =	stream.linear.scatter [tilespmem:s11], [sflag:$0x7], $0x2800, $0x38;
	[tilespmem:$0x1EC80] =	vst v63  }
0x3b: {  	_ =	swait.ge [sflag:s12], $0x2800  }
0x3c: {  	[sflag:s12] =	ssyncset.done $0x0  }
.LBB2_5:
0x3d: {  	[sflag:s12] =	ssyncadd.s32 $0xFFFFD800  }
0x3e: {  	[bflag:$0x0] =	sbarrier.arrive $0xFFFF  }
0x3f: {  	s7 =	rddreg [dreg:$0x4]  }
0x40: {  	s7 =	sadd.s32 $0x0, s7  }
0x41: {  	[tilespmem:s3], [sflag:$0x7] =	stream.linear.gather [hbm4b:s7+s3], $0xA00, $0x38;
	[tilespmem:$0x1EC80] =	vst v63  }
0x42: {  	_ =	swait.ge [sflag:s12], $0xA00  }
0x43: {  	s23 =	rddreg [dreg:$0x3];
	[sflag:s12] =	ssyncset.done $0x0  }
0x44: {  	[sflag:s12] =	ssyncadd.s32 $0xFFFFF600;
	s7 =	sadd.s32 $0x0, s23  }
0x45: {  	[tilespmem:s13], [sflag:$0x7] =	stream.linear.gather [hbm4b:s7+s3], $0xA00, $0x38;
	[tilespmem:$0x1EC80] =	vst v63  }
0x46: {  	_ =	swait.ge [sflag:s12], $0xA00  }
0x47: {  	[sflag:s12] =	ssyncset.done $0x0  }
0x48: {  	[sflag:s12] =	ssyncadd.s32 $0xFFFFF600  }
0x49: {  	[tilespmem:s11], [sflag:$0x1] =	stream.indirect.gather [hbm4b:s4+s14], $0x80, s3, s14, $0xb8;
	[tilespmem:$0x1EC80] =	vst v63  }
0x4a: {  	s24 =	rddreg [dreg:$0x5]  }
0x4b: {  	[tilespmem:s15], [sflag:$0x2] =	stream.indirect.gather [hbm4b:s4+s14], $0x80, s24, s14, $0xb8;
	[tilespmem:$0x1EC80] =	vst v63  }
0x4c: {  	s9 =	rddreg [dreg:$0x6]  }
0x4d: {  	[tilespmem:s16], [sflag:$0x3] =	stream.indirect.gather [hbm4b:s4+s14], $0x80, s9, s14, $0xb8;
	[tilespmem:$0x1EC80] =	vst v63  }
0x4e: {  	_ =	swait.ge [sflag:s17], $0x3200  }
0x4f: {  	[sflag:s17] =	ssyncset.done $0x0  }
0x50: {  	[sflag:s17] =	ssyncadd.s32 $0xFFFFCE00  }
0x51: {  	[spmem:s2] =	stream.indirect.scatter.add.f32 [tilespmem:s11], [sflag:$0x4], $0x80, s13, s14, $0xb8;
	[tilespmem:$0x1EC80] =	vst v63  }
0x52: {  	_ =	swait.ge [sflag:s18], $0x3200  }
0x53: {  	[sflag:s18] =	ssyncset.done $0x0  }
0x54: {  	s9 =	rddreg [dreg:$0x7];
	[sflag:s18] =	ssyncadd.s32 $0xFFFFCE00  }
0x55: {  	[tilespmem:s11], [sflag:$0x1] =	stream.indirect.gather [hbm4b:s4+s14], $0x80, s9, s14, $0xb8;
	[tilespmem:$0x1EC80] =	vst v63  }
0x56: {  	_ =	swait.ge [sflag:s19], $0x3200  }
0x57: {  	[sflag:s19] =	ssyncset.done $0x0  }
0x58: {  	s10 =	rddreg [dreg:$0x8];
	[sflag:s19] =	ssyncadd.s32 $0xFFFFCE00  }
0x59: {  	[spmem:s2] =	stream.indirect.scatter.add.f32 [tilespmem:s15], [sflag:$0x5], $0x80, s10, s14, $0xb8;
	[tilespmem:$0x1EC80] =	vst v63  }
0x5a: {  	_ =	swait.ge [sflag:s6], $0x3200  }
0x5b: {  	[sflag:s6] =	ssyncset.done $0x0  }
0x5c: {  	s22 =	rddreg [dreg:$0x9];
	[sflag:s6] =	ssyncadd.s32 $0xFFFFCE00  }
0x5d: {  	[tilespmem:s15], [sflag:$0x2] =	stream.indirect.gather [hbm4b:s4+s14], $0x80, s22, s14, $0xb8;
	[tilespmem:$0x1EC80] =	vst v63  }
0x5e: {  	_ =	swait.ge [sflag:s20], $0x3200  }
0x5f: {  	[sflag:s20] =	ssyncset.done $0x0  }
0x60: {  	s23 =	rddreg [dreg:$0xa];
	[sflag:s20] =	ssyncadd.s32 $0xFFFFCE00  }
0x61: {  	[spmem:s2] =	stream.indirect.scatter.add.f32 [tilespmem:s16], [sflag:$0x6], $0x80, s23, s14, $0xb8;
	[tilespmem:$0x1EC80] =	vst v63  }
0x62: {  	_ =	swait.ge [sflag:s21], $0x3200  }
0x63: {  	[sflag:s21] =	ssyncset.done $0x0  }
0x64: {  	s24 =	rddreg [dreg:$0xb];
	[sflag:s21] =	ssyncadd.s32 $0xFFFFCE00  }
0x65: {  	[tilespmem:s16], [sflag:$0x3] =	stream.indirect.gather [hbm4b:s4+s14], $0x80, s24, s14, $0xb8;
	[tilespmem:$0x1EC80] =	vst v63  }
0x66: {  	_ =	swait.ge [sflag:s17], $0x3200  }
0x67: {  	[sflag:s17] =	ssyncset.done $0x0  }
0x68: {  	s9 =	rddreg [dreg:$0xc];
	[sflag:s17] =	ssyncadd.s32 $0xFFFFCE00  }
0x69: {  	[spmem:s2] =	stream.indirect.scatter.add.f32 [tilespmem:s11], [sflag:$0x4], $0x80, s9, s14, $0xb8;
	[tilespmem:$0x1EC80] =	vst v63  }
0x6a: {  	_ =	swait.ge [sflag:s18], $0x3200  }
0x6b: {  	[sflag:s18] =	ssyncset.done $0x0  }
0x6c: {  	s10 =	rddreg [dreg:$0xd];
	[sflag:s18] =	ssyncadd.s32 $0xFFFFCE00  }
0x6d: {  	[tilespmem:s11], [sflag:$0x1] =	stream.indirect.gather [hbm4b:s4+s14], $0x80, s10, s14, $0xb8;
	[tilespmem:$0x1EC80] =	vst v63  }
0x6e: {  	_ =	swait.ge [sflag:s19], $0x3200  }
0x6f: {  	[sflag:s19] =	ssyncset.done $0x0  }
0x70: {  	s22 =	rddreg [dreg:$0xe];
	[sflag:s19] =	ssyncadd.s32 $0xFFFFCE00  }
0x71: {  	[spmem:s2] =	stream.indirect.scatter.add.f32 [tilespmem:s15], [sflag:$0x5], $0x80, s22, s14, $0xb8;
	[tilespmem:$0x1EC80] =	vst v63  }
0x72: {  	_ =	swait.ge [sflag:s6], $0x3200  }
0x73: {  	[sflag:s6] =	ssyncset.done $0x0  }
0x74: {  	s23 =	rddreg [dreg:$0xf];
	[sflag:s6] =	ssyncadd.s32 $0xFFFFCE00  }
0x75: {  	[tilespmem:s15], [sflag:$0x2] =	stream.indirect.gather [hbm4b:s4+s14], $0x80, s23, s14, $0xb8;
	[tilespmem:$0x1EC80] =	vst v63  }
0x76: {  	_ =	swait.ge [sflag:s20], $0x3200  }
0x77: {  	[sflag:s20] =	ssyncset.done $0x0  }
0x78: {  	s24 =	rddreg [dreg:$0x10];
	[sflag:s20] =	ssyncadd.s32 $0xFFFFCE00  }
0x79: {  	[spmem:s2] =	stream.indirect.scatter.add.f32 [tilespmem:s16], [sflag:$0x6], $0x80, s24, s14, $0xb8;
	[tilespmem:$0x1EC80] =	vst v63  }
0x7a: {  	_ =	swait.ge [sflag:s21], $0x3200  }
0x7b: {  	[sflag:s21] =	ssyncset.done $0x0  }
0x7c: {  	s9 =	rddreg [dreg:$0x11];
	[sflag:s21] =	ssyncadd.s32 $0xFFFFCE00  }
0x7d: {  	[tilespmem:s16], [sflag:$0x3] =	stream.indirect.gather [hbm4b:s4+s14], $0x80, s9, s14, $0xb8;
	[tilespmem:$0x1EC80] =	vst v63  }
0x7e: {  	_ =	swait.ge [sflag:s17], $0x3200  }
0x7f: {  	[sflag:s17] =	ssyncset.done $0x0  }
0x80: {  	s10 =	rddreg [dreg:$0x12];
	[sflag:s17] =	ssyncadd.s32 $0xFFFFCE00  }
0x81: {  	[spmem:s2] =	stream.indirect.scatter.add.f32 [tilespmem:s11], [sflag:$0x4], $0x80, s10, s14, $0xb8;
	[tilespmem:$0x1EC80] =	vst v63  }
0x82: {  	_ =	swait.ge [sflag:s18], $0x3200  }
0x83: {  	[sflag:s18] =	ssyncset.done $0x0  }
0x84: {  	s22 =	rddreg [dreg:$0x13];
	[sflag:s18] =	ssyncadd.s32 $0xFFFFCE00  }
0x85: {  	[tilespmem:s11], [sflag:$0x1] =	stream.indirect.gather [hbm4b:s4+s14], $0x80, s22, s14, $0xb8;
	[tilespmem:$0x1EC80] =	vst v63  }
0x86: {  	_ =	swait.ge [sflag:s19], $0x3200  }
0x87: {  	[sflag:s19] =	ssyncset.done $0x0  }
0x88: {  	s23 =	rddreg [dreg:$0x14];
	[sflag:s19] =	ssyncadd.s32 $0xFFFFCE00  }
0x89: {  	[spmem:s2] =	stream.indirect.scatter.add.f32 [tilespmem:s15], [sflag:$0x5], $0x80, s23, s14, $0xb8;
	[tilespmem:$0x1EC80] =	vst v63  }
0x8a: {  	_ =	swait.ge [sflag:s6], $0x3200  }
0x8b: {  	[sflag:s6] =	ssyncset.done $0x0  }
0x8c: {  	s24 =	rddreg [dreg:$0x15];
	[sflag:s6] =	ssyncadd.s32 $0xFFFFCE00  }
0x8d: {  	[tilespmem:s15], [sflag:$0x2] =	stream.indirect.gather [hbm4b:s4+s14], $0x80, s24, s14, $0xb8;
	[tilespmem:$0x1EC80] =	vst v63  }
0x8e: {  	_ =	swait.ge [sflag:s20], $0x3200  }
0x8f: {  	[sflag:s20] =	ssyncset.done $0x0  }
0x90: {  	s9 =	rddreg [dreg:$0x16];
	[sflag:s20] =	ssyncadd.s32 $0xFFFFCE00  }
0x91: {  	[spmem:s2] =	stream.indirect.scatter.add.f32 [tilespmem:s16], [sflag:$0x6], $0x80, s9, s14, $0xb8;
	[tilespmem:$0x1EC80] =	vst v63  }
0x92: {  	_ =	swait.ge [sflag:s21], $0x3200  }
0x93: {  	[sflag:s21] =	ssyncset.done $0x0  }
0x94: {  	s10 =	rddreg [dreg:$0x17];
	[sflag:s21] =	ssyncadd.s32 $0xFFFFCE00  }
0x95: {  	[tilespmem:s16], [sflag:$0x3] =	stream.indirect.gather [hbm4b:s4+s14], $0x80, s10, s14, $0xb8;
	[tilespmem:$0x1EC80] =	vst v63  }
0x96: {  	_ =	swait.ge [sflag:s17], $0x3200  }
0x97: {  	[sflag:s17] =	ssyncset.done $0x0  }
0x98: {  	s22 =	rddreg [dreg:$0x18];
	[sflag:s17] =	ssyncadd.s32 $0xFFFFCE00  }
0x99: {  	[spmem:s2] =	stream.indirect.scatter.add.f32 [tilespmem:s11], [sflag:$0x4], $0x80, s22, s14, $0xb8;
	[tilespmem:$0x1EC80] =	vst v63  }
0x9a: {  	_ =	swait.ge [sflag:s18], $0x3200  }
0x9b: {  	[sflag:s18] =	ssyncset.done $0x0  }
0x9c: {  	s23 =	rddreg [dreg:$0x19];
	[sflag:s18] =	ssyncadd.s32 $0xFFFFCE00  }
0x9d: {  	[tilespmem:s11], [sflag:$0x1] =	stream.indirect.gather [hbm4b:s4+s14], $0x80, s23, s14, $0xb8;
	[tilespmem:$0x1EC80] =	vst v63  }
0x9e: {  	_ =	swait.ge [sflag:s19], $0x3200  }
0x9f: {  	[sflag:s19] =	ssyncset.done $0x0  }
0xa0: {  	s24 =	rddreg [dreg:$0x1a];
	[sflag:s19] =	ssyncadd.s32 $0xFFFFCE00  }
0xa1: {  	[spmem:s2] =	stream.indirect.scatter.add.f32 [tilespmem:s15], [sflag:$0x5], $0x80, s24, s14, $0xb8;
	[tilespmem:$0x1EC80] =	vst v63  }
0xa2: {  	_ =	swait.ge [sflag:s6], $0x3200  }
0xa3: {  	[sflag:s6] =	ssyncset.done $0x0  }
0xa4: {  	s9 =	rddreg [dreg:$0x1b];
	[sflag:s6] =	ssyncadd.s32 $0xFFFFCE00  }
0xa5: {  	[tilespmem:s15], [sflag:$0x2] =	stream.indirect.gather [hbm4b:s4+s14], $0x80, s9, s14, $0xb8;
	[tilespmem:$0x1EC80] =	vst v63  }
0xa6: {  	_ =	swait.ge [sflag:s20], $0x3200  }
0xa7: {  	[sflag:s20] =	ssyncset.done $0x0  }
0xa8: {  	s10 =	rddreg [dreg:$0x1c];
	[sflag:s20] =	ssyncadd.s32 $0xFFFFCE00  }
0xa9: {  	[spmem:s2] =	stream.indirect.scatter.add.f32 [tilespmem:s16], [sflag:$0x6], $0x80, s10, s14, $0xb8;
	[tilespmem:$0x1EC80] =	vst v63  }
0xaa: {  	_ =	swait.ge [sflag:s21], $0x3200  }
0xab: {  	[sflag:s21] =	ssyncset.done $0x0  }
0xac: {  	s22 =	rddreg [dreg:$0x1d];
	[sflag:s21] =	ssyncadd.s32 $0xFFFFCE00  }
0xad: {  	[tilespmem:s16], [sflag:$0x3] =	stream.indirect.gather [hbm4b:s4+s14], $0x80, s22, s14, $0xb8;
	[tilespmem:$0x1EC80] =	vst v63  }
0xae: {  	_ =	swait.ge [sflag:s17], $0x3200  }
0xaf: {  	[sflag:s17] =	ssyncset.done $0x0  }
0xb0: {  	s23 =	rddreg [dreg:$0x1e];
	[sflag:s17] =	ssyncadd.s32 $0xFFFFCE00  }
0xb1: {  	[spmem:s2] =	stream.indirect.scatter.add.f32 [tilespmem:s11], [sflag:$0x4], $0x80, s23, s14, $0xb8;
	[tilespmem:$0x1EC80] =	vst v63  }
0xb2: {  	_ =	swait.ge [sflag:s18], $0x3200  }
0xb3: {  	[sflag:s18] =	ssyncset.done $0x0  }
0xb4: {  	s24 =	simm.s32 $0x780;
	[sflag:s18] =	ssyncadd.s32 $0xFFFFCE00  }
0xb5: {  	[tilespmem:s11], [sflag:$0x1] =	stream.indirect.gather [hbm4b:s4+s14], $0x80, s24, s14, $0xb8;
	[tilespmem:$0x1EC80] =	vst v63  }
0xb6: {  	_ =	swait.ge [sflag:s19], $0x3200  }
0xb7: {  	[sflag:s19] =	ssyncset.done $0x0  }
0xb8: {  	s23 =	simm.s32 $0x1280;
	[sflag:s19] =	ssyncadd.s32 $0xFFFFCE00  }
0xb9: {  	[spmem:s2] =	stream.indirect.scatter.add.f32 [tilespmem:s15], [sflag:$0x5], $0x80, s23, s14, $0xb8;
	[tilespmem:$0x1EC80] =	vst v63  }
0xba: {  	_ =	swait.ge [sflag:s6], $0x3200  }
0xbb: {  	[sflag:s6] =	ssyncset.done $0x0  }
0xbc: {  	s24 =	simm.s32 $0x800;
	[sflag:s6] =	ssyncadd.s32 $0xFFFFCE00  }
0xbd: {  	[tilespmem:s15], [sflag:$0x2] =	stream.indirect.gather [hbm4b:s4+s14], $0x80, s24, s14, $0xb8;
	[tilespmem:$0x1EC80] =	vst v63  }
0xbe: {  	_ =	swait.ge [sflag:s20], $0x3200  }
0xbf: {  	[sflag:s20] =	ssyncset.done $0x0  }
0xc0: {  	[sflag:s20] =	ssyncadd.s32 $0xFFFFCE00  }
0xc1: {  	[spmem:s2] =	stream.indirect.scatter.add.f32 [tilespmem:s16], [sflag:$0x6], $0x80, s25, s14, $0xb8;
	[tilespmem:$0x1EC80] =	vst v63  }
0xc2: {  	_ =	swait.ge [sflag:s21], $0x3200  }
0xc3: {  	[sflag:s21] =	ssyncset.done $0x0  }
0xc4: {  	[sflag:s21] =	ssyncadd.s32 $0xFFFFCE00  }
0xc5: {  	[tilespmem:s16], [sflag:$0x3] =	stream.indirect.gather [hbm4b:s4+s14], $0x80, s26, s14, $0xb8;
	[tilespmem:$0x1EC80] =	vst v63  }
0xc6: {  	_ =	swait.ge [sflag:s17], $0x3200  }
0xc7: {  	[sflag:s17] =	ssyncset.done $0x0  }
0xc8: {  	[sflag:s17] =	ssyncadd.s32 $0xFFFFCE00  }
0xc9: {  	[spmem:s2] =	stream.indirect.scatter.add.f32 [tilespmem:s11], [sflag:$0x4], $0x80, s28, s14, $0xb8;
	[tilespmem:$0x1EC80] =	vst v63  }
0xca: {  	_ =	swait.ge [sflag:s18], $0x3200  }
0xcb: {  	[sflag:s18] =	ssyncset.done $0x0  }
0xcc: {  	[sflag:s18] =	ssyncadd.s32 $0xFFFFCE00  }
0xcd: {  	[tilespmem:s11], [sflag:$0x1] =	stream.indirect.gather [hbm4b:s4+s14], $0x80, s29, s14, $0xb8;
	[tilespmem:$0x1EC80] =	vst v63  }
0xce: {  	_ =	swait.ge [sflag:s19], $0x3200  }
0xcf: {  	[sflag:s19] =	ssyncset.done $0x0  }
0xd0: {  	[sflag:s19] =	ssyncadd.s32 $0xFFFFCE00  }
0xd1: {  	[spmem:s2] =	stream.indirect.scatter.add.f32 [tilespmem:s15], [sflag:$0x5], $0x80, s30, s14, $0xb8;
	[tilespmem:$0x1EC80] =	vst v63  }
0xd2: {  	_ =	swait.ge [sflag:s6], $0x3200  }
0xd3: {  	[sflag:s6] =	ssyncset.done $0x0  }
0xd4: {  	[sflag:s6] =	ssyncadd.s32 $0xFFFFCE00  }
0xd5: {  	[tilespmem:s15], [sflag:$0x2] =	stream.indirect.gather [hbm4b:s4+s14], $0x80, s31, s14, $0xb8;
	[tilespmem:$0x1EC80] =	vst v63  }
0xd6: {  	_ =	swait.ge [sflag:s20], $0x3200  }
0xd7: {  	[sflag:s20] =	ssyncset.done $0x0  }
0xd8: {  	[sflag:s20] =	ssyncadd.s32 $0xFFFFCE00  }
0xd9: {  	[spmem:s2] =	stream.indirect.scatter.add.f32 [tilespmem:s16], [sflag:$0x6], $0x80, s1, s14, $0xb8;
	[tilespmem:$0x1EC80] =	vst v63  }
0xda: {  	_ =	swait.ge [sflag:s21], $0x3200  }
0xdb: {  	[sflag:s21] =	ssyncset.done $0x0  }
0xdc: {  	[sflag:s21] =	ssyncadd.s32 $0xFFFFCE00  }
0xdd: {  	_ =	swait.ge [sflag:s17], $0x3200  }
0xde: {  	[sflag:s17] =	ssyncset.done $0x0  }
0xdf: {  	[sflag:s17] =	ssyncadd.s32 $0xFFFFCE00  }
0xe0: {  	[spmem:s2] =	stream.indirect.scatter.add.f32 [tilespmem:s11], [sflag:$0x4], $0x80, s0, s14, $0xb8;
	[tilespmem:$0x1EC80] =	vst v63  }
0xe1: {  	_ =	swait.ge [sflag:s18], $0x3200  }
0xe2: {  	[sflag:s18] =	ssyncset.done $0x0  }
0xe3: {  	[sflag:s18] =	ssyncadd.s32 $0xFFFFCE00  }
0xe4: {  	_ =	swait.ge [sflag:s19], $0x3200  }
0xe5: {  	[sflag:s19] =	ssyncset.done $0x0  }
0xe6: {  	[sflag:s19] =	ssyncadd.s32 $0xFFFFCE00  }
0xe7: {  	[spmem:s2] =	stream.indirect.scatter.add.f32 [tilespmem:s15], [sflag:$0x5], $0x80, s8, s14, $0xb8;
	[tilespmem:$0x1EC80] =	vst v63  }
0xe8: {  	s7 =	simm.s32 $0x180;
	_ =	swait.ge [sflag:s6], $0x3200  }
0xe9: {  	s9 =	simm.s32 $0x300;
	s10 =	rddreg [dreg:$0x4];
	[sflag:s6] =	ssyncset.done $0x0  }
.LBB2_6:
0xea: {  	[sflag:s6] =	ssyncadd.s32 $0xFFFFCE00;
	s10 =	sadd.s32 s7, s10  }
0xeb: {  	[tilespmem:s3], [sflag:$0x7] =	stream.linear.gather [hbm4b:s10+s3], $0xA00, $0x38;
	[tilespmem:$0x1EC80] =	vst v63  }
0xec: {  	_ =	swait.ge [sflag:s12], $0xA00  }
0xed: {  	s10 =	rddreg [dreg:$0x3];
	[sflag:s12] =	ssyncset.done $0x0  }
0xee: {  	[sflag:s12] =	ssyncadd.s32 $0xFFFFF600;
	s10 =	sadd.s32 s7, s10  }
0xef: {  	[tilespmem:s13], [sflag:$0x7] =	stream.linear.gather [hbm4b:s10+s3], $0xA00, $0x38;
	[tilespmem:$0x1EC80] =	vst v63  }
0xf0: {  	_ =	swait.ge [sflag:s12], $0xA00  }
0xf1: {  	[sflag:s12] =	ssyncset.done $0x0  }
0xf2: {  	[sflag:s12] =	ssyncadd.s32 $0xFFFFF600  }
0xf3: {  	[tilespmem:s11], [sflag:$0x1] =	stream.indirect.gather [hbm4b:s4+s14], $0x80, s3, s14, $0xb8;
	[tilespmem:$0x1EC80] =	vst v63  }
0xf4: {  	s22 =	smov.u32 s9;
	s10 =	rddreg [dreg:$0x5]  }
0xf5: {  	[tilespmem:s15], [sflag:$0x2] =	stream.indirect.gather [hbm4b:s4+s14], $0x80, s10, s14, $0xb8;
	[tilespmem:$0x1EC80] =	vst v63  }
0xf6: {  	s7 =	smov.u32 s22;
	s22 =	rddreg [dreg:$0x6]  }
0xf7: {  	[tilespmem:s16], [sflag:$0x3] =	stream.indirect.gather [hbm4b:s4+s14], $0x80, s22, s14, $0xb8;
	[tilespmem:$0x1EC80] =	vst v63  }
0xf8: {  	_ =	swait.ge [sflag:s17], $0x3200  }
0xf9: {  	[sflag:s17] =	ssyncset.done $0x0  }
0xfa: {  	[sflag:s17] =	ssyncadd.s32 $0xFFFFCE00  }
0xfb: {  	[spmem:s2] =	stream.indirect.scatter.add.f32 [tilespmem:s11], [sflag:$0x4], $0x80, s13, s14, $0xb8;
	[tilespmem:$0x1EC80] =	vst v63  }
0xfc: {  	_ =	swait.ge [sflag:s18], $0x3200  }
0xfd: {  	[sflag:s18] =	ssyncset.done $0x0  }
0xfe: {  	s10 =	rddreg [dreg:$0x7];
	[sflag:s18] =	ssyncadd.s32 $0xFFFFCE00  }
0xff: {  	[tilespmem:s11], [sflag:$0x1] =	stream.indirect.gather [hbm4b:s4+s14], $0x80, s10, s14, $0xb8;
	[tilespmem:$0x1EC80] =	vst v63  }
0x100: {  	_ =	swait.ge [sflag:s19], $0x3200  }
0x101: {  	[sflag:s19] =	ssyncset.done $0x0  }
0x102: {  	s10 =	rddreg [dreg:$0x8];
	[sflag:s19] =	ssyncadd.s32 $0xFFFFCE00  }
0x103: {  	[spmem:s2] =	stream.indirect.scatter.add.f32 [tilespmem:s15], [sflag:$0x5], $0x80, s10, s14, $0xb8;
	[tilespmem:$0x1EC80] =	vst v63  }
0x104: {  	_ =	swait.ge [sflag:s6], $0x3200  }
0x105: {  	[sflag:s6] =	ssyncset.done $0x0  }
0x106: {  	s10 =	rddreg [dreg:$0x9];
	[sflag:s6] =	ssyncadd.s32 $0xFFFFCE00  }
0x107: {  	[tilespmem:s15], [sflag:$0x2] =	stream.indirect.gather [hbm4b:s4+s14], $0x80, s10, s14, $0xb8;
	[tilespmem:$0x1EC80] =	vst v63  }
0x108: {  	_ =	swait.ge [sflag:s20], $0x3200  }
0x109: {  	[sflag:s20] =	ssyncset.done $0x0  }
0x10a: {  	s10 =	rddreg [dreg:$0xa];
	[sflag:s20] =	ssyncadd.s32 $0xFFFFCE00  }
0x10b: {  	[spmem:s2] =	stream.indirect.scatter.add.f32 [tilespmem:s16], [sflag:$0x6], $0x80, s10, s14, $0xb8;
	[tilespmem:$0x1EC80] =	vst v63  }
0x10c: {  	_ =	swait.ge [sflag:s21], $0x3200  }
0x10d: {  	[sflag:s21] =	ssyncset.done $0x0  }
0x10e: {  	s10 =	rddreg [dreg:$0xb];
	[sflag:s21] =	ssyncadd.s32 $0xFFFFCE00  }
0x10f: {  	[tilespmem:s16], [sflag:$0x3] =	stream.indirect.gather [hbm4b:s4+s14], $0x80, s10, s14, $0xb8;
	[tilespmem:$0x1EC80] =	vst v63  }
0x110: {  	_ =	swait.ge [sflag:s17], $0x3200  }
0x111: {  	[sflag:s17] =	ssyncset.done $0x0  }
0x112: {  	s10 =	rddreg [dreg:$0xc];
	[sflag:s17] =	ssyncadd.s32 $0xFFFFCE00  }
0x113: {  	[spmem:s2] =	stream.indirect.scatter.add.f32 [tilespmem:s11], [sflag:$0x4], $0x80, s10, s14, $0xb8;
	[tilespmem:$0x1EC80] =	vst v63  }
0x114: {  	_ =	swait.ge [sflag:s18], $0x3200  }
0x115: {  	[sflag:s18] =	ssyncset.done $0x0  }
0x116: {  	s10 =	rddreg [dreg:$0xd];
	[sflag:s18] =	ssyncadd.s32 $0xFFFFCE00  }
0x117: {  	[tilespmem:s11], [sflag:$0x1] =	stream.indirect.gather [hbm4b:s4+s14], $0x80, s10, s14, $0xb8;
	[tilespmem:$0x1EC80] =	vst v63  }
0x118: {  	_ =	swait.ge [sflag:s19], $0x3200  }
0x119: {  	[sflag:s19] =	ssyncset.done $0x0  }
0x11a: {  	s10 =	rddreg [dreg:$0xe];
	[sflag:s19] =	ssyncadd.s32 $0xFFFFCE00  }
0x11b: {  	[spmem:s2] =	stream.indirect.scatter.add.f32 [tilespmem:s15], [sflag:$0x5], $0x80, s10, s14, $0xb8;
	[tilespmem:$0x1EC80] =	vst v63  }
0x11c: {  	_ =	swait.ge [sflag:s6], $0x3200  }
0x11d: {  	[sflag:s6] =	ssyncset.done $0x0  }
0x11e: {  	s10 =	rddreg [dreg:$0xf];
	[sflag:s6] =	ssyncadd.s32 $0xFFFFCE00  }
0x11f: {  	[tilespmem:s15], [sflag:$0x2] =	stream.indirect.gather [hbm4b:s4+s14], $0x80, s10, s14, $0xb8;
	[tilespmem:$0x1EC80] =	vst v63  }
0x120: {  	_ =	swait.ge [sflag:s20], $0x3200  }
0x121: {  	[sflag:s20] =	ssyncset.done $0x0  }
0x122: {  	s10 =	rddreg [dreg:$0x10];
	[sflag:s20] =	ssyncadd.s32 $0xFFFFCE00  }
0x123: {  	[spmem:s2] =	stream.indirect.scatter.add.f32 [tilespmem:s16], [sflag:$0x6], $0x80, s10, s14, $0xb8;
	[tilespmem:$0x1EC80] =	vst v63  }
0x124: {  	_ =	swait.ge [sflag:s21], $0x3200  }
0x125: {  	[sflag:s21] =	ssyncset.done $0x0  }
0x126: {  	s10 =	rddreg [dreg:$0x11];
	[sflag:s21] =	ssyncadd.s32 $0xFFFFCE00  }
0x127: {  	[tilespmem:s16], [sflag:$0x3] =	stream.indirect.gather [hbm4b:s4+s14], $0x80, s10, s14, $0xb8;
	[tilespmem:$0x1EC80] =	vst v63  }
0x128: {  	_ =	swait.ge [sflag:s17], $0x3200  }
0x129: {  	[sflag:s17] =	ssyncset.done $0x0  }
0x12a: {  	s10 =	rddreg [dreg:$0x12];
	[sflag:s17] =	ssyncadd.s32 $0xFFFFCE00  }
0x12b: {  	[spmem:s2] =	stream.indirect.scatter.add.f32 [tilespmem:s11], [sflag:$0x4], $0x80, s10, s14, $0xb8;
	[tilespmem:$0x1EC80] =	vst v63  }
0x12c: {  	_ =	swait.ge [sflag:s18], $0x3200  }
0x12d: {  	[sflag:s18] =	ssyncset.done $0x0  }
0x12e: {  	s10 =	rddreg [dreg:$0x13];
	[sflag:s18] =	ssyncadd.s32 $0xFFFFCE00  }
0x12f: {  	[tilespmem:s11], [sflag:$0x1] =	stream.indirect.gather [hbm4b:s4+s14], $0x80, s10, s14, $0xb8;
	[tilespmem:$0x1EC80] =	vst v63  }
0x130: {  	_ =	swait.ge [sflag:s19], $0x3200  }
0x131: {  	[sflag:s19] =	ssyncset.done $0x0  }
0x132: {  	s10 =	rddreg [dreg:$0x14];
	[sflag:s19] =	ssyncadd.s32 $0xFFFFCE00  }
0x133: {  	[spmem:s2] =	stream.indirect.scatter.add.f32 [tilespmem:s15], [sflag:$0x5], $0x80, s10, s14, $0xb8;
	[tilespmem:$0x1EC80] =	vst v63  }
0x134: {  	_ =	swait.ge [sflag:s6], $0x3200  }
0x135: {  	[sflag:s6] =	ssyncset.done $0x0  }
0x136: {  	s10 =	rddreg [dreg:$0x15];
	[sflag:s6] =	ssyncadd.s32 $0xFFFFCE00  }
0x137: {  	[tilespmem:s15], [sflag:$0x2] =	stream.indirect.gather [hbm4b:s4+s14], $0x80, s10, s14, $0xb8;
	[tilespmem:$0x1EC80] =	vst v63  }
0x138: {  	_ =	swait.ge [sflag:s20], $0x3200  }
0x139: {  	[sflag:s20] =	ssyncset.done $0x0  }
0x13a: {  	s10 =	rddreg [dreg:$0x16];
	[sflag:s20] =	ssyncadd.s32 $0xFFFFCE00  }
0x13b: {  	[spmem:s2] =	stream.indirect.scatter.add.f32 [tilespmem:s16], [sflag:$0x6], $0x80, s10, s14, $0xb8;
	[tilespmem:$0x1EC80] =	vst v63  }
0x13c: {  	_ =	swait.ge [sflag:s21], $0x3200  }
0x13d: {  	[sflag:s21] =	ssyncset.done $0x0  }
0x13e: {  	s10 =	rddreg [dreg:$0x17];
	[sflag:s21] =	ssyncadd.s32 $0xFFFFCE00  }
0x13f: {  	[tilespmem:s16], [sflag:$0x3] =	stream.indirect.gather [hbm4b:s4+s14], $0x80, s10, s14, $0xb8;
	[tilespmem:$0x1EC80] =	vst v63  }
0x140: {  	_ =	swait.ge [sflag:s17], $0x3200  }
0x141: {  	[sflag:s17] =	ssyncset.done $0x0  }
0x142: {  	s10 =	rddreg [dreg:$0x18];
	[sflag:s17] =	ssyncadd.s32 $0xFFFFCE00  }
0x143: {  	[spmem:s2] =	stream.indirect.scatter.add.f32 [tilespmem:s11], [sflag:$0x4], $0x80, s10, s14, $0xb8;
	[tilespmem:$0x1EC80] =	vst v63  }
0x144: {  	_ =	swait.ge [sflag:s18], $0x3200  }
0x145: {  	[sflag:s18] =	ssyncset.done $0x0  }
0x146: {  	s10 =	rddreg [dreg:$0x19];
	[sflag:s18] =	ssyncadd.s32 $0xFFFFCE00  }
0x147: {  	[tilespmem:s11], [sflag:$0x1] =	stream.indirect.gather [hbm4b:s4+s14], $0x80, s10, s14, $0xb8;
	[tilespmem:$0x1EC80] =	vst v63  }
0x148: {  	_ =	swait.ge [sflag:s19], $0x3200  }
0x149: {  	[sflag:s19] =	ssyncset.done $0x0  }
0x14a: {  	s10 =	rddreg [dreg:$0x1a];
	[sflag:s19] =	ssyncadd.s32 $0xFFFFCE00  }
0x14b: {  	[spmem:s2] =	stream.indirect.scatter.add.f32 [tilespmem:s15], [sflag:$0x5], $0x80, s10, s14, $0xb8;
	[tilespmem:$0x1EC80] =	vst v63  }
0x14c: {  	_ =	swait.ge [sflag:s6], $0x3200  }
0x14d: {  	[sflag:s6] =	ssyncset.done $0x0  }
0x14e: {  	s10 =	rddreg [dreg:$0x1b];
	[sflag:s6] =	ssyncadd.s32 $0xFFFFCE00  }
0x14f: {  	[tilespmem:s15], [sflag:$0x2] =	stream.indirect.gather [hbm4b:s4+s14], $0x80, s10, s14, $0xb8;
	[tilespmem:$0x1EC80] =	vst v63  }
0x150: {  	_ =	swait.ge [sflag:s20], $0x3200  }
0x151: {  	[sflag:s20] =	ssyncset.done $0x0  }
0x152: {  	s10 =	rddreg [dreg:$0x1c];
	[sflag:s20] =	ssyncadd.s32 $0xFFFFCE00  }
0x153: {  	[spmem:s2] =	stream.indirect.scatter.add.f32 [tilespmem:s16], [sflag:$0x6], $0x80, s10, s14, $0xb8;
	[tilespmem:$0x1EC80] =	vst v63  }
0x154: {  	_ =	swait.ge [sflag:s21], $0x3200  }
0x155: {  	[sflag:s21] =	ssyncset.done $0x0  }
0x156: {  	s10 =	rddreg [dreg:$0x1d];
	[sflag:s21] =	ssyncadd.s32 $0xFFFFCE00  }
0x157: {  	[tilespmem:s16], [sflag:$0x3] =	stream.indirect.gather [hbm4b:s4+s14], $0x80, s10, s14, $0xb8;
	[tilespmem:$0x1EC80] =	vst v63  }
0x158: {  	_ =	swait.ge [sflag:s17], $0x3200  }
0x159: {  	[sflag:s17] =	ssyncset.done $0x0  }
0x15a: {  	s10 =	rddreg [dreg:$0x1e];
	[sflag:s17] =	ssyncadd.s32 $0xFFFFCE00  }
0x15b: {  	[spmem:s2] =	stream.indirect.scatter.add.f32 [tilespmem:s11], [sflag:$0x4], $0x80, s10, s14, $0xb8;
	[tilespmem:$0x1EC80] =	vst v63  }
0x15c: {  	_ =	swait.ge [sflag:s18], $0x3200  }
0x15d: {  	[sflag:s18] =	ssyncset.done $0x0  }
0x15e: {  	s22 =	simm.s32 $0x780;
	[sflag:s18] =	ssyncadd.s32 $0xFFFFCE00  }
0x15f: {  	[tilespmem:s11], [sflag:$0x1] =	stream.indirect.gather [hbm4b:s4+s14], $0x80, s22, s14, $0xb8;
	[tilespmem:$0x1EC80] =	vst v63  }
0x160: {  	_ =	swait.ge [sflag:s19], $0x3200  }
0x161: {  	[sflag:s19] =	ssyncset.done $0x0  }
0x162: {  	[sflag:s19] =	ssyncadd.s32 $0xFFFFCE00  }
0x163: {  	[spmem:s2] =	stream.indirect.scatter.add.f32 [tilespmem:s15], [sflag:$0x5], $0x80, s23, s14, $0xb8;
	[tilespmem:$0x1EC80] =	vst v63  }
0x164: {  	_ =	swait.ge [sflag:s6], $0x3200  }
0x165: {  	[sflag:s6] =	ssyncset.done $0x0  }
0x166: {  	[sflag:s6] =	ssyncadd.s32 $0xFFFFCE00  }
0x167: {  	[tilespmem:s15], [sflag:$0x2] =	stream.indirect.gather [hbm4b:s4+s14], $0x80, s24, s14, $0xb8;
	[tilespmem:$0x1EC80] =	vst v63  }
0x168: {  	_ =	swait.ge [sflag:s20], $0x3200  }
0x169: {  	[sflag:s20] =	ssyncset.done $0x0  }
0x16a: {  	[sflag:s20] =	ssyncadd.s32 $0xFFFFCE00  }
0x16b: {  	[spmem:s2] =	stream.indirect.scatter.add.f32 [tilespmem:s16], [sflag:$0x6], $0x80, s25, s14, $0xb8;
	[tilespmem:$0x1EC80] =	vst v63  }
0x16c: {  	_ =	swait.ge [sflag:s21], $0x3200  }
0x16d: {  	[sflag:s21] =	ssyncset.done $0x0  }
0x16e: {  	[sflag:s21] =	ssyncadd.s32 $0xFFFFCE00  }
0x16f: {  	[tilespmem:s16], [sflag:$0x3] =	stream.indirect.gather [hbm4b:s4+s14], $0x80, s26, s14, $0xb8;
	[tilespmem:$0x1EC80] =	vst v63  }
0x170: {  	_ =	swait.ge [sflag:s17], $0x3200  }
0x171: {  	[sflag:s17] =	ssyncset.done $0x0  }
0x172: {  	[sflag:s17] =	ssyncadd.s32 $0xFFFFCE00  }
0x173: {  	[spmem:s2] =	stream.indirect.scatter.add.f32 [tilespmem:s11], [sflag:$0x4], $0x80, s28, s14, $0xb8;
	[tilespmem:$0x1EC80] =	vst v63  }
0x174: {  	_ =	swait.ge [sflag:s18], $0x3200  }
0x175: {  	[sflag:s18] =	ssyncset.done $0x0  }
0x176: {  	[sflag:s18] =	ssyncadd.s32 $0xFFFFCE00  }
0x177: {  	[tilespmem:s11], [sflag:$0x1] =	stream.indirect.gather [hbm4b:s4+s14], $0x80, s29, s14, $0xb8;
	[tilespmem:$0x1EC80] =	vst v63  }
0x178: {  	_ =	swait.ge [sflag:s19], $0x3200  }
0x179: {  	[sflag:s19] =	ssyncset.done $0x0  }
0x17a: {  	[sflag:s19] =	ssyncadd.s32 $0xFFFFCE00  }
0x17b: {  	[spmem:s2] =	stream.indirect.scatter.add.f32 [tilespmem:s15], [sflag:$0x5], $0x80, s30, s14, $0xb8;
	[tilespmem:$0x1EC80] =	vst v63  }
0x17c: {  	_ =	swait.ge [sflag:s6], $0x3200  }
0x17d: {  	[sflag:s6] =	ssyncset.done $0x0  }
0x17e: {  	[sflag:s6] =	ssyncadd.s32 $0xFFFFCE00  }
0x17f: {  	[tilespmem:s15], [sflag:$0x2] =	stream.indirect.gather [hbm4b:s4+s14], $0x80, s31, s14, $0xb8;
	[tilespmem:$0x1EC80] =	vst v63  }
0x180: {  	_ =	swait.ge [sflag:s20], $0x3200  }
0x181: {  	[sflag:s20] =	ssyncset.done $0x0  }
0x182: {  	[sflag:s20] =	ssyncadd.s32 $0xFFFFCE00  }
0x183: {  	[spmem:s2] =	stream.indirect.scatter.add.f32 [tilespmem:s16], [sflag:$0x6], $0x80, s1, s14, $0xb8;
	[tilespmem:$0x1EC80] =	vst v63  }
0x184: {  	_ =	swait.ge [sflag:s21], $0x3200  }
0x185: {  	[sflag:s21] =	ssyncset.done $0x0  }
0x186: {  	[sflag:s21] =	ssyncadd.s32 $0xFFFFCE00  }
0x187: {  	_ =	swait.ge [sflag:s17], $0x3200  }
0x188: {  	[sflag:s17] =	ssyncset.done $0x0  }
0x189: {  	[sflag:s17] =	ssyncadd.s32 $0xFFFFCE00  }
0x18a: {  	[spmem:s2] =	stream.indirect.scatter.add.f32 [tilespmem:s11], [sflag:$0x4], $0x80, s0, s14, $0xb8;
	[tilespmem:$0x1EC80] =	vst v63  }
0x18b: {  	_ =	swait.ge [sflag:s18], $0x3200  }
0x18c: {  	[sflag:s18] =	ssyncset.done $0x0  }
0x18d: {  	[sflag:s18] =	ssyncadd.s32 $0xFFFFCE00  }
0x18e: {  	p1 =	sne.s32 s9, $0x600;
	_ =	swait.ge [sflag:s19], $0x3200  }
.Ltmp3:
0x18f: {  	[sflag:s19] =	ssyncset.done $0x0;
	(pc) =	sbr.rel @p1 .LBB2_6-.Ltmp3, $4  }
0x190: {  	[sflag:s19] =	ssyncadd.s32 $0xFFFFCE00  }
0x191: {  	[spmem:s2] =	stream.indirect.scatter.add.f32 [tilespmem:s15], [sflag:$0x5], $0x80, s8, s14, $0xb8;
	[tilespmem:$0x1EC80] =	vst v63  }
0x192: {  	_ =	swait.ge [sflag:s6], $0x3200  }
0x193: {  	s9 =	sadd.s32 $0x180, s9;
	s10 =	rddreg [dreg:$0x4];
	[sflag:s6] =	ssyncset.done $0x0  }
0x194: {  	[sflag:s6] =	ssyncadd.s32 $0xFFFFCE00;
	s9 =	sadd.s32 s7, s10  }
0x195: {  	[tilespmem:s3], [sflag:$0x7] =	stream.linear.gather [hbm4b:s9+s3], $0xA00, $0x38;
	[tilespmem:$0x1EC80] =	vst v63  }
0x196: {  	_ =	swait.ge [sflag:s12], $0xA00  }
0x197: {  	s10 =	rddreg [dreg:$0x3];
	[sflag:s12] =	ssyncset.done $0x0  }
0x198: {  	[sflag:s12] =	ssyncadd.s32 $0xFFFFF600;
	s10 =	sadd.s32 s7, s10  }
0x199: {  	[tilespmem:s13], [sflag:$0x7] =	stream.linear.gather [hbm4b:s10+s3], $0xA00, $0x38;
	[tilespmem:$0x1EC80] =	vst v63  }
0x19a: {  	_ =	swait.ge [sflag:s12], $0xA00  }
0x19b: {  	[sflag:s12] =	ssyncset.done $0x0  }
0x19c: {  	[sflag:s12] =	ssyncadd.s32 $0xFFFFF600  }
0x19d: {  	[tilespmem:s11], [sflag:$0x1] =	stream.indirect.gather [hbm4b:s4+s14], $0x80, s3, s14, $0xb8;
	[tilespmem:$0x1EC80] =	vst v63  }
0x19e: {  	s9 =	rddreg [dreg:$0x5]  }
0x19f: {  	[tilespmem:s15], [sflag:$0x2] =	stream.indirect.gather [hbm4b:s4+s14], $0x80, s9, s14, $0xb8;
	[tilespmem:$0x1EC80] =	vst v63  }
0x1a0: {  	s10 =	rddreg [dreg:$0x6]  }
0x1a1: {  	[tilespmem:s16], [sflag:$0x3] =	stream.indirect.gather [hbm4b:s4+s14], $0x80, s10, s14, $0xb8;
	[tilespmem:$0x1EC80] =	vst v63  }
0x1a2: {  	_ =	swait.ge [sflag:s17], $0x3200  }
0x1a3: {  	[sflag:s17] =	ssyncset.done $0x0  }
0x1a4: {  	[sflag:s17] =	ssyncadd.s32 $0xFFFFCE00  }
0x1a5: {  	[spmem:s2] =	stream.indirect.scatter.add.f32 [tilespmem:s11], [sflag:$0x4], $0x80, s13, s14, $0xb8;
	[tilespmem:$0x1EC80] =	vst v63  }
0x1a6: {  	_ =	swait.ge [sflag:s18], $0x3200  }
0x1a7: {  	[sflag:s18] =	ssyncset.done $0x0  }
0x1a8: {  	s9 =	rddreg [dreg:$0x7];
	[sflag:s18] =	ssyncadd.s32 $0xFFFFCE00  }
0x1a9: {  	[tilespmem:s11], [sflag:$0x1] =	stream.indirect.gather [hbm4b:s4+s14], $0x80, s9, s14, $0xb8;
	[tilespmem:$0x1EC80] =	vst v63  }
0x1aa: {  	_ =	swait.ge [sflag:s19], $0x3200  }
0x1ab: {  	[sflag:s19] =	ssyncset.done $0x0  }
0x1ac: {  	s10 =	rddreg [dreg:$0x8];
	[sflag:s19] =	ssyncadd.s32 $0xFFFFCE00  }
0x1ad: {  	[spmem:s2] =	stream.indirect.scatter.add.f32 [tilespmem:s15], [sflag:$0x5], $0x80, s10, s14, $0xb8;
	[tilespmem:$0x1EC80] =	vst v63  }
0x1ae: {  	_ =	swait.ge [sflag:s6], $0x3200  }
0x1af: {  	[sflag:s6] =	ssyncset.done $0x0  }
0x1b0: {  	s9 =	rddreg [dreg:$0x9];
	[sflag:s6] =	ssyncadd.s32 $0xFFFFCE00  }
0x1b1: {  	[tilespmem:s15], [sflag:$0x2] =	stream.indirect.gather [hbm4b:s4+s14], $0x80, s9, s14, $0xb8;
	[tilespmem:$0x1EC80] =	vst v63  }
0x1b2: {  	_ =	swait.ge [sflag:s20], $0x3200  }
0x1b3: {  	[sflag:s20] =	ssyncset.done $0x0  }
0x1b4: {  	s10 =	rddreg [dreg:$0xa];
	[sflag:s20] =	ssyncadd.s32 $0xFFFFCE00  }
0x1b5: {  	[spmem:s2] =	stream.indirect.scatter.add.f32 [tilespmem:s16], [sflag:$0x6], $0x80, s10, s14, $0xb8;
	[tilespmem:$0x1EC80] =	vst v63  }
0x1b6: {  	_ =	swait.ge [sflag:s21], $0x3200  }
0x1b7: {  	[sflag:s21] =	ssyncset.done $0x0  }
0x1b8: {  	s9 =	rddreg [dreg:$0xb];
	[sflag:s21] =	ssyncadd.s32 $0xFFFFCE00  }
0x1b9: {  	[tilespmem:s16], [sflag:$0x3] =	stream.indirect.gather [hbm4b:s4+s14], $0x80, s9, s14, $0xb8;
	[tilespmem:$0x1EC80] =	vst v63  }
0x1ba: {  	_ =	swait.ge [sflag:s17], $0x3200  }
0x1bb: {  	[sflag:s17] =	ssyncset.done $0x0  }
0x1bc: {  	s10 =	rddreg [dreg:$0xc];
	[sflag:s17] =	ssyncadd.s32 $0xFFFFCE00  }
0x1bd: {  	[spmem:s2] =	stream.indirect.scatter.add.f32 [tilespmem:s11], [sflag:$0x4], $0x80, s10, s14, $0xb8;
	[tilespmem:$0x1EC80] =	vst v63  }
0x1be: {  	_ =	swait.ge [sflag:s18], $0x3200  }
0x1bf: {  	[sflag:s18] =	ssyncset.done $0x0  }
0x1c0: {  	s9 =	rddreg [dreg:$0xd];
	[sflag:s18] =	ssyncadd.s32 $0xFFFFCE00  }
0x1c1: {  	[tilespmem:s11], [sflag:$0x1] =	stream.indirect.gather [hbm4b:s4+s14], $0x80, s9, s14, $0xb8;
	[tilespmem:$0x1EC80] =	vst v63  }
0x1c2: {  	_ =	swait.ge [sflag:s19], $0x3200  }
0x1c3: {  	[sflag:s19] =	ssyncset.done $0x0  }
0x1c4: {  	s10 =	rddreg [dreg:$0xe];
	[sflag:s19] =	ssyncadd.s32 $0xFFFFCE00  }
0x1c5: {  	[spmem:s2] =	stream.indirect.scatter.add.f32 [tilespmem:s15], [sflag:$0x5], $0x80, s10, s14, $0xb8;
	[tilespmem:$0x1EC80] =	vst v63  }
0x1c6: {  	_ =	swait.ge [sflag:s6], $0x3200  }
0x1c7: {  	[sflag:s6] =	ssyncset.done $0x0  }
0x1c8: {  	s9 =	rddreg [dreg:$0xf];
	[sflag:s6] =	ssyncadd.s32 $0xFFFFCE00  }
0x1c9: {  	[tilespmem:s15], [sflag:$0x2] =	stream.indirect.gather [hbm4b:s4+s14], $0x80, s9, s14, $0xb8;
	[tilespmem:$0x1EC80] =	vst v63  }
0x1ca: {  	_ =	swait.ge [sflag:s20], $0x3200  }
0x1cb: {  	[sflag:s20] =	ssyncset.done $0x0  }
0x1cc: {  	s10 =	rddreg [dreg:$0x10];
	[sflag:s20] =	ssyncadd.s32 $0xFFFFCE00  }
0x1cd: {  	[spmem:s2] =	stream.indirect.scatter.add.f32 [tilespmem:s16], [sflag:$0x6], $0x80, s10, s14, $0xb8;
	[tilespmem:$0x1EC80] =	vst v63  }
0x1ce: {  	_ =	swait.ge [sflag:s21], $0x3200  }
0x1cf: {  	[sflag:s21] =	ssyncset.done $0x0  }
0x1d0: {  	s9 =	rddreg [dreg:$0x11];
	[sflag:s21] =	ssyncadd.s32 $0xFFFFCE00  }
0x1d1: {  	[tilespmem:s16], [sflag:$0x3] =	stream.indirect.gather [hbm4b:s4+s14], $0x80, s9, s14, $0xb8;
	[tilespmem:$0x1EC80] =	vst v63  }
0x1d2: {  	_ =	swait.ge [sflag:s17], $0x3200  }
0x1d3: {  	[sflag:s17] =	ssyncset.done $0x0  }
0x1d4: {  	s10 =	rddreg [dreg:$0x12];
	[sflag:s17] =	ssyncadd.s32 $0xFFFFCE00  }
0x1d5: {  	[spmem:s2] =	stream.indirect.scatter.add.f32 [tilespmem:s11], [sflag:$0x4], $0x80, s10, s14, $0xb8;
	[tilespmem:$0x1EC80] =	vst v63  }
0x1d6: {  	_ =	swait.ge [sflag:s18], $0x3200  }
0x1d7: {  	[sflag:s18] =	ssyncset.done $0x0  }
0x1d8: {  	s9 =	rddreg [dreg:$0x13];
	[sflag:s18] =	ssyncadd.s32 $0xFFFFCE00  }
0x1d9: {  	[tilespmem:s11], [sflag:$0x1] =	stream.indirect.gather [hbm4b:s4+s14], $0x80, s9, s14, $0xb8;
	[tilespmem:$0x1EC80] =	vst v63  }
0x1da: {  	_ =	swait.ge [sflag:s19], $0x3200  }
0x1db: {  	[sflag:s19] =	ssyncset.done $0x0  }
0x1dc: {  	s10 =	rddreg [dreg:$0x14];
	[sflag:s19] =	ssyncadd.s32 $0xFFFFCE00  }
0x1dd: {  	[spmem:s2] =	stream.indirect.scatter.add.f32 [tilespmem:s15], [sflag:$0x5], $0x80, s10, s14, $0xb8;
	[tilespmem:$0x1EC80] =	vst v63  }
0x1de: {  	_ =	swait.ge [sflag:s6], $0x3200  }
0x1df: {  	[sflag:s6] =	ssyncset.done $0x0  }
0x1e0: {  	s9 =	rddreg [dreg:$0x15];
	[sflag:s6] =	ssyncadd.s32 $0xFFFFCE00  }
0x1e1: {  	[tilespmem:s15], [sflag:$0x2] =	stream.indirect.gather [hbm4b:s4+s14], $0x80, s9, s14, $0xb8;
	[tilespmem:$0x1EC80] =	vst v63  }
0x1e2: {  	_ =	swait.ge [sflag:s20], $0x3200  }
0x1e3: {  	[sflag:s20] =	ssyncset.done $0x0  }
0x1e4: {  	s10 =	rddreg [dreg:$0x16];
	[sflag:s20] =	ssyncadd.s32 $0xFFFFCE00  }
0x1e5: {  	[spmem:s2] =	stream.indirect.scatter.add.f32 [tilespmem:s16], [sflag:$0x6], $0x80, s10, s14, $0xb8;
	[tilespmem:$0x1EC80] =	vst v63  }
0x1e6: {  	_ =	swait.ge [sflag:s21], $0x3200  }
0x1e7: {  	[sflag:s21] =	ssyncset.done $0x0  }
0x1e8: {  	s9 =	rddreg [dreg:$0x17];
	[sflag:s21] =	ssyncadd.s32 $0xFFFFCE00  }
0x1e9: {  	[tilespmem:s16], [sflag:$0x3] =	stream.indirect.gather [hbm4b:s4+s14], $0x80, s9, s14, $0xb8;
	[tilespmem:$0x1EC80] =	vst v63  }
0x1ea: {  	_ =	swait.ge [sflag:s17], $0x3200  }
0x1eb: {  	[sflag:s17] =	ssyncset.done $0x0  }
0x1ec: {  	s10 =	rddreg [dreg:$0x18];
	[sflag:s17] =	ssyncadd.s32 $0xFFFFCE00  }
0x1ed: {  	[spmem:s2] =	stream.indirect.scatter.add.f32 [tilespmem:s11], [sflag:$0x4], $0x80, s10, s14, $0xb8;
	[tilespmem:$0x1EC80] =	vst v63  }
0x1ee: {  	_ =	swait.ge [sflag:s18], $0x3200  }
0x1ef: {  	[sflag:s18] =	ssyncset.done $0x0  }
0x1f0: {  	s9 =	rddreg [dreg:$0x19];
	[sflag:s18] =	ssyncadd.s32 $0xFFFFCE00  }
0x1f1: {  	[tilespmem:s11], [sflag:$0x1] =	stream.indirect.gather [hbm4b:s4+s14], $0x80, s9, s14, $0xb8;
	[tilespmem:$0x1EC80] =	vst v63  }
0x1f2: {  	_ =	swait.ge [sflag:s19], $0x3200  }
0x1f3: {  	[sflag:s19] =	ssyncset.done $0x0  }
0x1f4: {  	s10 =	rddreg [dreg:$0x1a];
	[sflag:s19] =	ssyncadd.s32 $0xFFFFCE00  }
0x1f5: {  	[spmem:s2] =	stream.indirect.scatter.add.f32 [tilespmem:s15], [sflag:$0x5], $0x80, s10, s14, $0xb8;
	[tilespmem:$0x1EC80] =	vst v63  }
0x1f6: {  	_ =	swait.ge [sflag:s6], $0x3200  }
0x1f7: {  	[sflag:s6] =	ssyncset.done $0x0  }
0x1f8: {  	s9 =	rddreg [dreg:$0x1b];
	[sflag:s6] =	ssyncadd.s32 $0xFFFFCE00  }
0x1f9: {  	[tilespmem:s15], [sflag:$0x2] =	stream.indirect.gather [hbm4b:s4+s14], $0x80, s9, s14, $0xb8;
	[tilespmem:$0x1EC80] =	vst v63  }
0x1fa: {  	_ =	swait.ge [sflag:s20], $0x3200  }
0x1fb: {  	[sflag:s20] =	ssyncset.done $0x0  }
0x1fc: {  	s10 =	rddreg [dreg:$0x1c];
	[sflag:s20] =	ssyncadd.s32 $0xFFFFCE00  }
0x1fd: {  	[spmem:s2] =	stream.indirect.scatter.add.f32 [tilespmem:s16], [sflag:$0x6], $0x80, s10, s14, $0xb8;
	[tilespmem:$0x1EC80] =	vst v63  }
0x1fe: {  	_ =	swait.ge [sflag:s21], $0x3200  }
0x1ff: {  	[sflag:s21] =	ssyncset.done $0x0  }
0x200: {  	s9 =	rddreg [dreg:$0x1d];
	[sflag:s21] =	ssyncadd.s32 $0xFFFFCE00  }
0x201: {  	[tilespmem:s16], [sflag:$0x3] =	stream.indirect.gather [hbm4b:s4+s14], $0x80, s9, s14, $0xb8;
	[tilespmem:$0x1EC80] =	vst v63  }
0x202: {  	_ =	swait.ge [sflag:s17], $0x3200  }
0x203: {  	[sflag:s17] =	ssyncset.done $0x0  }
0x204: {  	s10 =	rddreg [dreg:$0x1e];
	[sflag:s17] =	ssyncadd.s32 $0xFFFFCE00  }
0x205: {  	[spmem:s2] =	stream.indirect.scatter.add.f32 [tilespmem:s11], [sflag:$0x4], $0x80, s10, s14, $0xb8;
	[tilespmem:$0x1EC80] =	vst v63  }
0x206: {  	_ =	swait.ge [sflag:s18], $0x3200  }
0x207: {  	[sflag:s18] =	ssyncset.done $0x0  }
0x208: {  	[sflag:s18] =	ssyncadd.s32 $0xFFFFCE00  }
0x209: {  	[tilespmem:s11], [sflag:$0x1] =	stream.indirect.gather [hbm4b:s4+s14], $0x80, s22, s14, $0xb8;
	[tilespmem:$0x1EC80] =	vst v63  }
0x20a: {  	_ =	swait.ge [sflag:s19], $0x3200  }
0x20b: {  	[sflag:s19] =	ssyncset.done $0x0  }
0x20c: {  	[sflag:s19] =	ssyncadd.s32 $0xFFFFCE00  }
0x20d: {  	[spmem:s2] =	stream.indirect.scatter.add.f32 [tilespmem:s15], [sflag:$0x5], $0x80, s23, s14, $0xb8;
	[tilespmem:$0x1EC80] =	vst v63  }
0x20e: {  	_ =	swait.ge [sflag:s6], $0x3200  }
0x20f: {  	[sflag:s6] =	ssyncset.done $0x0  }
0x210: {  	[sflag:s6] =	ssyncadd.s32 $0xFFFFCE00  }
0x211: {  	[tilespmem:s15], [sflag:$0x2] =	stream.indirect.gather [hbm4b:s4+s14], $0x80, s24, s14, $0xb8;
	[tilespmem:$0x1EC80] =	vst v63  }
0x212: {  	_ =	swait.ge [sflag:s20], $0x3200  }
0x213: {  	[sflag:s20] =	ssyncset.done $0x0  }
0x214: {  	[sflag:s20] =	ssyncadd.s32 $0xFFFFCE00  }
0x215: {  	[spmem:s2] =	stream.indirect.scatter.add.f32 [tilespmem:s16], [sflag:$0x6], $0x80, s25, s14, $0xb8;
	[tilespmem:$0x1EC80] =	vst v63  }
0x216: {  	_ =	swait.ge [sflag:s21], $0x3200  }
0x217: {  	[sflag:s21] =	ssyncset.done $0x0  }
0x218: {  	[sflag:s21] =	ssyncadd.s32 $0xFFFFCE00  }
0x219: {  	[tilespmem:s16], [sflag:$0x3] =	stream.indirect.gather [hbm4b:s4+s14], $0x80, s26, s14, $0xb8;
	[tilespmem:$0x1EC80] =	vst v63  }
0x21a: {  	_ =	swait.ge [sflag:s17], $0x3200  }
0x21b: {  	[sflag:s17] =	ssyncset.done $0x0  }
0x21c: {  	[sflag:s17] =	ssyncadd.s32 $0xFFFFCE00  }
0x21d: {  	[spmem:s2] =	stream.indirect.scatter.add.f32 [tilespmem:s11], [sflag:$0x4], $0x80, s28, s14, $0xb8;
	[tilespmem:$0x1EC80] =	vst v63  }
0x21e: {  	_ =	swait.ge [sflag:s18], $0x3200  }
0x21f: {  	[sflag:s18] =	ssyncset.done $0x0  }
0x220: {  	[sflag:s18] =	ssyncadd.s32 $0xFFFFCE00  }
0x221: {  	[tilespmem:s11], [sflag:$0x1] =	stream.indirect.gather [hbm4b:s4+s14], $0x80, s29, s14, $0xb8;
	[tilespmem:$0x1EC80] =	vst v63  }
0x222: {  	_ =	swait.ge [sflag:s19], $0x3200  }
0x223: {  	[sflag:s19] =	ssyncset.done $0x0  }
0x224: {  	[sflag:s19] =	ssyncadd.s32 $0xFFFFCE00  }
0x225: {  	[spmem:s2] =	stream.indirect.scatter.add.f32 [tilespmem:s15], [sflag:$0x5], $0x80, s30, s14, $0xb8;
	[tilespmem:$0x1EC80] =	vst v63  }
0x226: {  	_ =	swait.ge [sflag:s6], $0x3200  }
0x227: {  	[sflag:s6] =	ssyncset.done $0x0  }
0x228: {  	[sflag:s6] =	ssyncadd.s32 $0xFFFFCE00  }
0x229: {  	[tilespmem:s15], [sflag:$0x2] =	stream.indirect.gather [hbm4b:s4+s14], $0x80, s31, s14, $0xb8;
	[tilespmem:$0x1EC80] =	vst v63  }
0x22a: {  	_ =	swait.ge [sflag:s20], $0x3200  }
0x22b: {  	[sflag:s20] =	ssyncset.done $0x0  }
0x22c: {  	[sflag:s20] =	ssyncadd.s32 $0xFFFFCE00  }
0x22d: {  	[spmem:s2] =	stream.indirect.scatter.add.f32 [tilespmem:s16], [sflag:$0x6], $0x80, s1, s14, $0xb8;
	[tilespmem:$0x1EC80] =	vst v63  }
0x22e: {  	_ =	swait.ge [sflag:s21], $0x3200  }
0x22f: {  	[sflag:s21] =	ssyncset.done $0x0  }
0x230: {  	[sflag:s21] =	ssyncadd.s32 $0xFFFFCE00  }
0x231: {  	_ =	swait.ge [sflag:s17], $0x3200  }
0x232: {  	[sflag:s17] =	ssyncset.done $0x0  }
0x233: {  	[sflag:s17] =	ssyncadd.s32 $0xFFFFCE00  }
0x234: {  	[spmem:s2] =	stream.indirect.scatter.add.f32 [tilespmem:s11], [sflag:$0x4], $0x80, s0, s14, $0xb8;
	[tilespmem:$0x1EC80] =	vst v63  }
0x235: {  	_ =	swait.ge [sflag:s18], $0x3200  }
0x236: {  	[sflag:s18] =	ssyncset.done $0x0  }
0x237: {  	[sflag:s18] =	ssyncadd.s32 $0xFFFFCE00  }
0x238: {  	_ =	swait.ge [sflag:s19], $0x3200  }
0x239: {  	[sflag:s19] =	ssyncset.done $0x0  }
0x23a: {  	[sflag:s19] =	ssyncadd.s32 $0xFFFFCE00  }
0x23b: {  	[spmem:s2] =	stream.indirect.scatter.add.f32 [tilespmem:s15], [sflag:$0x5], $0x80, s8, s14, $0xb8;
	[tilespmem:$0x1EC80] =	vst v63  }
0x23c: {  	_ =	swait.ge [sflag:s6], $0x3200  }
0x23d: {  	[sflag:s6] =	ssyncset.done $0x0  }
0x23e: {  	[sflag:s6] =	ssyncadd.s32 $0xFFFFCE00  }
0x23f: {  	[bflag:$0x0] =	sbarrier.arrive $0xFFFF  }
0x240: {  	s22 =	sld [smem:$0x7FC]  }
0x241: {  	s23 =	sld [smem:$0x7FD]  }
0x242: {  	s9 =	stileid.u32  }
.Ltmp4:
0x243: {  	s7 =	sshll.u32 s9, $0x6;
	s10 =	sshrl.u32 s22, $0x3;
	(pc) =	sbr.rel @!p0 .LBB2_9-.Ltmp4, $4  }
0x244: {  	s7 =	sor.u32 $0x1C07, s7;
	s24 =	sshrl.u32 s23, $0x3;
	s9 =	sadd.s32 s5, s10  }
0x245: {  	[hbm:s9], [sflag:s7] =	dma.local [spmem:s24], $0x500  }
0x246: {  	s9 =	rddreg [dreg:$0x1f]  }
0x247: {  	s10 =	sadd.s32 $0x2800, s22;
	s22 =	smov.u32 s23;
	s9 =	sadd.s32 $0xFFFFFFFF, s9  }
.LBB2_8:
0x248: {  	_ =	swait.ge [sflag:s12], $0x500  }
0x249: {  	s22 =	sadd.s32 $0x2800, s22;
	s23 =	sshrl.u32 s10, $0x3;
	p0 =	sne.s32 s9, $0x1  }
.Ltmp5:
0x24a: {  	s24 =	sshrl.u32 s22, $0x3;
	[sflag:s12] =	ssyncset.done $0x0;
	(pc) =	sbr.rel @p0 .LBB2_8-.Ltmp5, $4  }
0x24b: {  	s23 =	sadd.s32 s5, s23;
	[sflag:s12] =	ssyncadd.s32 $0xFFFFFB00  }
0x24c: {  	[hbm:s23], [sflag:s7] =	dma.local [spmem:s24], $0x500  }
0x24d: {  	s9 =	sadd.s32 $0xFFFFFFFF, s9  }
0x24e: {  	s10 =	sadd.s32 $0x2800, s10  }
.LBB2_9:
0x24f: {  	_ =	swait.ge [sflag:s12], $0x500  }
0x250: {  	s9 =	sld [smem:$0x7FA]  }
0x251: {  	s7 =	sld [smem:$0x7FB];
	_ =	sdelay $0x1  }
0x252: {  	s9 =	sadd.s32 $0x1, s9  }
0x253: {  	p0 =	sne.s32 s9, s7  }
.Ltmp6:
0x254: {  	_ = 	snop;
	(pc) =	sbr.rel @p0 .LBB2_1-.Ltmp6, $3  }
0x255: {  	_ =	sdelay $0x1  }
0x256: {  	[sflag:s12] =	ssyncset.done $0x0;
	s23 =	rddreg [dreg:$0x1f]  }
0x257: {  	s24 =	sld [smem:$0x7FD];
	[sflag:s12] =	ssyncadd.s32 $0xFFFFFB00  }
0x258: {  	_ =	sfence.sel $0x180000  }
0x259: {  	[bflag:$0x0] =	sbarrier.arrive $0xFFFF  }
0x25a: {  	_ =	strace $0x9000004A  }
0x25b: {  	s0 =	stileid.u32;
	[bflag:$0x2] =	sbarrier.arrive $0xFFFF  }
0x25c: {  	p0 =	sne.s32 s0, $0x0;
	s0 =	rddreg [dreg:$0x2]  }
0x25d: {  	s0 =	sadd.s32 @!p0 $0x100000, s0  }
0x25e: {  	[sflag:s0] =	ssyncadd.tile.s32 @!p0 $0x1;
	_ =	shalt  }
.Lfunc_end2:
_tile_overlayer_lowered:
.L_overlay_start_2:
0x25f: {  	(tag) =	ssettag $0x2  }
0x260: {  	s0 =	rddreg [dreg:$0x0];
	s2 =	stileid.u32  }
0x261: {  	s1 =	rddreg [dreg:$0x1];
	p0 =	sne.s32 s2, $0x0  }
0x262: {  	s3 =	rddreg [dreg:$0x2];
	[bflag:$0x3] =	sbarrier.arrive $0xFFFF;
	s2 =	simm.s32 @!p0 $0x1C07  }
0x263: {  	[timem:s3], [sflag:s2] =	dma.local @!p0 [hbm:s0], s1  }
0x264: {  	s0 =	simm.s32 @!p0 $0x7  }
0x265: {  	_ =	swait.ge @!p0 [sflag:s0], s1  }
0x266: {  	s1 =	ssub.s32 @!p0 $0x0, s1;
	[sflag:s0] =	ssyncset.done @!p0 $0x0  }
0x267: {  	[sflag:s0] =	ssyncadd.s32 @!p0 s1  }
0x268: {  	[bflag:$0x3] =	sbarrier.arrive $0xFFFF  }
0x269: {  	_ =	shalt  }

// kernel: kernel.8.cloned.1.call-start
scs
__scs_entry_jumppad:
0x0: {  	(pc) =	sbr.rel $0x88, $3  }
0x1: {  	(tag) =	ssettag $0x0;
	lr =	simm.s32 $0x1  }
0x2: {  	[smem:$0x3F88] =	sst lr;
	_ =	strace $0xD0000000  }
0x3: {  	_ = 	snop  }
0x4: {  	_ = 	snop  }
0x5: {  	_ = 	snop  }
0x6: {  	_ = 	snop  }
0x7: {  	_ = 	snop  }
__scs_overlays_trampoline_lowered:
0x8: {  	[smem:$0x3F97] =	sst s0  }
0x9: {  	[smem:$0x3F98] =	sst s1  }
0xa: {  	[smem:$0x3F99] =	sst s2  }
0xb: {  	[smem:$0x3F9A] =	sst s3  }
0xc: {  	[smem:$0x3F9B] =	sst s4  }
0xd: {  	[smem:$0x3F9C] =	sst s5  }
0xe: {  	[smem:$0x3F9D] =	sst s6  }
0xf: {  	[smem:$0x3F9E] =	sst s7  }
0x10: {  	[smem:$0x3F9F] =	sst s8  }
0x11: {  	[smem:$0x3FA0] =	sst s9;
	s0 =	simm.s32 @!p0 $0x0  }
0x12: {  	s1 =	sld [smem:$0x3F86];
	s0 =	simm.s32 @p0 $0x1  }
0x13: {  	[smem:$0x3FA1] =	sst s0;
	s0 =	simm.s32 @!p1 $0x0  }
0x14: {  	s2 =	sld [smem:$0x3F85];
	s0 =	simm.s32 @p1 $0x1  }
0x15: {  	[smem:$0x3FA2] =	sst s0;
	s0 =	simm.s32 @!p2 $0x0  }
0x16: {  	s3 =	sld [smem:$0x3FDB];
	s0 =	simm.s32 @p2 $0x1  }
0x17: {  	s4 =	simm.s32 $0x1BF5;
	[smem:$0x3FA4] =	sst s0  }
0x18: {  	s0 =	sld [smem:$0x3F87];
	_ =	swait.ge [sflag:s4], $0x0  }
0x19: {  	s7 =	sld [smem:$0x3F88]  }
0x1a: {  	s8 =	sadd.s32 $0xFFFFE003, lr  }
0x1b: {  	s9 =	sadd.s32 $0xFFFFFEF7, lr;
	s5 =	simm.s32 $0xFFFFFFFF;
	p2 =	slt.u32 s8, $0xFFFFF086  }
0x1c: {  	p1 =	slt.u32 s9, $0xF7A;
	s5 =	simm.s32 @!p2 $0x0  }
0x1d: {  	s5 =	simm.s32 @p1 $0x1;
	p0 =	seq.s32 s7, s2  }
0x1e: {  	s7 =	smul.u32 @!p0 $0xF7A, s2;
	p2 =	seq.s32 @!p0 s5, $0x0  }
0x1f: {  	s9 =	smul.u32 $0xF7A, s1;
	s8 =	simm.s32 @!p0 $0x1BF5;
	p2 =	por !p2, p0  }
0x20: {  	[sflag:s8] =	ssyncset.s32 @!p0 $0xFFFFF086;
	s6 =	sadd.s32 @!p0 s3, s7;
	s7 =	simm.s32 @!p0 $0x108  }
0x21: {  	s3 =	sadd.s32 s3, s9;
	s6 =	sadd.s32 @!p0 $0x88, s6;
	s7 =	simm.s32 @p2 $0x1082  }
0x22: {  	[simem:s7], [sflag:s8] =	dma.local @!p0 [hbm:s6], $0xF7A  }
0x23: {  	s9 =	sor.u32 $0xD0000000, s2;
	s6 =	simm.s32 $0x108;
	_ =	swait.ge @!p0 [sflag:s8], $0x0  }
0x24: {  	s3 =	sadd.s32 $0x88, s3;
	s6 =	simm.s32 @!p1 $0x1082;
	[sflag:s4] =	ssyncset.s32 $0xFFFFF086  }
0x25: {  	[simem:s6], [sflag:s4] =	dma.local [hbm:s3], $0xF7A  }
0x26: {  	[smem:$0x3F88] =	sst s1;
	(tag) =	ssettag s2;
	_ =	strace s9  }
0x27: {  	s1 =	sld [smem:$0x3F98]  }
0x28: {  	s2 =	sld [smem:$0x3F99]  }
0x29: {  	s4 =	sld [smem:$0x3F9B]  }
0x2a: {  	p0 =	seq.s32 s5, $0x0;
	s5 =	sld [smem:$0x3F9C]  }
0x2b: {  	s6 =	sld [smem:$0x3F9D]  }
0x2c: {  	s7 =	sld [smem:$0x3F9E]  }
0x2d: {  	s3 =	simm.s32 $0x108;
	s8 =	sld [smem:$0x3F9F]  }
0x2e: {  	s3 =	simm.s32 @!p0 $0x1082;
	s9 =	sld [smem:$0x3FA0]  }
0x2f: {  	lr =	sadd.s32 s0, s3;
	s0 =	sld [smem:$0x3F97]  }
0x30: {  	s3 =	sld [smem:$0x3F9A]  }
0x31: {  	[smem:$0x3FA3] =	sst s10  }
0x32: {  	s10 =	sld [smem:$0x3FA1];
	_ =	sdelay $0x3  }
0x33: {  	p0 =	seq.s32 s10, $0x1;
	s10 =	sld [smem:$0x3FA3];
	_ =	sdelay $0x3  }
0x34: {  	[smem:$0x3FA3] =	sst s10  }
0x35: {  	s10 =	sld [smem:$0x3FA2];
	_ =	sdelay $0x3  }
0x36: {  	p1 =	seq.s32 s10, $0x1;
	s10 =	sld [smem:$0x3FA3];
	_ =	sdelay $0x3  }
0x37: {  	[smem:$0x3FA3] =	sst s10  }
0x38: {  	s10 =	sld [smem:$0x3FA4]  }
0x39: {  	_ = 	snop;
	(pc) =	sbr.ind lr, $3  }
0x3a: {  	_ = 	snop  }
0x3b: {  	_ = 	snop  }
0x3c: {  	p2 =	seq.s32 s10, $0x1;
	s10 =	sld [smem:$0x3FA3]  }
0x3d: {  	_ =	shalt  }
0x3e: {  	_ =	shalt  }
0x3f: {  	_ =	shalt  }
0x40: {  	_ =	shalt  }
0x41: {  	_ =	shalt  }
0x42: {  	_ =	shalt  }
0x43: {  	_ =	shalt  }
0x44: {  	_ =	shalt  }
0x45: {  	_ =	shalt  }
0x46: {  	_ =	shalt  }
0x47: {  	_ =	shalt  }
0x48: {  	_ =	shalt  }
0x49: {  	_ =	shalt  }
0x4a: {  	_ =	shalt  }
0x4b: {  	_ =	shalt  }
0x4c: {  	_ =	shalt  }
0x4d: {  	_ =	shalt  }
0x4e: {  	_ =	shalt  }
0x4f: {  	_ =	shalt  }
0x50: {  	_ =	shalt  }
0x51: {  	_ =	shalt  }
0x52: {  	_ =	shalt  }
0x53: {  	_ =	shalt  }
0x54: {  	_ =	shalt  }
0x55: {  	_ =	shalt  }
0x56: {  	_ =	shalt  }
0x57: {  	_ =	shalt  }
0x58: {  	_ =	shalt  }
0x59: {  	_ =	shalt  }
0x5a: {  	_ =	shalt  }
0x5b: {  	_ =	shalt  }
0x5c: {  	_ =	shalt  }
0x5d: {  	_ =	shalt  }
0x5e: {  	_ =	shalt  }
0x5f: {  	_ =	shalt  }
0x60: {  	_ =	shalt  }
0x61: {  	_ =	shalt  }
0x62: {  	_ =	shalt  }
0x63: {  	_ =	shalt  }
0x64: {  	_ =	shalt  }
0x65: {  	_ =	shalt  }
0x66: {  	_ =	shalt  }
0x67: {  	_ =	shalt  }
0x68: {  	_ =	shalt  }
0x69: {  	_ =	shalt  }
0x6a: {  	_ =	shalt  }
0x6b: {  	_ =	shalt  }
0x6c: {  	_ =	shalt  }
0x6d: {  	_ =	shalt  }
0x6e: {  	_ =	shalt  }
0x6f: {  	_ =	shalt  }
0x70: {  	_ =	shalt  }
0x71: {  	_ =	shalt  }
0x72: {  	_ =	shalt  }
0x73: {  	_ =	shalt  }
0x74: {  	_ =	shalt  }
0x75: {  	_ =	shalt  }
0x76: {  	_ =	shalt  }
0x77: {  	_ =	shalt  }
0x78: {  	_ =	shalt  }
0x79: {  	_ =	shalt  }
0x7a: {  	_ =	shalt  }
0x7b: {  	_ =	shalt  }
0x7c: {  	_ =	shalt  }
0x7d: {  	_ =	shalt  }
0x7e: {  	_ =	shalt  }
0x7f: {  	_ =	shalt  }
0x80: {  	_ =	shalt  }
0x81: {  	_ =	shalt  }
0x82: {  	_ =	shalt  }
0x83: {  	_ =	shalt  }
0x84: {  	_ =	shalt  }
0x85: {  	_ =	shalt  }
0x86: {  	_ =	shalt  }
0x87: {  	_ =	shalt  }
.Lfunc_end0:
.L_simem_size_0:
called_computation_lowered:
.L_overlay_start_0:
0x88: {  	s2 =	sld [smem:$0x3FD9]  }
0x89: {  	s3 =	sld [smem:$0x3FFE];
	_ =	sdelay $0x1  }
0x8a: {  	s1 =	srdreg.scid  }
0x8b: {  	s0 =	sand.u32 $0x1, s1  }
0x8c: {  	s17 =	sshll.u32 s0, $0xA;
	s2 =	sadd.s32 s3, s2  }
0x8d: {  	s2 =	sadd.s32 s2, s17  }
0x8e: {  	[smem:$0x3FAF] =	sst s2  }
0x8f: {  	_ = 	snop  }
0x90: {  	s2 =	sld [smem:$0x3FC9];
	(tm) =	ssettm $0x1  }
0x91: {  	s18 =	sld [smem:$0x3FFB];
	_ =	sdelay $0x3  }
0x92: {  	_ =	strace s18  }
0x93: {  	s3 =	sld [smem:$0x3FFC];
	_ =	sdelay $0x3  }
0x94: {  	_ =	strace s3  }
0x95: {  	s3 =	sld [smem:$0x3FFD];
	_ =	sdelay $0x3  }
0x96: {  	_ =	strace s3  }
0x97: {  	_ =	strace $0x8FFFFFFF  }
0x98: {  	s19 =	sld [smem:$0x3FDB];
	_ =	sdelay $0x1  }
0x99: {  	s4 =	simm.s32 $_scs_section_size  }
0x9a: {  	s5 =	simm.s32 $_size__tile_overlayer_lowered;
	s6 =	simm.s32 $_tile_overlayer_lowered  }
0x9b: {  	s22 =	simm.s32 $0x1BFF;
	s21 =	sshll.u32 s6, $0x1;
	s3 =	sadd.s32 s4, s19  }
0x9c: {  	s7 =	simm.s32 $0x0;
	s20 =	sshll.u32 s5, $0x1;
	s5 =	sadd.s32 s21, s3  }
0x9d: {  	[timem:s7], [sflag:s22] =	dma.local [hbm:s5], s20  }
0x9e: {  	_ =	swait.ge [sflag:s22], s20  }
0x9f: {  	s4 =	ssub.s32 $0x0, s20;
	[sflag:s22] =	ssyncset.done $0x0  }
0xa0: {  	[sflag:s22] =	ssyncadd.s32 s4;
	_ =	sdelay $0x1  }
0xa1: {  	s23 =	simm.s32 $0x1B8B  }
0xa2: {  	_ =	swait.ge [sflag:s23], $0x1  }
0xa3: {  	[sflag:s23] =	ssyncset.done $0x0  }
0xa4: {  	s25 =	simm.s32 $0x1B8E;
	s24 =	sld [smem:$0x3FFE];
	[sflag:s23] =	ssyncadd.s32 $0xFFFFFFFF  }
0xa5: {  	s26 =	simm.s32 $execute0_lowered;
	[smem:$0x3FD2] =	sst s25  }
0xa6: {  	s5 =	sshll.u32 s26, $0x1;
	_ =	strace $0x80000046;
	[dreg:$0x1] =	wrdreg $0xFFFFFFFF  }
0xa7: {  	s28 =	simm.s32 $_size_execute0_lowered;
	s3 =	sadd.s32 s3, s5;
	[dreg:$0x0] =	wrdreg $0x0  }
0xa8: {  	s5 =	sshll.u32 s28, $0x1;
	[dreg:$0x2] =	wrdreg s3  }
0xa9: {  	[dreg:$0x3] =	wrdreg s5  }
0xaa: {  	[dreg:$0x4] =	wrdreg $0xC0  }
0xab: {  	_ =	task [dreg:s7], $0x5FFFF  }
0xac: {  	[dreg:$0x1] =	wrdreg $0xFFFFFFFF  }
0xad: {  	[dreg:$0x0] =	wrdreg $0x60  }
0xae: {  	[dreg:$0x2] =	wrdreg s2  }
0xaf: {  	[dreg:$0x3] =	wrdreg s24  }
0xb0: {  	[dreg:$0x4] =	wrdreg $0xB4000  }
0xb1: {  	[dreg:$0x5] =	wrdreg $0x9  }
0xb2: {  	_ =	task.clear_ibuf [dreg:s7], $0x6FFFF;
	_ =	strace $0x90000046  }
0xb3: {  	s29 =	simm.s32 $0x9;
	_ =	strace $0x80000048  }
0xb4: {  	_ =	swait.ge [sflag:s29], $0x1  }
0xb5: {  	[sflag:s29] =	ssyncadd.s32 $0xFFFFFFFF  }
0xb6: {  	_ =	strace $0x90000048  }
0xb7: {  	_ =	sfence  }
0xb8: {  	s30 =	sld [smem:$0x0];
	_ =	sdelay $0x2  }
0xb9: {  	s31 =	sshll.u32 s1, $0xD;
	s1 =	sshrl.u32 s1, $0x2  }
0xba: {  	s3 =	sand.u32 $0x4000, s31;
	s1 =	sadd.s32 s1, s30  }
0xbb: {  	s0 =	sor.u32 s3, s0;
	s1 =	sshll.u32 s1, $0x11  }
0xbc: {  	s0 =	sor.u32 s1, s0  }
0xbd: {  	s0 =	sadd.s32 $0x8F2B, s0  }
0xbe: {  	[sflag:s0] =	ssyncadd.remote.s32 $0x1  }
0xbf: {  	_ =	sfence.sel $0xFFFF  }
0xc0: {  	[dreg:$0x0] =	wrdreg $0xFFFFFFFF;
	(pc) =	sbr.abs _section_cstart, $3  }
0xc1: {  	[dreg:$0x1] =	wrdreg $0xFFFFFFFF  }
0xc2: {  	_ =	task.clear_ibuf [dreg:s7], $0x2FFFF;
	_ =	strace $0x9FFFFFFF  }
0xc3: {  	(tm) =	ssettm $0x7FFFFFFF  }
tec
execute0_lowered:
.L_overlay_start_1:
0x0: {  	(tag) =	ssettag $0x1  }
0x1: {  	s0 =	srdreg.scid;
	s9 =	stileid.u32  }
0x2: {  	s2 =	rddreg [dreg:$0x0];
	s0 =	sand.u32 $0x1, s0;
	s4 =	smul.u32 $0x3C00, s9  }
0x3: {  	s5 =	rddreg [dreg:$0x1];
	s1 =	smul.u32 $0x3C000, s0  }
0x4: {  	s3 =	rddreg [dreg:$0x2]  }
0x5: {  	s14 =	simm.s32 $0x80;
	s1 =	sadd.s32 s4, s1;
	s4 =	simm.s32 $0x0  }
0x6: {  	s15 =	simm.s32 $0x100;
	s17 =	simm.s32 $0x180;
	[smem:$0x7FF] =	sst s4  }
0x7: {  	s18 =	simm.s32 $0xC80;
	_ =	strace $0x80000047;
	[dreg:$0x6] =	wrdreg s14  }
0x8: {  	s19 =	simm.s32 $0x200;
	s20 =	simm.s32 $0xD00;
	[dreg:$0x7] =	wrdreg s15  }
0x9: {  	s21 =	simm.s32 $0x280;
	s23 =	simm.s32 $0x5;
	[dreg:$0x8] =	wrdreg s17  }
0xa: {  	s22 =	simm.s32 $0xD80;
	s24 =	simm.s32 $0x300;
	[dreg:$0x9] =	wrdreg s18  }
0xb: {  	s25 =	simm.s32 $0xE00;
	s26 =	simm.s32 $0x380;
	[dreg:$0xa] =	wrdreg s19  }
0xc: {  	s10 =	simm.s32 $0x400;
	s12 =	simm.s32 $0xF00;
	[dreg:$0xb] =	wrdreg s20  }
0xd: {  	s13 =	simm.s32 $0x480;
	s16 =	ssub.s32 $0x2, s0;
	[dreg:$0xc] =	wrdreg s21  }
0xe: {  	s28 =	simm.s32 $0x1380;
	s7 =	sshrl.u32 s16, $0x1;
	[dreg:$0xd] =	wrdreg s22  }
0xf: {  	s29 =	simm.s32 $0x900;
	s7 =	ssub.s32 s16, s7;
	[dreg:$0xe] =	wrdreg s24  }
0x10: {  	s30 =	simm.s32 $0x1400;
	s7 =	smax.u32 s7, $0x1;
	[dreg:$0xf] =	wrdreg s25  }
0x11: {  	s31 =	simm.s32 $0x980;
	s11 =	smul.u32 $0x14000, s9;
	[smem:$0x7FA] =	sst s7  }
0x12: {  	p0 =	seq.s32 s9, $0xF;
	s0 =	smul.u32 $0x138800, s0;
	[dreg:$0x10] =	wrdreg s26  }
0x13: {  	s8 =	smul.u32 $0x50000, s9;
	s9 =	simm.s32 $0x0;
	[dreg:$0x12] =	wrdreg s10  }
0x14: {  	s23 =	simm.s32 @!p0 $0x8;
	s0 =	sadd.s32 s11, s0;
	[dreg:$0x13] =	wrdreg s12  }
0x15: {  	s8 =	sshrl.u32 s8, $0x2;
	s11 =	simm.s32 $0x1800;
	[smem:$0x7FB] =	sst s0  }
0x16: {  	s16 =	simm.s32 $0x1000;
	s1 =	sshrl.u32 s1, $0x3;
	[dreg:$0x14] =	wrdreg s13  }
0x17: {  	s1 =	sadd.s32 s1, s5;
	s5 =	sadd.s32 $0x1E600, s5;
	[dreg:$0x17] =	wrdreg s16  }
0x18: {  	s7 =	simm.s32 $0xE80;
	s24 =	sadd.s32 s8, s3;
	[smem:$0x7FC] =	sst s23  }
0x19: {  	s14 =	simm.s32 $0xF80;
	s15 =	simm.s32 $0x500;
	[dreg:$0x11] =	wrdreg s7  }
0x1a: {  	s12 =	simm.s32 $0x7;
	s13 =	simm.s32 $0xC00;
	[dreg:$0x15] =	wrdreg s14  }
0x1b: {  	s17 =	simm.s32 $0x580;
	s18 =	simm.s32 $0x1080;
	[dreg:$0x16] =	wrdreg s15  }
0x1c: {  	s19 =	simm.s32 $0x600;
	s16 =	simm.s32 $0x8000;
	[dreg:$0x18] =	wrdreg s17  }
0x1d: {  	s20 =	simm.s32 $0x1100;
	s21 =	simm.s32 $0x680;
	[dreg:$0x19] =	wrdreg s18  }
0x1e: {  	s22 =	simm.s32 $0x1180;
	s25 =	simm.s32 $0x700;
	[dreg:$0x1a] =	wrdreg s19  }
0x1f: {  	s26 =	simm.s32 $0x1200;
	s0 =	simm.s32 $0x1500;
	[dreg:$0x1b] =	wrdreg s20  }
0x20: {  	s8 =	simm.s32 $0x1580;
	s6 =	sadd.s32 $0x600, s1;
	[dreg:$0x1c] =	wrdreg s21  }
0x21: {  	s1 =	sadd.s32 $0xF600, s1;
	s14 =	simm.s32 $0x64;
	[dreg:$0x1d] =	wrdreg s22  }
0x22: {  	s15 =	simm.s32 $0x4C00;
	s17 =	simm.s32 $0x1;
	[dreg:$0x1e] =	wrdreg s25  }
0x23: {  	s18 =	simm.s32 $0x4;
	s19 =	simm.s32 $0x2;
	[dreg:$0x1f] =	wrdreg s26  }
0x24: {  	s20 =	simm.s32 $0x3;
	s21 =	simm.s32 $0x6;
	[smem:$0x7FD] =	sst s24  }
0x25: {  	s25 =	simm.s32 $0x1300;
	s26 =	simm.s32 $0x880;
	[dreg:$0x4] =	wrdreg s6  }
0x26: {  	v0 =	vimm.f32 $0.0e+00;
	[dreg:$0x5] =	wrdreg s1;
	s6 =	simm.s32 $0x5;
	s1 =	simm.s32 $0x1480  }
.LBB2_1:
0x27: {  	s7 =	sand.u32 $0xFE00, s4  }
0x28: {  	[smem:$0x7F9] =	sst s9;
	s22 =	sand.u32 $0x70, s4;
	s10 =	sshrl.u32 s7, $0x2  }
0x29: {  	s9 =	simm.s32 $0x0;
	s7 =	simm.s32 $0x40;
	s10 =	sor.u32 s22, s10  }
.LBB2_2:
0x2a: {  	p0 =	sne.s32 s7, $0x9FC0  }
0x2b: {  	[tilespmem:s10+$0x1800] =	vst v0;
	s9 =	sadd.s32 $0x10, s9;
	s10 =	smov.u32 s7;
	s7 =	sadd.s32 $0x40, s7  }
.Ltmp0:
0x2c: {  	(pc) =	sbr.rel @p0 .LBB2_2-.Ltmp0, $4  }
0x2d: {  	_ = 	snop  }
0x2e: {  	s10 =	sand.u32 $0xFE00, s10  }
0x2f: {  	s22 =	sand.u32 $0x70, s9;
	s10 =	sshrl.u32 s10, $0x2  }
0x30: {  	s10 =	sor.u32 s22, s10  }
0x31: {  	p0 =	sne.s32 s23, $0x1  }
.Ltmp1:
0x32: {  	_ = 	snop;
	(pc) =	sbr.rel @!p0 .LBB2_5-.Ltmp1, $4  }
0x33: {  	[tilespmem:s10+$0x1800] =	vst v0  }
0x34: {  	[spmem:s24] =	stream.linear.scatter [tilespmem:s11], [sflag:$0x7], $0x2800, $0x38;
	[tilespmem:$0x1EC80] =	vst v63  }
0x35: {  	_ =	swait.ge [sflag:s12], $0x2800  }
0x36: {  	s7 =	sadd.s32 $0xFFFFFFFF, s23;
	s9 =	smov.u32 s24;
	[sflag:s12] =	ssyncset.done $0x0  }
.LBB2_4:
0x37: {  	p1 =	sne.s32 s7, $0x1;
	[sflag:s12] =	ssyncadd.s32 $0xFFFFD800;
	s9 =	sadd.s32 $0x2800, s9  }
.Ltmp2:
0x38: {  	s7 =	sadd.s32 $0xFFFFFFFF, s7;
	(pc) =	sbr.rel @p1 .LBB2_4-.Ltmp2, $4  }
0x39: {  	_ = 	snop  }
0x3a: {  	[spmem:s9] =	stream.linear.scatter [tilespmem:s11], [sflag:$0x7], $0x2800, $0x38;
	[tilespmem:$0x1EC80] =	vst v63  }
0x3b: {  	_ =	swait.ge [sflag:s12], $0x2800  }
0x3c: {  	[sflag:s12] =	ssyncset.done $0x0  }
.LBB2_5:
0x3d: {  	[sflag:s12] =	ssyncadd.s32 $0xFFFFD800  }
0x3e: {  	[bflag:$0x0] =	sbarrier.arrive $0xFFFF  }
0x3f: {  	s7 =	rddreg [dreg:$0x5]  }
0x40: {  	s7 =	sadd.s32 $0x0, s7  }
0x41: {  	[tilespmem:s4], [sflag:$0x7] =	stream.linear.gather [hbm4b:s7+s4], $0xA00, $0x38;
	[tilespmem:$0x1EC80] =	vst v63  }
0x42: {  	_ =	swait.ge [sflag:s12], $0xA00  }
0x43: {  	s23 =	rddreg [dreg:$0x4];
	[sflag:s12] =	ssyncset.done $0x0  }
0x44: {  	[sflag:s12] =	ssyncadd.s32 $0xFFFFF600;
	s7 =	sadd.s32 $0x0, s23  }
0x45: {  	[tilespmem:s13], [sflag:$0x7] =	stream.linear.gather [hbm4b:s7+s4], $0xA00, $0x38;
	[tilespmem:$0x1EC80] =	vst v63  }
0x46: {  	_ =	swait.ge [sflag:s12], $0xA00  }
0x47: {  	[sflag:s12] =	ssyncset.done $0x0  }
0x48: {  	[sflag:s12] =	ssyncadd.s32 $0xFFFFF600  }
0x49: {  	[tilespmem:s11], [sflag:$0x1] =	stream.indirect.gather [hbm4b:s2+s14], $0x80, s4, s14, $0xb8;
	[tilespmem:$0x1EC80] =	vst v63  }
0x4a: {  	s24 =	rddreg [dreg:$0x6]  }
0x4b: {  	[tilespmem:s15], [sflag:$0x2] =	stream.indirect.gather [hbm4b:s2+s14], $0x80, s24, s14, $0xb8;
	[tilespmem:$0x1EC80] =	vst v63  }
0x4c: {  	s9 =	rddreg [dreg:$0x7]  }
0x4d: {  	[tilespmem:s16], [sflag:$0x3] =	stream.indirect.gather [hbm4b:s2+s14], $0x80, s9, s14, $0xb8;
	[tilespmem:$0x1EC80] =	vst v63  }
0x4e: {  	_ =	swait.ge [sflag:s17], $0x3200  }
0x4f: {  	[sflag:s17] =	ssyncset.done $0x0  }
0x50: {  	[sflag:s17] =	ssyncadd.s32 $0xFFFFCE00  }
0x51: {  	[spmem:s3] =	stream.indirect.scatter.add.f32 [tilespmem:s11], [sflag:$0x4], $0x80, s13, s14, $0xb8;
	[tilespmem:$0x1EC80] =	vst v63  }
0x52: {  	_ =	swait.ge [sflag:s18], $0x3200  }
0x53: {  	[sflag:s18] =	ssyncset.done $0x0  }
0x54: {  	s9 =	rddreg [dreg:$0x8];
	[sflag:s18] =	ssyncadd.s32 $0xFFFFCE00  }
0x55: {  	[tilespmem:s11], [sflag:$0x1] =	stream.indirect.gather [hbm4b:s2+s14], $0x80, s9, s14, $0xb8;
	[tilespmem:$0x1EC80] =	vst v63  }
0x56: {  	_ =	swait.ge [sflag:s19], $0x3200  }
0x57: {  	[sflag:s19] =	ssyncset.done $0x0  }
0x58: {  	s10 =	rddreg [dreg:$0x9];
	[sflag:s19] =	ssyncadd.s32 $0xFFFFCE00  }
0x59: {  	[spmem:s3] =	stream.indirect.scatter.add.f32 [tilespmem:s15], [sflag:$0x5], $0x80, s10, s14, $0xb8;
	[tilespmem:$0x1EC80] =	vst v63  }
0x5a: {  	_ =	swait.ge [sflag:s6], $0x3200  }
0x5b: {  	[sflag:s6] =	ssyncset.done $0x0  }
0x5c: {  	s22 =	rddreg [dreg:$0xa];
	[sflag:s6] =	ssyncadd.s32 $0xFFFFCE00  }
0x5d: {  	[tilespmem:s15], [sflag:$0x2] =	stream.indirect.gather [hbm4b:s2+s14], $0x80, s22, s14, $0xb8;
	[tilespmem:$0x1EC80] =	vst v63  }
0x5e: {  	_ =	swait.ge [sflag:s20], $0x3200  }
0x5f: {  	[sflag:s20] =	ssyncset.done $0x0  }
0x60: {  	s23 =	rddreg [dreg:$0xb];
	[sflag:s20] =	ssyncadd.s32 $0xFFFFCE00  }
0x61: {  	[spmem:s3] =	stream.indirect.scatter.add.f32 [tilespmem:s16], [sflag:$0x6], $0x80, s23, s14, $0xb8;
	[tilespmem:$0x1EC80] =	vst v63  }
0x62: {  	_ =	swait.ge [sflag:s21], $0x3200  }
0x63: {  	[sflag:s21] =	ssyncset.done $0x0  }
0x64: {  	s24 =	rddreg [dreg:$0xc];
	[sflag:s21] =	ssyncadd.s32 $0xFFFFCE00  }
0x65: {  	[tilespmem:s16], [sflag:$0x3] =	stream.indirect.gather [hbm4b:s2+s14], $0x80, s24, s14, $0xb8;
	[tilespmem:$0x1EC80] =	vst v63  }
0x66: {  	_ =	swait.ge [sflag:s17], $0x3200  }
0x67: {  	[sflag:s17] =	ssyncset.done $0x0  }
0x68: {  	s9 =	rddreg [dreg:$0xd];
	[sflag:s17] =	ssyncadd.s32 $0xFFFFCE00  }
0x69: {  	[spmem:s3] =	stream.indirect.scatter.add.f32 [tilespmem:s11], [sflag:$0x4], $0x80, s9, s14, $0xb8;
	[tilespmem:$0x1EC80] =	vst v63  }
0x6a: {  	_ =	swait.ge [sflag:s18], $0x3200  }
0x6b: {  	[sflag:s18] =	ssyncset.done $0x0  }
0x6c: {  	s10 =	rddreg [dreg:$0xe];
	[sflag:s18] =	ssyncadd.s32 $0xFFFFCE00  }
0x6d: {  	[tilespmem:s11], [sflag:$0x1] =	stream.indirect.gather [hbm4b:s2+s14], $0x80, s10, s14, $0xb8;
	[tilespmem:$0x1EC80] =	vst v63  }
0x6e: {  	_ =	swait.ge [sflag:s19], $0x3200  }
0x6f: {  	[sflag:s19] =	ssyncset.done $0x0  }
0x70: {  	s22 =	rddreg [dreg:$0xf];
	[sflag:s19] =	ssyncadd.s32 $0xFFFFCE00  }
0x71: {  	[spmem:s3] =	stream.indirect.scatter.add.f32 [tilespmem:s15], [sflag:$0x5], $0x80, s22, s14, $0xb8;
	[tilespmem:$0x1EC80] =	vst v63  }
0x72: {  	_ =	swait.ge [sflag:s6], $0x3200  }
0x73: {  	[sflag:s6] =	ssyncset.done $0x0  }
0x74: {  	s23 =	rddreg [dreg:$0x10];
	[sflag:s6] =	ssyncadd.s32 $0xFFFFCE00  }
0x75: {  	[tilespmem:s15], [sflag:$0x2] =	stream.indirect.gather [hbm4b:s2+s14], $0x80, s23, s14, $0xb8;
	[tilespmem:$0x1EC80] =	vst v63  }
0x76: {  	_ =	swait.ge [sflag:s20], $0x3200  }
0x77: {  	[sflag:s20] =	ssyncset.done $0x0  }
0x78: {  	s24 =	rddreg [dreg:$0x11];
	[sflag:s20] =	ssyncadd.s32 $0xFFFFCE00  }
0x79: {  	[spmem:s3] =	stream.indirect.scatter.add.f32 [tilespmem:s16], [sflag:$0x6], $0x80, s24, s14, $0xb8;
	[tilespmem:$0x1EC80] =	vst v63  }
0x7a: {  	_ =	swait.ge [sflag:s21], $0x3200  }
0x7b: {  	[sflag:s21] =	ssyncset.done $0x0  }
0x7c: {  	s9 =	rddreg [dreg:$0x12];
	[sflag:s21] =	ssyncadd.s32 $0xFFFFCE00  }
0x7d: {  	[tilespmem:s16], [sflag:$0x3] =	stream.indirect.gather [hbm4b:s2+s14], $0x80, s9, s14, $0xb8;
	[tilespmem:$0x1EC80] =	vst v63  }
0x7e: {  	_ =	swait.ge [sflag:s17], $0x3200  }
0x7f: {  	[sflag:s17] =	ssyncset.done $0x0  }
0x80: {  	s10 =	rddreg [dreg:$0x13];
	[sflag:s17] =	ssyncadd.s32 $0xFFFFCE00  }
0x81: {  	[spmem:s3] =	stream.indirect.scatter.add.f32 [tilespmem:s11], [sflag:$0x4], $0x80, s10, s14, $0xb8;
	[tilespmem:$0x1EC80] =	vst v63  }
0x82: {  	_ =	swait.ge [sflag:s18], $0x3200  }
0x83: {  	[sflag:s18] =	ssyncset.done $0x0  }
0x84: {  	s22 =	rddreg [dreg:$0x14];
	[sflag:s18] =	ssyncadd.s32 $0xFFFFCE00  }
0x85: {  	[tilespmem:s11], [sflag:$0x1] =	stream.indirect.gather [hbm4b:s2+s14], $0x80, s22, s14, $0xb8;
	[tilespmem:$0x1EC80] =	vst v63  }
0x86: {  	_ =	swait.ge [sflag:s19], $0x3200  }
0x87: {  	[sflag:s19] =	ssyncset.done $0x0  }
0x88: {  	s23 =	rddreg [dreg:$0x15];
	[sflag:s19] =	ssyncadd.s32 $0xFFFFCE00  }
0x89: {  	[spmem:s3] =	stream.indirect.scatter.add.f32 [tilespmem:s15], [sflag:$0x5], $0x80, s23, s14, $0xb8;
	[tilespmem:$0x1EC80] =	vst v63  }
0x8a: {  	_ =	swait.ge [sflag:s6], $0x3200  }
0x8b: {  	[sflag:s6] =	ssyncset.done $0x0  }
0x8c: {  	s24 =	rddreg [dreg:$0x16];
	[sflag:s6] =	ssyncadd.s32 $0xFFFFCE00  }
0x8d: {  	[tilespmem:s15], [sflag:$0x2] =	stream.indirect.gather [hbm4b:s2+s14], $0x80, s24, s14, $0xb8;
	[tilespmem:$0x1EC80] =	vst v63  }
0x8e: {  	_ =	swait.ge [sflag:s20], $0x3200  }
0x8f: {  	[sflag:s20] =	ssyncset.done $0x0  }
0x90: {  	s9 =	rddreg [dreg:$0x17];
	[sflag:s20] =	ssyncadd.s32 $0xFFFFCE00  }
0x91: {  	[spmem:s3] =	stream.indirect.scatter.add.f32 [tilespmem:s16], [sflag:$0x6], $0x80, s9, s14, $0xb8;
	[tilespmem:$0x1EC80] =	vst v63  }
0x92: {  	_ =	swait.ge [sflag:s21], $0x3200  }
0x93: {  	[sflag:s21] =	ssyncset.done $0x0  }
0x94: {  	s10 =	rddreg [dreg:$0x18];
	[sflag:s21] =	ssyncadd.s32 $0xFFFFCE00  }
0x95: {  	[tilespmem:s16], [sflag:$0x3] =	stream.indirect.gather [hbm4b:s2+s14], $0x80, s10, s14, $0xb8;
	[tilespmem:$0x1EC80] =	vst v63  }
0x96: {  	_ =	swait.ge [sflag:s17], $0x3200  }
0x97: {  	[sflag:s17] =	ssyncset.done $0x0  }
0x98: {  	s22 =	rddreg [dreg:$0x19];
	[sflag:s17] =	ssyncadd.s32 $0xFFFFCE00  }
0x99: {  	[spmem:s3] =	stream.indirect.scatter.add.f32 [tilespmem:s11], [sflag:$0x4], $0x80, s22, s14, $0xb8;
	[tilespmem:$0x1EC80] =	vst v63  }
0x9a: {  	_ =	swait.ge [sflag:s18], $0x3200  }
0x9b: {  	[sflag:s18] =	ssyncset.done $0x0  }
0x9c: {  	s23 =	rddreg [dreg:$0x1a];
	[sflag:s18] =	ssyncadd.s32 $0xFFFFCE00  }
0x9d: {  	[tilespmem:s11], [sflag:$0x1] =	stream.indirect.gather [hbm4b:s2+s14], $0x80, s23, s14, $0xb8;
	[tilespmem:$0x1EC80] =	vst v63  }
0x9e: {  	_ =	swait.ge [sflag:s19], $0x3200  }
0x9f: {  	[sflag:s19] =	ssyncset.done $0x0  }
0xa0: {  	s24 =	rddreg [dreg:$0x1b];
	[sflag:s19] =	ssyncadd.s32 $0xFFFFCE00  }
0xa1: {  	[spmem:s3] =	stream.indirect.scatter.add.f32 [tilespmem:s15], [sflag:$0x5], $0x80, s24, s14, $0xb8;
	[tilespmem:$0x1EC80] =	vst v63  }
0xa2: {  	_ =	swait.ge [sflag:s6], $0x3200  }
0xa3: {  	[sflag:s6] =	ssyncset.done $0x0  }
0xa4: {  	s9 =	rddreg [dreg:$0x1c];
	[sflag:s6] =	ssyncadd.s32 $0xFFFFCE00  }
0xa5: {  	[tilespmem:s15], [sflag:$0x2] =	stream.indirect.gather [hbm4b:s2+s14], $0x80, s9, s14, $0xb8;
	[tilespmem:$0x1EC80] =	vst v63  }
0xa6: {  	_ =	swait.ge [sflag:s20], $0x3200  }
0xa7: {  	[sflag:s20] =	ssyncset.done $0x0  }
0xa8: {  	s10 =	rddreg [dreg:$0x1d];
	[sflag:s20] =	ssyncadd.s32 $0xFFFFCE00  }
0xa9: {  	[spmem:s3] =	stream.indirect.scatter.add.f32 [tilespmem:s16], [sflag:$0x6], $0x80, s10, s14, $0xb8;
	[tilespmem:$0x1EC80] =	vst v63  }
0xaa: {  	_ =	swait.ge [sflag:s21], $0x3200  }
0xab: {  	[sflag:s21] =	ssyncset.done $0x0  }
0xac: {  	s22 =	rddreg [dreg:$0x1e];
	[sflag:s21] =	ssyncadd.s32 $0xFFFFCE00  }
0xad: {  	[tilespmem:s16], [sflag:$0x3] =	stream.indirect.gather [hbm4b:s2+s14], $0x80, s22, s14, $0xb8;
	[tilespmem:$0x1EC80] =	vst v63  }
0xae: {  	_ =	swait.ge [sflag:s17], $0x3200  }
0xaf: {  	[sflag:s17] =	ssyncset.done $0x0  }
0xb0: {  	s23 =	rddreg [dreg:$0x1f];
	[sflag:s17] =	ssyncadd.s32 $0xFFFFCE00  }
0xb1: {  	[spmem:s3] =	stream.indirect.scatter.add.f32 [tilespmem:s11], [sflag:$0x4], $0x80, s23, s14, $0xb8;
	[tilespmem:$0x1EC80] =	vst v63  }
0xb2: {  	_ =	swait.ge [sflag:s18], $0x3200  }
0xb3: {  	[sflag:s18] =	ssyncset.done $0x0  }
0xb4: {  	s24 =	simm.s32 $0x780;
	[sflag:s18] =	ssyncadd.s32 $0xFFFFCE00  }
0xb5: {  	[tilespmem:s11], [sflag:$0x1] =	stream.indirect.gather [hbm4b:s2+s14], $0x80, s24, s14, $0xb8;
	[tilespmem:$0x1EC80] =	vst v63  }
0xb6: {  	_ =	swait.ge [sflag:s19], $0x3200  }
0xb7: {  	[sflag:s19] =	ssyncset.done $0x0  }
0xb8: {  	s23 =	simm.s32 $0x1280;
	[sflag:s19] =	ssyncadd.s32 $0xFFFFCE00  }
0xb9: {  	[spmem:s3] =	stream.indirect.scatter.add.f32 [tilespmem:s15], [sflag:$0x5], $0x80, s23, s14, $0xb8;
	[tilespmem:$0x1EC80] =	vst v63  }
0xba: {  	_ =	swait.ge [sflag:s6], $0x3200  }
0xbb: {  	[sflag:s6] =	ssyncset.done $0x0  }
0xbc: {  	s24 =	simm.s32 $0x800;
	[sflag:s6] =	ssyncadd.s32 $0xFFFFCE00  }
0xbd: {  	[tilespmem:s15], [sflag:$0x2] =	stream.indirect.gather [hbm4b:s2+s14], $0x80, s24, s14, $0xb8;
	[tilespmem:$0x1EC80] =	vst v63  }
0xbe: {  	_ =	swait.ge [sflag:s20], $0x3200  }
0xbf: {  	[sflag:s20] =	ssyncset.done $0x0  }
0xc0: {  	[sflag:s20] =	ssyncadd.s32 $0xFFFFCE00  }
0xc1: {  	[spmem:s3] =	stream.indirect.scatter.add.f32 [tilespmem:s16], [sflag:$0x6], $0x80, s25, s14, $0xb8;
	[tilespmem:$0x1EC80] =	vst v63  }
0xc2: {  	_ =	swait.ge [sflag:s21], $0x3200  }
0xc3: {  	[sflag:s21] =	ssyncset.done $0x0  }
0xc4: {  	[sflag:s21] =	ssyncadd.s32 $0xFFFFCE00  }
0xc5: {  	[tilespmem:s16], [sflag:$0x3] =	stream.indirect.gather [hbm4b:s2+s14], $0x80, s26, s14, $0xb8;
	[tilespmem:$0x1EC80] =	vst v63  }
0xc6: {  	_ =	swait.ge [sflag:s17], $0x3200  }
0xc7: {  	[sflag:s17] =	ssyncset.done $0x0  }
0xc8: {  	[sflag:s17] =	ssyncadd.s32 $0xFFFFCE00  }
0xc9: {  	[spmem:s3] =	stream.indirect.scatter.add.f32 [tilespmem:s11], [sflag:$0x4], $0x80, s28, s14, $0xb8;
	[tilespmem:$0x1EC80] =	vst v63  }
0xca: {  	_ =	swait.ge [sflag:s18], $0x3200  }
0xcb: {  	[sflag:s18] =	ssyncset.done $0x0  }
0xcc: {  	[sflag:s18] =	ssyncadd.s32 $0xFFFFCE00  }
0xcd: {  	[tilespmem:s11], [sflag:$0x1] =	stream.indirect.gather [hbm4b:s2+s14], $0x80, s29, s14, $0xb8;
	[tilespmem:$0x1EC80] =	vst v63  }
0xce: {  	_ =	swait.ge [sflag:s19], $0x3200  }
0xcf: {  	[sflag:s19] =	ssyncset.done $0x0  }
0xd0: {  	[sflag:s19] =	ssyncadd.s32 $0xFFFFCE00  }
0xd1: {  	[spmem:s3] =	stream.indirect.scatter.add.f32 [tilespmem:s15], [sflag:$0x5], $0x80, s30, s14, $0xb8;
	[tilespmem:$0x1EC80] =	vst v63  }
0xd2: {  	_ =	swait.ge [sflag:s6], $0x3200  }
0xd3: {  	[sflag:s6] =	ssyncset.done $0x0  }
0xd4: {  	[sflag:s6] =	ssyncadd.s32 $0xFFFFCE00  }
0xd5: {  	[tilespmem:s15], [sflag:$0x2] =	stream.indirect.gather [hbm4b:s2+s14], $0x80, s31, s14, $0xb8;
	[tilespmem:$0x1EC80] =	vst v63  }
0xd6: {  	_ =	swait.ge [sflag:s20], $0x3200  }
0xd7: {  	[sflag:s20] =	ssyncset.done $0x0  }
0xd8: {  	[sflag:s20] =	ssyncadd.s32 $0xFFFFCE00  }
0xd9: {  	[spmem:s3] =	stream.indirect.scatter.add.f32 [tilespmem:s16], [sflag:$0x6], $0x80, s1, s14, $0xb8;
	[tilespmem:$0x1EC80] =	vst v63  }
0xda: {  	_ =	swait.ge [sflag:s21], $0x3200  }
0xdb: {  	[sflag:s21] =	ssyncset.done $0x0  }
0xdc: {  	[sflag:s21] =	ssyncadd.s32 $0xFFFFCE00  }
0xdd: {  	_ =	swait.ge [sflag:s17], $0x3200  }
0xde: {  	[sflag:s17] =	ssyncset.done $0x0  }
0xdf: {  	[sflag:s17] =	ssyncadd.s32 $0xFFFFCE00  }
0xe0: {  	[spmem:s3] =	stream.indirect.scatter.add.f32 [tilespmem:s11], [sflag:$0x4], $0x80, s0, s14, $0xb8;
	[tilespmem:$0x1EC80] =	vst v63  }
0xe1: {  	_ =	swait.ge [sflag:s18], $0x3200  }
0xe2: {  	[sflag:s18] =	ssyncset.done $0x0  }
0xe3: {  	[sflag:s18] =	ssyncadd.s32 $0xFFFFCE00  }
0xe4: {  	_ =	swait.ge [sflag:s19], $0x3200  }
0xe5: {  	[sflag:s19] =	ssyncset.done $0x0  }
0xe6: {  	[sflag:s19] =	ssyncadd.s32 $0xFFFFCE00  }
0xe7: {  	[spmem:s3] =	stream.indirect.scatter.add.f32 [tilespmem:s15], [sflag:$0x5], $0x80, s8, s14, $0xb8;
	[tilespmem:$0x1EC80] =	vst v63  }
0xe8: {  	s7 =	simm.s32 $0x180;
	_ =	swait.ge [sflag:s6], $0x3200  }
0xe9: {  	s9 =	simm.s32 $0x300;
	s10 =	rddreg [dreg:$0x5];
	[sflag:s6] =	ssyncset.done $0x0  }
.LBB2_6:
0xea: {  	[sflag:s6] =	ssyncadd.s32 $0xFFFFCE00;
	s10 =	sadd.s32 s7, s10  }
0xeb: {  	[tilespmem:s4], [sflag:$0x7] =	stream.linear.gather [hbm4b:s10+s4], $0xA00, $0x38;
	[tilespmem:$0x1EC80] =	vst v63  }
0xec: {  	_ =	swait.ge [sflag:s12], $0xA00  }
0xed: {  	s10 =	rddreg [dreg:$0x4];
	[sflag:s12] =	ssyncset.done $0x0  }
0xee: {  	[sflag:s12] =	ssyncadd.s32 $0xFFFFF600;
	s10 =	sadd.s32 s7, s10  }
0xef: {  	[tilespmem:s13], [sflag:$0x7] =	stream.linear.gather [hbm4b:s10+s4], $0xA00, $0x38;
	[tilespmem:$0x1EC80] =	vst v63  }
0xf0: {  	_ =	swait.ge [sflag:s12], $0xA00  }
0xf1: {  	[sflag:s12] =	ssyncset.done $0x0  }
0xf2: {  	[sflag:s12] =	ssyncadd.s32 $0xFFFFF600  }
0xf3: {  	[tilespmem:s11], [sflag:$0x1] =	stream.indirect.gather [hbm4b:s2+s14], $0x80, s4, s14, $0xb8;
	[tilespmem:$0x1EC80] =	vst v63  }
0xf4: {  	s22 =	smov.u32 s9;
	s10 =	rddreg [dreg:$0x6]  }
0xf5: {  	[tilespmem:s15], [sflag:$0x2] =	stream.indirect.gather [hbm4b:s2+s14], $0x80, s10, s14, $0xb8;
	[tilespmem:$0x1EC80] =	vst v63  }
0xf6: {  	s7 =	smov.u32 s22;
	s22 =	rddreg [dreg:$0x7]  }
0xf7: {  	[tilespmem:s16], [sflag:$0x3] =	stream.indirect.gather [hbm4b:s2+s14], $0x80, s22, s14, $0xb8;
	[tilespmem:$0x1EC80] =	vst v63  }
0xf8: {  	_ =	swait.ge [sflag:s17], $0x3200  }
0xf9: {  	[sflag:s17] =	ssyncset.done $0x0  }
0xfa: {  	[sflag:s17] =	ssyncadd.s32 $0xFFFFCE00  }
0xfb: {  	[spmem:s3] =	stream.indirect.scatter.add.f32 [tilespmem:s11], [sflag:$0x4], $0x80, s13, s14, $0xb8;
	[tilespmem:$0x1EC80] =	vst v63  }
0xfc: {  	_ =	swait.ge [sflag:s18], $0x3200  }
0xfd: {  	[sflag:s18] =	ssyncset.done $0x0  }
0xfe: {  	s10 =	rddreg [dreg:$0x8];
	[sflag:s18] =	ssyncadd.s32 $0xFFFFCE00  }
0xff: {  	[tilespmem:s11], [sflag:$0x1] =	stream.indirect.gather [hbm4b:s2+s14], $0x80, s10, s14, $0xb8;
	[tilespmem:$0x1EC80] =	vst v63  }
0x100: {  	_ =	swait.ge [sflag:s19], $0x3200  }
0x101: {  	[sflag:s19] =	ssyncset.done $0x0  }
0x102: {  	s10 =	rddreg [dreg:$0x9];
	[sflag:s19] =	ssyncadd.s32 $0xFFFFCE00  }
0x103: {  	[spmem:s3] =	stream.indirect.scatter.add.f32 [tilespmem:s15], [sflag:$0x5], $0x80, s10, s14, $0xb8;
	[tilespmem:$0x1EC80] =	vst v63  }
0x104: {  	_ =	swait.ge [sflag:s6], $0x3200  }
0x105: {  	[sflag:s6] =	ssyncset.done $0x0  }
0x106: {  	s10 =	rddreg [dreg:$0xa];
	[sflag:s6] =	ssyncadd.s32 $0xFFFFCE00  }
0x107: {  	[tilespmem:s15], [sflag:$0x2] =	stream.indirect.gather [hbm4b:s2+s14], $0x80, s10, s14, $0xb8;
	[tilespmem:$0x1EC80] =	vst v63  }
0x108: {  	_ =	swait.ge [sflag:s20], $0x3200  }
0x109: {  	[sflag:s20] =	ssyncset.done $0x0  }
0x10a: {  	s10 =	rddreg [dreg:$0xb];
	[sflag:s20] =	ssyncadd.s32 $0xFFFFCE00  }
0x10b: {  	[spmem:s3] =	stream.indirect.scatter.add.f32 [tilespmem:s16], [sflag:$0x6], $0x80, s10, s14, $0xb8;
	[tilespmem:$0x1EC80] =	vst v63  }
0x10c: {  	_ =	swait.ge [sflag:s21], $0x3200  }
0x10d: {  	[sflag:s21] =	ssyncset.done $0x0  }
0x10e: {  	s10 =	rddreg [dreg:$0xc];
	[sflag:s21] =	ssyncadd.s32 $0xFFFFCE00  }
0x10f: {  	[tilespmem:s16], [sflag:$0x3] =	stream.indirect.gather [hbm4b:s2+s14], $0x80, s10, s14, $0xb8;
	[tilespmem:$0x1EC80] =	vst v63  }
0x110: {  	_ =	swait.ge [sflag:s17], $0x3200  }
0x111: {  	[sflag:s17] =	ssyncset.done $0x0  }
0x112: {  	s10 =	rddreg [dreg:$0xd];
	[sflag:s17] =	ssyncadd.s32 $0xFFFFCE00  }
0x113: {  	[spmem:s3] =	stream.indirect.scatter.add.f32 [tilespmem:s11], [sflag:$0x4], $0x80, s10, s14, $0xb8;
	[tilespmem:$0x1EC80] =	vst v63  }
0x114: {  	_ =	swait.ge [sflag:s18], $0x3200  }
0x115: {  	[sflag:s18] =	ssyncset.done $0x0  }
0x116: {  	s10 =	rddreg [dreg:$0xe];
	[sflag:s18] =	ssyncadd.s32 $0xFFFFCE00  }
0x117: {  	[tilespmem:s11], [sflag:$0x1] =	stream.indirect.gather [hbm4b:s2+s14], $0x80, s10, s14, $0xb8;
	[tilespmem:$0x1EC80] =	vst v63  }
0x118: {  	_ =	swait.ge [sflag:s19], $0x3200  }
0x119: {  	[sflag:s19] =	ssyncset.done $0x0  }
0x11a: {  	s10 =	rddreg [dreg:$0xf];
	[sflag:s19] =	ssyncadd.s32 $0xFFFFCE00  }
0x11b: {  	[spmem:s3] =	stream.indirect.scatter.add.f32 [tilespmem:s15], [sflag:$0x5], $0x80, s10, s14, $0xb8;
	[tilespmem:$0x1EC80] =	vst v63  }
0x11c: {  	_ =	swait.ge [sflag:s6], $0x3200  }
0x11d: {  	[sflag:s6] =	ssyncset.done $0x0  }
0x11e: {  	s10 =	rddreg [dreg:$0x10];
	[sflag:s6] =	ssyncadd.s32 $0xFFFFCE00  }
0x11f: {  	[tilespmem:s15], [sflag:$0x2] =	stream.indirect.gather [hbm4b:s2+s14], $0x80, s10, s14, $0xb8;
	[tilespmem:$0x1EC80] =	vst v63  }
0x120: {  	_ =	swait.ge [sflag:s20], $0x3200  }
0x121: {  	[sflag:s20] =	ssyncset.done $0x0  }
0x122: {  	s10 =	rddreg [dreg:$0x11];
	[sflag:s20] =	ssyncadd.s32 $0xFFFFCE00  }
0x123: {  	[spmem:s3] =	stream.indirect.scatter.add.f32 [tilespmem:s16], [sflag:$0x6], $0x80, s10, s14, $0xb8;
	[tilespmem:$0x1EC80] =	vst v63  }
0x124: {  	_ =	swait.ge [sflag:s21], $0x3200  }
0x125: {  	[sflag:s21] =	ssyncset.done $0x0  }
0x126: {  	s10 =	rddreg [dreg:$0x12];
	[sflag:s21] =	ssyncadd.s32 $0xFFFFCE00  }
0x127: {  	[tilespmem:s16], [sflag:$0x3] =	stream.indirect.gather [hbm4b:s2+s14], $0x80, s10, s14, $0xb8;
	[tilespmem:$0x1EC80] =	vst v63  }
0x128: {  	_ =	swait.ge [sflag:s17], $0x3200  }
0x129: {  	[sflag:s17] =	ssyncset.done $0x0  }
0x12a: {  	s10 =	rddreg [dreg:$0x13];
	[sflag:s17] =	ssyncadd.s32 $0xFFFFCE00  }
0x12b: {  	[spmem:s3] =	stream.indirect.scatter.add.f32 [tilespmem:s11], [sflag:$0x4], $0x80, s10, s14, $0xb8;
	[tilespmem:$0x1EC80] =	vst v63  }
0x12c: {  	_ =	swait.ge [sflag:s18], $0x3200  }
0x12d: {  	[sflag:s18] =	ssyncset.done $0x0  }
0x12e: {  	s10 =	rddreg [dreg:$0x14];
	[sflag:s18] =	ssyncadd.s32 $0xFFFFCE00  }
0x12f: {  	[tilespmem:s11], [sflag:$0x1] =	stream.indirect.gather [hbm4b:s2+s14], $0x80, s10, s14, $0xb8;
	[tilespmem:$0x1EC80] =	vst v63  }
0x130: {  	_ =	swait.ge [sflag:s19], $0x3200  }
0x131: {  	[sflag:s19] =	ssyncset.done $0x0  }
0x132: {  	s10 =	rddreg [dreg:$0x15];
	[sflag:s19] =	ssyncadd.s32 $0xFFFFCE00  }
0x133: {  	[spmem:s3] =	stream.indirect.scatter.add.f32 [tilespmem:s15], [sflag:$0x5], $0x80, s10, s14, $0xb8;
	[tilespmem:$0x1EC80] =	vst v63  }
0x134: {  	_ =	swait.ge [sflag:s6], $0x3200  }
0x135: {  	[sflag:s6] =	ssyncset.done $0x0  }
0x136: {  	s10 =	rddreg [dreg:$0x16];
	[sflag:s6] =	ssyncadd.s32 $0xFFFFCE00  }
0x137: {  	[tilespmem:s15], [sflag:$0x2] =	stream.indirect.gather [hbm4b:s2+s14], $0x80, s10, s14, $0xb8;
	[tilespmem:$0x1EC80] =	vst v63  }
0x138: {  	_ =	swait.ge [sflag:s20], $0x3200  }
0x139: {  	[sflag:s20] =	ssyncset.done $0x0  }
0x13a: {  	s10 =	rddreg [dreg:$0x17];
	[sflag:s20] =	ssyncadd.s32 $0xFFFFCE00  }
0x13b: {  	[spmem:s3] =	stream.indirect.scatter.add.f32 [tilespmem:s16], [sflag:$0x6], $0x80, s10, s14, $0xb8;
	[tilespmem:$0x1EC80] =	vst v63  }
0x13c: {  	_ =	swait.ge [sflag:s21], $0x3200  }
0x13d: {  	[sflag:s21] =	ssyncset.done $0x0  }
0x13e: {  	s10 =	rddreg [dreg:$0x18];
	[sflag:s21] =	ssyncadd.s32 $0xFFFFCE00  }
0x13f: {  	[tilespmem:s16], [sflag:$0x3] =	stream.indirect.gather [hbm4b:s2+s14], $0x80, s10, s14, $0xb8;
	[tilespmem:$0x1EC80] =	vst v63  }
0x140: {  	_ =	swait.ge [sflag:s17], $0x3200  }
0x141: {  	[sflag:s17] =	ssyncset.done $0x0  }
0x142: {  	s10 =	rddreg [dreg:$0x19];
	[sflag:s17] =	ssyncadd.s32 $0xFFFFCE00  }
0x143: {  	[spmem:s3] =	stream.indirect.scatter.add.f32 [tilespmem:s11], [sflag:$0x4], $0x80, s10, s14, $0xb8;
	[tilespmem:$0x1EC80] =	vst v63  }
0x144: {  	_ =	swait.ge [sflag:s18], $0x3200  }
0x145: {  	[sflag:s18] =	ssyncset.done $0x0  }
0x146: {  	s10 =	rddreg [dreg:$0x1a];
	[sflag:s18] =	ssyncadd.s32 $0xFFFFCE00  }
0x147: {  	[tilespmem:s11], [sflag:$0x1] =	stream.indirect.gather [hbm4b:s2+s14], $0x80, s10, s14, $0xb8;
	[tilespmem:$0x1EC80] =	vst v63  }
0x148: {  	_ =	swait.ge [sflag:s19], $0x3200  }
0x149: {  	[sflag:s19] =	ssyncset.done $0x0  }
0x14a: {  	s10 =	rddreg [dreg:$0x1b];
	[sflag:s19] =	ssyncadd.s32 $0xFFFFCE00  }
0x14b: {  	[spmem:s3] =	stream.indirect.scatter.add.f32 [tilespmem:s15], [sflag:$0x5], $0x80, s10, s14, $0xb8;
	[tilespmem:$0x1EC80] =	vst v63  }
0x14c: {  	_ =	swait.ge [sflag:s6], $0x3200  }
0x14d: {  	[sflag:s6] =	ssyncset.done $0x0  }
0x14e: {  	s10 =	rddreg [dreg:$0x1c];
	[sflag:s6] =	ssyncadd.s32 $0xFFFFCE00  }
0x14f: {  	[tilespmem:s15], [sflag:$0x2] =	stream.indirect.gather [hbm4b:s2+s14], $0x80, s10, s14, $0xb8;
	[tilespmem:$0x1EC80] =	vst v63  }
0x150: {  	_ =	swait.ge [sflag:s20], $0x3200  }
0x151: {  	[sflag:s20] =	ssyncset.done $0x0  }
0x152: {  	s10 =	rddreg [dreg:$0x1d];
	[sflag:s20] =	ssyncadd.s32 $0xFFFFCE00  }
0x153: {  	[spmem:s3] =	stream.indirect.scatter.add.f32 [tilespmem:s16], [sflag:$0x6], $0x80, s10, s14, $0xb8;
	[tilespmem:$0x1EC80] =	vst v63  }
0x154: {  	_ =	swait.ge [sflag:s21], $0x3200  }
0x155: {  	[sflag:s21] =	ssyncset.done $0x0  }
0x156: {  	s10 =	rddreg [dreg:$0x1e];
	[sflag:s21] =	ssyncadd.s32 $0xFFFFCE00  }
0x157: {  	[tilespmem:s16], [sflag:$0x3] =	stream.indirect.gather [hbm4b:s2+s14], $0x80, s10, s14, $0xb8;
	[tilespmem:$0x1EC80] =	vst v63  }
0x158: {  	_ =	swait.ge [sflag:s17], $0x3200  }
0x159: {  	[sflag:s17] =	ssyncset.done $0x0  }
0x15a: {  	s10 =	rddreg [dreg:$0x1f];
	[sflag:s17] =	ssyncadd.s32 $0xFFFFCE00  }
0x15b: {  	[spmem:s3] =	stream.indirect.scatter.add.f32 [tilespmem:s11], [sflag:$0x4], $0x80, s10, s14, $0xb8;
	[tilespmem:$0x1EC80] =	vst v63  }
0x15c: {  	_ =	swait.ge [sflag:s18], $0x3200  }
0x15d: {  	[sflag:s18] =	ssyncset.done $0x0  }
0x15e: {  	s22 =	simm.s32 $0x780;
	[sflag:s18] =	ssyncadd.s32 $0xFFFFCE00  }
0x15f: {  	[tilespmem:s11], [sflag:$0x1] =	stream.indirect.gather [hbm4b:s2+s14], $0x80, s22, s14, $0xb8;
	[tilespmem:$0x1EC80] =	vst v63  }
0x160: {  	_ =	swait.ge [sflag:s19], $0x3200  }
0x161: {  	[sflag:s19] =	ssyncset.done $0x0  }
0x162: {  	[sflag:s19] =	ssyncadd.s32 $0xFFFFCE00  }
0x163: {  	[spmem:s3] =	stream.indirect.scatter.add.f32 [tilespmem:s15], [sflag:$0x5], $0x80, s23, s14, $0xb8;
	[tilespmem:$0x1EC80] =	vst v63  }
0x164: {  	_ =	swait.ge [sflag:s6], $0x3200  }
0x165: {  	[sflag:s6] =	ssyncset.done $0x0  }
0x166: {  	[sflag:s6] =	ssyncadd.s32 $0xFFFFCE00  }
0x167: {  	[tilespmem:s15], [sflag:$0x2] =	stream.indirect.gather [hbm4b:s2+s14], $0x80, s24, s14, $0xb8;
	[tilespmem:$0x1EC80] =	vst v63  }
0x168: {  	_ =	swait.ge [sflag:s20], $0x3200  }
0x169: {  	[sflag:s20] =	ssyncset.done $0x0  }
0x16a: {  	[sflag:s20] =	ssyncadd.s32 $0xFFFFCE00  }
0x16b: {  	[spmem:s3] =	stream.indirect.scatter.add.f32 [tilespmem:s16], [sflag:$0x6], $0x80, s25, s14, $0xb8;
	[tilespmem:$0x1EC80] =	vst v63  }
0x16c: {  	_ =	swait.ge [sflag:s21], $0x3200  }
0x16d: {  	[sflag:s21] =	ssyncset.done $0x0  }
0x16e: {  	[sflag:s21] =	ssyncadd.s32 $0xFFFFCE00  }
0x16f: {  	[tilespmem:s16], [sflag:$0x3] =	stream.indirect.gather [hbm4b:s2+s14], $0x80, s26, s14, $0xb8;
	[tilespmem:$0x1EC80] =	vst v63  }
0x170: {  	_ =	swait.ge [sflag:s17], $0x3200  }
0x171: {  	[sflag:s17] =	ssyncset.done $0x0  }
0x172: {  	[sflag:s17] =	ssyncadd.s32 $0xFFFFCE00  }
0x173: {  	[spmem:s3] =	stream.indirect.scatter.add.f32 [tilespmem:s11], [sflag:$0x4], $0x80, s28, s14, $0xb8;
	[tilespmem:$0x1EC80] =	vst v63  }
0x174: {  	_ =	swait.ge [sflag:s18], $0x3200  }
0x175: {  	[sflag:s18] =	ssyncset.done $0x0  }
0x176: {  	[sflag:s18] =	ssyncadd.s32 $0xFFFFCE00  }
0x177: {  	[tilespmem:s11], [sflag:$0x1] =	stream.indirect.gather [hbm4b:s2+s14], $0x80, s29, s14, $0xb8;
	[tilespmem:$0x1EC80] =	vst v63  }
0x178: {  	_ =	swait.ge [sflag:s19], $0x3200  }
0x179: {  	[sflag:s19] =	ssyncset.done $0x0  }
0x17a: {  	[sflag:s19] =	ssyncadd.s32 $0xFFFFCE00  }
0x17b: {  	[spmem:s3] =	stream.indirect.scatter.add.f32 [tilespmem:s15], [sflag:$0x5], $0x80, s30, s14, $0xb8;
	[tilespmem:$0x1EC80] =	vst v63  }
0x17c: {  	_ =	swait.ge [sflag:s6], $0x3200  }
0x17d: {  	[sflag:s6] =	ssyncset.done $0x0  }
0x17e: {  	[sflag:s6] =	ssyncadd.s32 $0xFFFFCE00  }
0x17f: {  	[tilespmem:s15], [sflag:$0x2] =	stream.indirect.gather [hbm4b:s2+s14], $0x80, s31, s14, $0xb8;
	[tilespmem:$0x1EC80] =	vst v63  }
0x180: {  	_ =	swait.ge [sflag:s20], $0x3200  }
0x181: {  	[sflag:s20] =	ssyncset.done $0x0  }
0x182: {  	[sflag:s20] =	ssyncadd.s32 $0xFFFFCE00  }
0x183: {  	[spmem:s3] =	stream.indirect.scatter.add.f32 [tilespmem:s16], [sflag:$0x6], $0x80, s1, s14, $0xb8;
	[tilespmem:$0x1EC80] =	vst v63  }
0x184: {  	_ =	swait.ge [sflag:s21], $0x3200  }
0x185: {  	[sflag:s21] =	ssyncset.done $0x0  }
0x186: {  	[sflag:s21] =	ssyncadd.s32 $0xFFFFCE00  }
0x187: {  	_ =	swait.ge [sflag:s17], $0x3200  }
0x188: {  	[sflag:s17] =	ssyncset.done $0x0  }
0x189: {  	[sflag:s17] =	ssyncadd.s32 $0xFFFFCE00  }
0x18a: {  	[spmem:s3] =	stream.indirect.scatter.add.f32 [tilespmem:s11], [sflag:$0x4], $0x80, s0, s14, $0xb8;
	[tilespmem:$0x1EC80] =	vst v63  }
0x18b: {  	_ =	swait.ge [sflag:s18], $0x3200  }
0x18c: {  	[sflag:s18] =	ssyncset.done $0x0  }
0x18d: {  	[sflag:s18] =	ssyncadd.s32 $0xFFFFCE00  }
0x18e: {  	p1 =	sne.s32 s9, $0x600;
	_ =	swait.ge [sflag:s19], $0x3200  }
.Ltmp3:
0x18f: {  	[sflag:s19] =	ssyncset.done $0x0;
	(pc) =	sbr.rel @p1 .LBB2_6-.Ltmp3, $4  }
0x190: {  	[sflag:s19] =	ssyncadd.s32 $0xFFFFCE00  }
0x191: {  	[spmem:s3] =	stream.indirect.scatter.add.f32 [tilespmem:s15], [sflag:$0x5], $0x80, s8, s14, $0xb8;
	[tilespmem:$0x1EC80] =	vst v63  }
0x192: {  	_ =	swait.ge [sflag:s6], $0x3200  }
0x193: {  	s9 =	sadd.s32 $0x180, s9;
	s10 =	rddreg [dreg:$0x5];
	[sflag:s6] =	ssyncset.done $0x0  }
0x194: {  	[sflag:s6] =	ssyncadd.s32 $0xFFFFCE00;
	s9 =	sadd.s32 s7, s10  }
0x195: {  	[tilespmem:s4], [sflag:$0x7] =	stream.linear.gather [hbm4b:s9+s4], $0xA00, $0x38;
	[tilespmem:$0x1EC80] =	vst v63  }
0x196: {  	_ =	swait.ge [sflag:s12], $0xA00  }
0x197: {  	s10 =	rddreg [dreg:$0x4];
	[sflag:s12] =	ssyncset.done $0x0  }
0x198: {  	[sflag:s12] =	ssyncadd.s32 $0xFFFFF600;
	s10 =	sadd.s32 s7, s10  }
0x199: {  	[tilespmem:s13], [sflag:$0x7] =	stream.linear.gather [hbm4b:s10+s4], $0xA00, $0x38;
	[tilespmem:$0x1EC80] =	vst v63  }
0x19a: {  	_ =	swait.ge [sflag:s12], $0xA00  }
0x19b: {  	[sflag:s12] =	ssyncset.done $0x0  }
0x19c: {  	[sflag:s12] =	ssyncadd.s32 $0xFFFFF600  }
0x19d: {  	[tilespmem:s11], [sflag:$0x1] =	stream.indirect.gather [hbm4b:s2+s14], $0x80, s4, s14, $0xb8;
	[tilespmem:$0x1EC80] =	vst v63  }
0x19e: {  	s9 =	rddreg [dreg:$0x6]  }
0x19f: {  	[tilespmem:s15], [sflag:$0x2] =	stream.indirect.gather [hbm4b:s2+s14], $0x80, s9, s14, $0xb8;
	[tilespmem:$0x1EC80] =	vst v63  }
0x1a0: {  	s10 =	rddreg [dreg:$0x7]  }
0x1a1: {  	[tilespmem:s16], [sflag:$0x3] =	stream.indirect.gather [hbm4b:s2+s14], $0x80, s10, s14, $0xb8;
	[tilespmem:$0x1EC80] =	vst v63  }
0x1a2: {  	_ =	swait.ge [sflag:s17], $0x3200  }
0x1a3: {  	[sflag:s17] =	ssyncset.done $0x0  }
0x1a4: {  	[sflag:s17] =	ssyncadd.s32 $0xFFFFCE00  }
0x1a5: {  	[spmem:s3] =	stream.indirect.scatter.add.f32 [tilespmem:s11], [sflag:$0x4], $0x80, s13, s14, $0xb8;
	[tilespmem:$0x1EC80] =	vst v63  }
0x1a6: {  	_ =	swait.ge [sflag:s18], $0x3200  }
0x1a7: {  	[sflag:s18] =	ssyncset.done $0x0  }
0x1a8: {  	s9 =	rddreg [dreg:$0x8];
	[sflag:s18] =	ssyncadd.s32 $0xFFFFCE00  }
0x1a9: {  	[tilespmem:s11], [sflag:$0x1] =	stream.indirect.gather [hbm4b:s2+s14], $0x80, s9, s14, $0xb8;
	[tilespmem:$0x1EC80] =	vst v63  }
0x1aa: {  	_ =	swait.ge [sflag:s19], $0x3200  }
0x1ab: {  	[sflag:s19] =	ssyncset.done $0x0  }
0x1ac: {  	s10 =	rddreg [dreg:$0x9];
	[sflag:s19] =	ssyncadd.s32 $0xFFFFCE00  }
0x1ad: {  	[spmem:s3] =	stream.indirect.scatter.add.f32 [tilespmem:s15], [sflag:$0x5], $0x80, s10, s14, $0xb8;
	[tilespmem:$0x1EC80] =	vst v63  }
0x1ae: {  	_ =	swait.ge [sflag:s6], $0x3200  }
0x1af: {  	[sflag:s6] =	ssyncset.done $0x0  }
0x1b0: {  	s9 =	rddreg [dreg:$0xa];
	[sflag:s6] =	ssyncadd.s32 $0xFFFFCE00  }
0x1b1: {  	[tilespmem:s15], [sflag:$0x2] =	stream.indirect.gather [hbm4b:s2+s14], $0x80, s9, s14, $0xb8;
	[tilespmem:$0x1EC80] =	vst v63  }
0x1b2: {  	_ =	swait.ge [sflag:s20], $0x3200  }
0x1b3: {  	[sflag:s20] =	ssyncset.done $0x0  }
0x1b4: {  	s10 =	rddreg [dreg:$0xb];
	[sflag:s20] =	ssyncadd.s32 $0xFFFFCE00  }
0x1b5: {  	[spmem:s3] =	stream.indirect.scatter.add.f32 [tilespmem:s16], [sflag:$0x6], $0x80, s10, s14, $0xb8;
	[tilespmem:$0x1EC80] =	vst v63  }
0x1b6: {  	_ =	swait.ge [sflag:s21], $0x3200  }
0x1b7: {  	[sflag:s21] =	ssyncset.done $0x0  }
0x1b8: {  	s9 =	rddreg [dreg:$0xc];
	[sflag:s21] =	ssyncadd.s32 $0xFFFFCE00  }
0x1b9: {  	[tilespmem:s16], [sflag:$0x3] =	stream.indirect.gather [hbm4b:s2+s14], $0x80, s9, s14, $0xb8;
	[tilespmem:$0x1EC80] =	vst v63  }
0x1ba: {  	_ =	swait.ge [sflag:s17], $0x3200  }
0x1bb: {  	[sflag:s17] =	ssyncset.done $0x0  }
0x1bc: {  	s10 =	rddreg [dreg:$0xd];
	[sflag:s17] =	ssyncadd.s32 $0xFFFFCE00  }
0x1bd: {  	[spmem:s3] =	stream.indirect.scatter.add.f32 [tilespmem:s11], [sflag:$0x4], $0x80, s10, s14, $0xb8;
	[tilespmem:$0x1EC80] =	vst v63  }
0x1be: {  	_ =	swait.ge [sflag:s18], $0x3200  }
0x1bf: {  	[sflag:s18] =	ssyncset.done $0x0  }
0x1c0: {  	s9 =	rddreg [dreg:$0xe];
	[sflag:s18] =	ssyncadd.s32 $0xFFFFCE00  }
0x1c1: {  	[tilespmem:s11], [sflag:$0x1] =	stream.indirect.gather [hbm4b:s2+s14], $0x80, s9, s14, $0xb8;
	[tilespmem:$0x1EC80] =	vst v63  }
0x1c2: {  	_ =	swait.ge [sflag:s19], $0x3200  }
0x1c3: {  	[sflag:s19] =	ssyncset.done $0x0  }
0x1c4: {  	s10 =	rddreg [dreg:$0xf];
	[sflag:s19] =	ssyncadd.s32 $0xFFFFCE00  }
0x1c5: {  	[spmem:s3] =	stream.indirect.scatter.add.f32 [tilespmem:s15], [sflag:$0x5], $0x80, s10, s14, $0xb8;
	[tilespmem:$0x1EC80] =	vst v63  }
0x1c6: {  	_ =	swait.ge [sflag:s6], $0x3200  }
0x1c7: {  	[sflag:s6] =	ssyncset.done $0x0  }
0x1c8: {  	s9 =	rddreg [dreg:$0x10];
	[sflag:s6] =	ssyncadd.s32 $0xFFFFCE00  }
0x1c9: {  	[tilespmem:s15], [sflag:$0x2] =	stream.indirect.gather [hbm4b:s2+s14], $0x80, s9, s14, $0xb8;
	[tilespmem:$0x1EC80] =	vst v63  }
0x1ca: {  	_ =	swait.ge [sflag:s20], $0x3200  }
0x1cb: {  	[sflag:s20] =	ssyncset.done $0x0  }
0x1cc: {  	s10 =	rddreg [dreg:$0x11];
	[sflag:s20] =	ssyncadd.s32 $0xFFFFCE00  }
0x1cd: {  	[spmem:s3] =	stream.indirect.scatter.add.f32 [tilespmem:s16], [sflag:$0x6], $0x80, s10, s14, $0xb8;
	[tilespmem:$0x1EC80] =	vst v63  }
0x1ce: {  	_ =	swait.ge [sflag:s21], $0x3200  }
0x1cf: {  	[sflag:s21] =	ssyncset.done $0x0  }
0x1d0: {  	s9 =	rddreg [dreg:$0x12];
	[sflag:s21] =	ssyncadd.s32 $0xFFFFCE00  }
0x1d1: {  	[tilespmem:s16], [sflag:$0x3] =	stream.indirect.gather [hbm4b:s2+s14], $0x80, s9, s14, $0xb8;
	[tilespmem:$0x1EC80] =	vst v63  }
0x1d2: {  	_ =	swait.ge [sflag:s17], $0x3200  }
0x1d3: {  	[sflag:s17] =	ssyncset.done $0x0  }
0x1d4: {  	s10 =	rddreg [dreg:$0x13];
	[sflag:s17] =	ssyncadd.s32 $0xFFFFCE00  }
0x1d5: {  	[spmem:s3] =	stream.indirect.scatter.add.f32 [tilespmem:s11], [sflag:$0x4], $0x80, s10, s14, $0xb8;
	[tilespmem:$0x1EC80] =	vst v63  }
0x1d6: {  	_ =	swait.ge [sflag:s18], $0x3200  }
0x1d7: {  	[sflag:s18] =	ssyncset.done $0x0  }
0x1d8: {  	s9 =	rddreg [dreg:$0x14];
	[sflag:s18] =	ssyncadd.s32 $0xFFFFCE00  }
0x1d9: {  	[tilespmem:s11], [sflag:$0x1] =	stream.indirect.gather [hbm4b:s2+s14], $0x80, s9, s14, $0xb8;
	[tilespmem:$0x1EC80] =	vst v63  }
0x1da: {  	_ =	swait.ge [sflag:s19], $0x3200  }
0x1db: {  	[sflag:s19] =	ssyncset.done $0x0  }
0x1dc: {  	s10 =	rddreg [dreg:$0x15];
	[sflag:s19] =	ssyncadd.s32 $0xFFFFCE00  }
0x1dd: {  	[spmem:s3] =	stream.indirect.scatter.add.f32 [tilespmem:s15], [sflag:$0x5], $0x80, s10, s14, $0xb8;
	[tilespmem:$0x1EC80] =	vst v63  }
0x1de: {  	_ =	swait.ge [sflag:s6], $0x3200  }
0x1df: {  	[sflag:s6] =	ssyncset.done $0x0  }
0x1e0: {  	s9 =	rddreg [dreg:$0x16];
	[sflag:s6] =	ssyncadd.s32 $0xFFFFCE00  }
0x1e1: {  	[tilespmem:s15], [sflag:$0x2] =	stream.indirect.gather [hbm4b:s2+s14], $0x80, s9, s14, $0xb8;
	[tilespmem:$0x1EC80] =	vst v63  }
0x1e2: {  	_ =	swait.ge [sflag:s20], $0x3200  }
0x1e3: {  	[sflag:s20] =	ssyncset.done $0x0  }
0x1e4: {  	s10 =	rddreg [dreg:$0x17];
	[sflag:s20] =	ssyncadd.s32 $0xFFFFCE00  }
0x1e5: {  	[spmem:s3] =	stream.indirect.scatter.add.f32 [tilespmem:s16], [sflag:$0x6], $0x80, s10, s14, $0xb8;
	[tilespmem:$0x1EC80] =	vst v63  }
0x1e6: {  	_ =	swait.ge [sflag:s21], $0x3200  }
0x1e7: {  	[sflag:s21] =	ssyncset.done $0x0  }
0x1e8: {  	s9 =	rddreg [dreg:$0x18];
	[sflag:s21] =	ssyncadd.s32 $0xFFFFCE00  }
0x1e9: {  	[tilespmem:s16], [sflag:$0x3] =	stream.indirect.gather [hbm4b:s2+s14], $0x80, s9, s14, $0xb8;
	[tilespmem:$0x1EC80] =	vst v63  }
0x1ea: {  	_ =	swait.ge [sflag:s17], $0x3200  }
0x1eb: {  	[sflag:s17] =	ssyncset.done $0x0  }
0x1ec: {  	s10 =	rddreg [dreg:$0x19];
	[sflag:s17] =	ssyncadd.s32 $0xFFFFCE00  }
0x1ed: {  	[spmem:s3] =	stream.indirect.scatter.add.f32 [tilespmem:s11], [sflag:$0x4], $0x80, s10, s14, $0xb8;
	[tilespmem:$0x1EC80] =	vst v63  }
0x1ee: {  	_ =	swait.ge [sflag:s18], $0x3200  }
0x1ef: {  	[sflag:s18] =	ssyncset.done $0x0  }
0x1f0: {  	s9 =	rddreg [dreg:$0x1a];
	[sflag:s18] =	ssyncadd.s32 $0xFFFFCE00  }
0x1f1: {  	[tilespmem:s11], [sflag:$0x1] =	stream.indirect.gather [hbm4b:s2+s14], $0x80, s9, s14, $0xb8;
	[tilespmem:$0x1EC80] =	vst v63  }
0x1f2: {  	_ =	swait.ge [sflag:s19], $0x3200  }
0x1f3: {  	[sflag:s19] =	ssyncset.done $0x0  }
0x1f4: {  	s10 =	rddreg [dreg:$0x1b];
	[sflag:s19] =	ssyncadd.s32 $0xFFFFCE00  }
0x1f5: {  	[spmem:s3] =	stream.indirect.scatter.add.f32 [tilespmem:s15], [sflag:$0x5], $0x80, s10, s14, $0xb8;
	[tilespmem:$0x1EC80] =	vst v63  }
0x1f6: {  	_ =	swait.ge [sflag:s6], $0x3200  }
0x1f7: {  	[sflag:s6] =	ssyncset.done $0x0  }
0x1f8: {  	s9 =	rddreg [dreg:$0x1c];
	[sflag:s6] =	ssyncadd.s32 $0xFFFFCE00  }
0x1f9: {  	[tilespmem:s15], [sflag:$0x2] =	stream.indirect.gather [hbm4b:s2+s14], $0x80, s9, s14, $0xb8;
	[tilespmem:$0x1EC80] =	vst v63  }
0x1fa: {  	_ =	swait.ge [sflag:s20], $0x3200  }
0x1fb: {  	[sflag:s20] =	ssyncset.done $0x0  }
0x1fc: {  	s10 =	rddreg [dreg:$0x1d];
	[sflag:s20] =	ssyncadd.s32 $0xFFFFCE00  }
0x1fd: {  	[spmem:s3] =	stream.indirect.scatter.add.f32 [tilespmem:s16], [sflag:$0x6], $0x80, s10, s14, $0xb8;
	[tilespmem:$0x1EC80] =	vst v63  }
0x1fe: {  	_ =	swait.ge [sflag:s21], $0x3200  }
0x1ff: {  	[sflag:s21] =	ssyncset.done $0x0  }
0x200: {  	s9 =	rddreg [dreg:$0x1e];
	[sflag:s21] =	ssyncadd.s32 $0xFFFFCE00  }
0x201: {  	[tilespmem:s16], [sflag:$0x3] =	stream.indirect.gather [hbm4b:s2+s14], $0x80, s9, s14, $0xb8;
	[tilespmem:$0x1EC80] =	vst v63  }
0x202: {  	_ =	swait.ge [sflag:s17], $0x3200  }
0x203: {  	[sflag:s17] =	ssyncset.done $0x0  }
0x204: {  	s10 =	rddreg [dreg:$0x1f];
	[sflag:s17] =	ssyncadd.s32 $0xFFFFCE00  }
0x205: {  	[spmem:s3] =	stream.indirect.scatter.add.f32 [tilespmem:s11], [sflag:$0x4], $0x80, s10, s14, $0xb8;
	[tilespmem:$0x1EC80] =	vst v63  }
0x206: {  	_ =	swait.ge [sflag:s18], $0x3200  }
0x207: {  	[sflag:s18] =	ssyncset.done $0x0  }
0x208: {  	[sflag:s18] =	ssyncadd.s32 $0xFFFFCE00  }
0x209: {  	[tilespmem:s11], [sflag:$0x1] =	stream.indirect.gather [hbm4b:s2+s14], $0x80, s22, s14, $0xb8;
	[tilespmem:$0x1EC80] =	vst v63  }
0x20a: {  	_ =	swait.ge [sflag:s19], $0x3200  }
0x20b: {  	[sflag:s19] =	ssyncset.done $0x0  }
0x20c: {  	[sflag:s19] =	ssyncadd.s32 $0xFFFFCE00  }
0x20d: {  	[spmem:s3] =	stream.indirect.scatter.add.f32 [tilespmem:s15], [sflag:$0x5], $0x80, s23, s14, $0xb8;
	[tilespmem:$0x1EC80] =	vst v63  }
0x20e: {  	_ =	swait.ge [sflag:s6], $0x3200  }
0x20f: {  	[sflag:s6] =	ssyncset.done $0x0  }
0x210: {  	[sflag:s6] =	ssyncadd.s32 $0xFFFFCE00  }
0x211: {  	[tilespmem:s15], [sflag:$0x2] =	stream.indirect.gather [hbm4b:s2+s14], $0x80, s24, s14, $0xb8;
	[tilespmem:$0x1EC80] =	vst v63  }
0x212: {  	_ =	swait.ge [sflag:s20], $0x3200  }
0x213: {  	[sflag:s20] =	ssyncset.done $0x0  }
0x214: {  	[sflag:s20] =	ssyncadd.s32 $0xFFFFCE00  }
0x215: {  	[spmem:s3] =	stream.indirect.scatter.add.f32 [tilespmem:s16], [sflag:$0x6], $0x80, s25, s14, $0xb8;
	[tilespmem:$0x1EC80] =	vst v63  }
0x216: {  	_ =	swait.ge [sflag:s21], $0x3200  }
0x217: {  	[sflag:s21] =	ssyncset.done $0x0  }
0x218: {  	[sflag:s21] =	ssyncadd.s32 $0xFFFFCE00  }
0x219: {  	[tilespmem:s16], [sflag:$0x3] =	stream.indirect.gather [hbm4b:s2+s14], $0x80, s26, s14, $0xb8;
	[tilespmem:$0x1EC80] =	vst v63  }
0x21a: {  	_ =	swait.ge [sflag:s17], $0x3200  }
0x21b: {  	[sflag:s17] =	ssyncset.done $0x0  }
0x21c: {  	[sflag:s17] =	ssyncadd.s32 $0xFFFFCE00  }
0x21d: {  	[spmem:s3] =	stream.indirect.scatter.add.f32 [tilespmem:s11], [sflag:$0x4], $0x80, s28, s14, $0xb8;
	[tilespmem:$0x1EC80] =	vst v63  }
0x21e: {  	_ =	swait.ge [sflag:s18], $0x3200  }
0x21f: {  	[sflag:s18] =	ssyncset.done $0x0  }
0x220: {  	[sflag:s18] =	ssyncadd.s32 $0xFFFFCE00  }
0x221: {  	[tilespmem:s11], [sflag:$0x1] =	stream.indirect.gather [hbm4b:s2+s14], $0x80, s29, s14, $0xb8;
	[tilespmem:$0x1EC80] =	vst v63  }
0x222: {  	_ =	swait.ge [sflag:s19], $0x3200  }
0x223: {  	[sflag:s19] =	ssyncset.done $0x0  }
0x224: {  	[sflag:s19] =	ssyncadd.s32 $0xFFFFCE00  }
0x225: {  	[spmem:s3] =	stream.indirect.scatter.add.f32 [tilespmem:s15], [sflag:$0x5], $0x80, s30, s14, $0xb8;
	[tilespmem:$0x1EC80] =	vst v63  }
0x226: {  	_ =	swait.ge [sflag:s6], $0x3200  }
0x227: {  	[sflag:s6] =	ssyncset.done $0x0  }
0x228: {  	[sflag:s6] =	ssyncadd.s32 $0xFFFFCE00  }
0x229: {  	[tilespmem:s15], [sflag:$0x2] =	stream.indirect.gather [hbm4b:s2+s14], $0x80, s31, s14, $0xb8;
	[tilespmem:$0x1EC80] =	vst v63  }
0x22a: {  	_ =	swait.ge [sflag:s20], $0x3200  }
0x22b: {  	[sflag:s20] =	ssyncset.done $0x0  }
0x22c: {  	[sflag:s20] =	ssyncadd.s32 $0xFFFFCE00  }
0x22d: {  	[spmem:s3] =	stream.indirect.scatter.add.f32 [tilespmem:s16], [sflag:$0x6], $0x80, s1, s14, $0xb8;
	[tilespmem:$0x1EC80] =	vst v63  }
0x22e: {  	_ =	swait.ge [sflag:s21], $0x3200  }
0x22f: {  	[sflag:s21] =	ssyncset.done $0x0  }
0x230: {  	[sflag:s21] =	ssyncadd.s32 $0xFFFFCE00  }
0x231: {  	_ =	swait.ge [sflag:s17], $0x3200  }
0x232: {  	[sflag:s17] =	ssyncset.done $0x0  }
0x233: {  	[sflag:s17] =	ssyncadd.s32 $0xFFFFCE00  }
0x234: {  	[spmem:s3] =	stream.indirect.scatter.add.f32 [tilespmem:s11], [sflag:$0x4], $0x80, s0, s14, $0xb8;
	[tilespmem:$0x1EC80] =	vst v63  }
0x235: {  	_ =	swait.ge [sflag:s18], $0x3200  }
0x236: {  	[sflag:s18] =	ssyncset.done $0x0  }
0x237: {  	[sflag:s18] =	ssyncadd.s32 $0xFFFFCE00  }
0x238: {  	_ =	swait.ge [sflag:s19], $0x3200  }
0x239: {  	[sflag:s19] =	ssyncset.done $0x0  }
0x23a: {  	[sflag:s19] =	ssyncadd.s32 $0xFFFFCE00  }
0x23b: {  	[spmem:s3] =	stream.indirect.scatter.add.f32 [tilespmem:s15], [sflag:$0x5], $0x80, s8, s14, $0xb8;
	[tilespmem:$0x1EC80] =	vst v63  }
0x23c: {  	_ =	swait.ge [sflag:s6], $0x3200  }
0x23d: {  	[sflag:s6] =	ssyncset.done $0x0  }
0x23e: {  	[sflag:s6] =	ssyncadd.s32 $0xFFFFCE00  }
0x23f: {  	[bflag:$0x0] =	sbarrier.arrive $0xFFFF  }
0x240: {  	s22 =	sld [smem:$0x7FB]  }
0x241: {  	s23 =	sld [smem:$0x7FD]  }
0x242: {  	s9 =	stileid.u32  }
0x243: {  	s7 =	sshll.u32 s9, $0x6;
	s10 =	sshrl.u32 s22, $0x3  }
0x244: {  	s7 =	sor.u32 $0x1C07, s7;
	s24 =	sshrl.u32 s23, $0x3;
	s9 =	sadd.s32 s5, s10  }
0x245: {  	[hbm:s9], [sflag:s7] =	dma.local [spmem:s24], $0x500  }
.Ltmp4:
0x246: {  	_ = 	snop;
	(pc) =	sbr.rel @!p0 .LBB2_9-.Ltmp4, $2  }
0x247: {  	s9 =	sld [smem:$0x7FC];
	_ =	sdelay $0x2  }
0x248: {  	s10 =	sadd.s32 $0x2800, s22;
	s22 =	smov.u32 s23;
	s9 =	sadd.s32 $0xFFFFFFFF, s9  }
.LBB2_8:
0x249: {  	_ =	swait.ge [sflag:s12], $0x500  }
0x24a: {  	s22 =	sadd.s32 $0x2800, s22;
	s23 =	sshrl.u32 s10, $0x3;
	p0 =	sne.s32 s9, $0x1  }
.Ltmp5:
0x24b: {  	s24 =	sshrl.u32 s22, $0x3;
	[sflag:s12] =	ssyncset.done $0x0;
	(pc) =	sbr.rel @p0 .LBB2_8-.Ltmp5, $4  }
0x24c: {  	s23 =	sadd.s32 s5, s23;
	[sflag:s12] =	ssyncadd.s32 $0xFFFFFB00  }
0x24d: {  	[hbm:s23], [sflag:s7] =	dma.local [spmem:s24], $0x500  }
0x24e: {  	s9 =	sadd.s32 $0xFFFFFFFF, s9  }
0x24f: {  	s10 =	sadd.s32 $0x2800, s10  }
.LBB2_9:
0x250: {  	_ =	swait.ge [sflag:s12], $0x500  }
0x251: {  	s9 =	sld [smem:$0x7F9]  }
0x252: {  	s7 =	sld [smem:$0x7FA];
	_ =	sdelay $0x1  }
0x253: {  	s9 =	sadd.s32 $0x1, s9  }
0x254: {  	p0 =	sne.s32 s9, s7  }
.Ltmp6:
0x255: {  	_ = 	snop;
	(pc) =	sbr.rel @p0 .LBB2_1-.Ltmp6, $3  }
0x256: {  	_ =	sdelay $0x1  }
0x257: {  	[sflag:s12] =	ssyncset.done $0x0;
	s23 =	sld [smem:$0x7FC]  }
0x258: {  	s24 =	sld [smem:$0x7FD];
	[sflag:s12] =	ssyncadd.s32 $0xFFFFFB00  }
0x259: {  	_ =	sfence.sel $0x180000  }
0x25a: {  	[bflag:$0x0] =	sbarrier.arrive $0xFFFF  }
0x25b: {  	_ =	strace $0x90000047  }
0x25c: {  	s0 =	stileid.u32;
	[bflag:$0x2] =	sbarrier.arrive $0xFFFF  }
0x25d: {  	p0 =	sne.s32 s0, $0x0;
	s0 =	rddreg [dreg:$0x3]  }
0x25e: {  	s0 =	sadd.s32 @!p0 $0x100000, s0  }
0x25f: {  	[sflag:s0] =	ssyncadd.tile.s32 @!p0 $0x1;
	_ =	shalt  }
.Lfunc_end2:
_tile_overlayer_lowered:
.L_overlay_start_2:
0x260: {  	(tag) =	ssettag $0x2  }
0x261: {  	s0 =	rddreg [dreg:$0x0];
	s2 =	stileid.u32  }
0x262: {  	s1 =	rddreg [dreg:$0x1];
	p0 =	sne.s32 s2, $0x0  }
0x263: {  	s3 =	rddreg [dreg:$0x2];
	[bflag:$0x3] =	sbarrier.arrive $0xFFFF;
	s2 =	simm.s32 @!p0 $0x1C07  }
0x264: {  	[timem:s3], [sflag:s2] =	dma.local @!p0 [hbm:s0], s1  }
0x265: {  	s0 =	simm.s32 @!p0 $0x7  }
0x266: {  	_ =	swait.ge @!p0 [sflag:s0], s1  }
0x267: {  	s1 =	ssub.s32 @!p0 $0x0, s1;
	[sflag:s0] =	ssyncset.done @!p0 $0x0  }
0x268: {  	[sflag:s0] =	ssyncadd.s32 @!p0 s1  }
0x269: {  	[bflag:$0x3] =	sbarrier.arrive $0xFFFF  }
0x26a: {  	_ =	shalt  }

</sc_bundles>
